<compile_context>
chip_gen: v7x
topology: tpu7x:2x2x1
jax: 0.10.2.dev20260603
libtpu: 0.0.44.dev20260713+nightly
codegen_flags: <defaults>
</compile_context>

<pallas_src>
import functools

import jax
import jax.numpy as jnp
from jax import lax
from jax.experimental import pallas as pl
from jax.experimental.pallas import tpu as pltpu
from jax.experimental.pallas import tpu_sc as plsc

B = 64
N = 512
W = 64
NR = 4

NUM_WORKERS = 32
BATCH_PER_WORKER = B // NUM_WORKERS
ROWS = 32
CHUNKS = N // ROWS
TOTAL = BATCH_PER_WORKER * CHUNKS
LANES = 16
NBLK = N // LANES


def _link_body(ww_hbm, pp_hbm, prev_hbm, out_hbm,
               ww_v, pp_v, in0, in1, out0, out1, si0, si1, so0, so1):
    wid = lax.axis_index("s") * 2 + lax.axis_index("c")
    in_bufs, out_bufs = (in0, in1), (out0, out1)
    in_sems, out_sems = (si0, si1), (so0, so1)

    for bi in range(BATCH_PER_WORKER):
        b = wid * BATCH_PER_WORKER + bi
        pltpu.sync_copy(ww_hbm.at[b], ww_v.at[bi])
        pltpu.sync_copy(pp_hbm.at[b], pp_v.at[bi])

    def hbm_base(c):
        bi = c // CHUNKS
        row0 = (c % CHUNKS) * ROWS
        b = wid * BATCH_PER_WORKER + bi
        return b * N + row0

    def in_copy(c, s):
        return pltpu.make_async_copy(
            prev_hbm.at[pl.ds(hbm_base(c), ROWS)], in_bufs[s], in_sems[s])

    def out_copy(c, s):
        return pltpu.make_async_copy(
            out_bufs[s], out_hbm.at[pl.ds(hbm_base(c), ROWS)], out_sems[s])

    def compute(c, s):
        bi = c // CHUNKS
        row0 = (c % CHUNKS) * ROWS
        src, dst = in_bufs[s], out_bufs[s]

        @plsc.parallel_loop(0, ROWS // LANES, step=1)
        def do_rowgroup(rg):
            r0 = rg * LANES
            wwi_vec = ww_v[bi, pl.ds(row0 + r0, LANES)]
            om_vec = 1.0 - wwi_vec
            wwis = [wwi_vec[l] for l in range(LANES)]
            oms = [om_vec[l] for l in range(LANES)]

            @plsc.parallel_loop(0, NBLK, step=1)
            def do_jb(jb):
                sl = pl.ds(jb * LANES, LANES)
                a_blk = ww_v[bi, sl]
                c_blk = pp_v[bi, sl]
                for l in range(LANES):
                    s_ = oms[l] - a_blk
                    dst[r0 + l, sl] = s_ * src[r0 + l, sl] + wwis[l] * c_blk

            dsl = pl.ds(row0 + r0, LANES)
            lane = lax.iota(jnp.int32, LANES)
            for l in range(LANES):
                v = dst[r0 + l, dsl]
                dst[r0 + l, dsl] = jnp.where(lane == l, 0.0, v)

    in_copy(0, 0).start()
    in_copy(1, 1).start()

    def step(g, _):
        for s in range(2):
            c = 2 * g + s
            in_copy(c, s).wait()
            @pl.when(c >= 2)
            def _():
                out_copy(c - 2, s).wait()
            compute(c, s)
            out_copy(c, s).start()

            @pl.when(c + 2 < TOTAL)
            def _():
                in_copy(c + 2, s).start()
        return 0

    lax.fori_loop(0, TOTAL // 2, step, 0)
    out_copy(TOTAL - 2, 0).wait()
    out_copy(TOTAL - 1, 1).wait()


@functools.partial(jax.jit, static_argnums=())
def _link_update(ww, pp, prev_link):
    kern = pl.kernel(
        _link_body,
        out_type=jax.ShapeDtypeStruct((B * N, N), jnp.float32),
        mesh=plsc.VectorSubcoreMesh(core_axis_name="c", subcore_axis_name="s"),
        scratch_types=[
            pltpu.VMEM((BATCH_PER_WORKER, N), jnp.float32),
            pltpu.VMEM((BATCH_PER_WORKER, N), jnp.float32),
            pltpu.VMEM((ROWS, N), jnp.float32),
            pltpu.VMEM((ROWS, N), jnp.float32),
            pltpu.VMEM((ROWS, N), jnp.float32),
            pltpu.VMEM((ROWS, N), jnp.float32),
            pltpu.SemaphoreType.DMA,
            pltpu.SemaphoreType.DMA,
            pltpu.SemaphoreType.DMA,
            pltpu.SemaphoreType.DMA,
        ],
    )
    return kern(ww, pp, prev_link)


def _tc_body(mem_ref, ww_ref, ev_ref, wv_ref, pw_ref, fg_ref, rw_ref, pu_ref,
             mem_out_ref, prec_ref, usage_ref, read_ref):
    mem = mem_ref[...]
    ww = ww_ref[...]
    ev = ev_ref[...]
    wv = wv_ref[...]
    pw = pw_ref[...]
    fg = fg_ref[...]
    rw = rw_ref[...]
    pu = pu_ref[...]

    keep = 1.0 - ww[:, :, None] * ev[:, None, :]
    add = ww[:, :, None] * wv[:, None, :]
    mem_out = mem * keep + add
    mem_out_ref[...] = mem_out

    wsum = jnp.sum(ww, axis=1, keepdims=True)
    prec_ref[...] = (1.0 - wsum) * pw + ww

    u1 = pu + (1.0 - pu) * ww
    phi = 1.0
    for r in range(NR):
        phi = phi * (1.0 - fg[:, r][:, None] * rw[:, r, :])
    usage_ref[...] = u1 * phi

    gb = mem.shape[0]
    for g in range(gb):
        read_ref[g, :, :] = jnp.dot(rw[g], mem_out[g],
                                    preferred_element_type=jnp.float32)


def _tc_update(memory, ww, ev, wv, pw, fg, rw, pu):
    GB = 8
    grid = (B // GB,)
    bspec = lambda shape: pl.BlockSpec((GB,) + shape,
                                       lambda i: (i,) + (0,) * len(shape))
    return pl.pallas_call(
        _tc_body,
        grid=grid,
        in_specs=[
            bspec((N, W)),
            bspec((N,)),
            bspec((W,)),
            bspec((W,)),
            bspec((N,)),
            bspec((NR,)),
            bspec((NR, N)),
            bspec((N,)),
        ],
        out_specs=[
            bspec((N, W)),
            bspec((N,)),
            bspec((N,)),
            bspec((NR, W)),
        ],
        out_shape=[
            jax.ShapeDtypeStruct((B, N, W), jnp.float32),
            jax.ShapeDtypeStruct((B, N), jnp.float32),
            jax.ShapeDtypeStruct((B, N), jnp.float32),
            jax.ShapeDtypeStruct((B, NR, W), jnp.float32),
        ],
    )(memory, ww, ev, wv, pw, fg, rw, pu)


def kernel(memory, write_weights, erase_vector, write_vector, prev_link,
           precedence_weights, free_gate, read_weights, prev_usage):
    ww = write_weights.reshape(B, N)
    ev = erase_vector.reshape(B, W)
    wv = write_vector.reshape(B, W)
    pw = precedence_weights.reshape(B, N)

    link_flat = _link_update(ww, pw, prev_link.reshape(B * N, N))
    link = link_flat.reshape(B, 1, N, N)

    mem_out, prec, usage, read_words = _tc_update(
        memory, ww, ev, wv, pw, free_gate, read_weights, prev_usage)

    return (mem_out, link.reshape(prev_link.shape),
            prec.reshape(precedence_weights.shape), usage, read_words)

# --- scband reference (transcript-rebuilt; emitter-appended) ---
"""Pipeline reference for scband-dncmemory-1176821039590 (READ-ONLY COPY).

The authoritative reference and input builder live on the scoring server;
editing this copy changes nothing except your own understanding.
"""

import jax, jax.numpy as jnp
import numpy as np

B = 64
N = 512
W = 64
NR = 4
NW = 1


def setup_inputs(seed: int = 0) -> dict:
    key = jax.random.key(seed)
    ks = jax.random.split(key, 9)
    return {
        "memory": jax.random.normal(ks[0], (B, N, W), dtype=jnp.float32),
        "write_weights": jax.random.uniform(ks[1], (B, NW, N), dtype=jnp.float32),
        "erase_vector": jax.random.uniform(ks[2], (B, NW, W), dtype=jnp.float32),
        "write_vector": jax.random.normal(ks[3], (B, NW, W), dtype=jnp.float32),
        "prev_link": jax.random.uniform(ks[4], (B, NW, N, N), dtype=jnp.float32),
        "precedence_weights": jax.random.uniform(ks[5], (B, NW, N), dtype=jnp.float32),
        "free_gate": jax.random.uniform(ks[6], (B, NR), dtype=jnp.float32),
        "read_weights": jax.random.uniform(ks[7], (B, NR, N), dtype=jnp.float32),
        "prev_usage": jax.random.uniform(ks[8], (B, N), dtype=jnp.float32),
    }


def reference(memory, write_weights, erase_vector, write_vector, prev_link,
              precedence_weights, free_gate, read_weights, prev_usage):
    # ---- memory write (erase + add), standard DNC update ----
    # weighted erase: memory * prod_w (1 - w_w (outer) e_w)
    expand = write_weights[..., :, None] * erase_vector[:, :, None, :]  # [B, NW, N, W]
    keep = jnp.prod(1.0 - expand, axis=1)                               # [B, N, W]
    add = jnp.einsum('bwn,bwd->bnd', write_weights, write_vector)       # [B, N, W]
    memory_out = memory * keep + add                                    # [B, N, W]

    # ---- Linkage._link ----
    ww_i = write_weights[..., :, None]           # [B, NW, N, 1]
    ww_j = write_weights[..., None, :]           # [B, NW, 1, N]
    pp_j = precedence_weights[:, :, None, :]     # [B, NW, 1, N]
    prev_link_scale = 1.0 - ww_i - ww_j
    new_link = ww_i * pp_j
    link = prev_link_scale * prev_link + new_link  # [B, NW, N, N]
    # scatter_(-1, diag_idx, 0): zero the self-link diagonal (scatter-overwrite)
    idx = jnp.arange(N)
    link = link.at[:, :, idx, idx].set(0.0)

    # ---- precedence weights update ----
    write_sum = jnp.sum(write_weights, axis=2, keepdims=True)  # [B, NW, 1]
    precedence_out = (1.0 - write_sum) * precedence_weights + write_weights

    # ---- Usage ----
    ww = 1.0 - jnp.prod(1.0 - write_weights, axis=1)           # [B, N]
    usage = prev_usage + (1.0 - prev_usage) * ww
    fg = free_gate[..., None]                                  # [B, NR, 1]
    phi = jnp.prod(1.0 - fg * read_weights, axis=1)            # [B, N]
    usage = usage * phi

    # ---- read words from updated memory ----
    read_words = jnp.einsum('brn,bnd->brd', read_weights, memory_out)  # [B, NR, W]

    return (memory_out, link, precedence_out, usage, read_words)

if __name__ == "__main__":
    import jax
    _d = setup_inputs()
    print(jax.jit(kernel)(*tuple(_d.values())))

</pallas_src>

<mosaic_0001>
#map = affine_map<(d0, d1) -> (0, 0)>
module attributes {stable_mosaic.version = 14 : i64} {
  func.func @_link_body(%arg0: i32, %arg1: i32, %arg2: memref<64x512xf32, #tpu.memory_space<hbm>>, %arg3: memref<64x512xf32, #tpu.memory_space<hbm>>, %arg4: memref<32768x512xf32, #tpu.memory_space<hbm>>, %arg5: memref<32768x512xf32, #tpu.memory_space<hbm>>, %arg6: memref<2x512xf32, #tpu.memory_space<vmem>>, %arg7: memref<2x512xf32, #tpu.memory_space<vmem>>, %arg8: memref<32x512xf32, #tpu.memory_space<vmem>>, %arg9: memref<32x512xf32, #tpu.memory_space<vmem>>, %arg10: memref<32x512xf32, #tpu.memory_space<vmem>>, %arg11: memref<32x512xf32, #tpu.memory_space<vmem>>, %arg12: memref<!tpu.dma_semaphore, #tpu.memory_space<semaphore_mem>>, %arg13: memref<!tpu.dma_semaphore, #tpu.memory_space<semaphore_mem>>, %arg14: memref<!tpu.dma_semaphore, #tpu.memory_space<semaphore_mem>>, %arg15: memref<!tpu.dma_semaphore, #tpu.memory_space<semaphore_mem>>) attributes {dimension_semantics = [#tpu.dimension_semantics<core_parallel>, #tpu.dimension_semantics<subcore_parallel>], iteration_bounds = array<i64: 2, 16>, scalar_prefetch = 0 : i64, scratch_operands = 10 : i64, tpu.core_type = #tpu.core_type<sc_vector_subcore>, window_params = [{transform_indices = #map}, {transform_indices = #map}, {transform_indices = #map}, {transform_indices = #map}]} {
    %mul3A = arith.constant 2 : i32
    %mul3A_0 = arith.muli %arg1, %mul3A : i32
    %add3A = arith.addi %mul3A_0, %arg0 : i32
    %mul3A_1 = arith.constant 2 : i32
    %mul3A_2 = arith.muli %add3A, %mul3A_1 : i32
    %add3A_3 = arith.constant 0 : i32
    %add3A_4 = arith.addi %mul3A_2, %add3A_3 : i32
    %run_scoped3A = arith.constant 0 : i32
    "tpu.region"() ({
      %run_scoped3A_64 = tpu.sem_alloc : memref<!tpu.dma_semaphore, #tpu.memory_space<semaphore_mem>>
      %dma_start3A_65 = arith.constant 0 : i32
      %dma_start3A_66 = tpu.memref_slice %arg6[%run_scoped3A, %dma_start3A_65] : memref<2x512xf32, #tpu.memory_space<vmem>> -> memref<1x512xf32, #tpu.memory_space<vmem>>
      %dma_start3A_67 = tpu.memref_squeeze %dma_start3A_66 : memref<1x512xf32, #tpu.memory_space<vmem>> -> memref<512xf32, #tpu.memory_space<vmem>>
      %dma_start3A_68 = arith.constant 0 : i32
      %dma_start3A_69 = tpu.memref_slice %arg2[%add3A_4, %dma_start3A_68] : memref<64x512xf32, #tpu.memory_space<hbm>> -> memref<1x512xf32, #tpu.memory_space<hbm>>
      %dma_start3A_70 = tpu.memref_squeeze %dma_start3A_69 : memref<1x512xf32, #tpu.memory_space<hbm>> -> memref<512xf32, #tpu.memory_space<hbm>>
      %dma_start3A_71 = arith.constant 0 : i32
      %dma_start3A_72 = tpu.memref_slice %arg6[%run_scoped3A, %dma_start3A_71] : memref<2x512xf32, #tpu.memory_space<vmem>> -> memref<1x512xf32, #tpu.memory_space<vmem>>
      %dma_start3A_73 = tpu.memref_squeeze %dma_start3A_72 : memref<1x512xf32, #tpu.memory_space<vmem>> -> memref<512xf32, #tpu.memory_space<vmem>>
      %dma_start3A_74 = arith.constant 0 : i32
      %dma_start3A_75 = tpu.memref_slice %arg2[%add3A_4, %dma_start3A_74] : memref<64x512xf32, #tpu.memory_space<hbm>> -> memref<1x512xf32, #tpu.memory_space<hbm>>
      %dma_start3A_76 = tpu.memref_squeeze %dma_start3A_75 : memref<1x512xf32, #tpu.memory_space<hbm>> -> memref<512xf32, #tpu.memory_space<hbm>>
      tpu.enqueue_dma source(%dma_start3A_76 : memref<512xf32, #tpu.memory_space<hbm>>) target(%dma_start3A_73 : memref<512xf32, #tpu.memory_space<vmem>>) target_semaphore(%run_scoped3A_64 : memref<!tpu.dma_semaphore, #tpu.memory_space<semaphore_mem>>)
      %dma_wait3A_77 = arith.constant 0 : i32
      %dma_wait3A_78 = tpu.memref_slice %arg6[%run_scoped3A, %dma_wait3A_77] : memref<2x512xf32, #tpu.memory_space<vmem>> -> memref<1x512xf32, #tpu.memory_space<vmem>>
      %dma_wait3A_79 = tpu.memref_squeeze %dma_wait3A_78 : memref<1x512xf32, #tpu.memory_space<vmem>> -> memref<512xf32, #tpu.memory_space<vmem>>
      %dma_wait3A_80 = arith.constant 0 : i32
      %dma_wait3A_81 = tpu.memref_slice %arg2[%add3A_4, %dma_wait3A_80] : memref<64x512xf32, #tpu.memory_space<hbm>> -> memref<1x512xf32, #tpu.memory_space<hbm>>
      %dma_wait3A_82 = tpu.memref_squeeze %dma_wait3A_81 : memref<1x512xf32, #tpu.memory_space<hbm>> -> memref<512xf32, #tpu.memory_space<hbm>>
      %dma_wait3A_83 = arith.constant 0 : i32
      %dma_wait3A_84 = tpu.memref_slice %arg6[%run_scoped3A, %dma_wait3A_83] : memref<2x512xf32, #tpu.memory_space<vmem>> -> memref<1x512xf32, #tpu.memory_space<vmem>>
      %dma_wait3A_85 = tpu.memref_squeeze %dma_wait3A_84 : memref<1x512xf32, #tpu.memory_space<vmem>> -> memref<512xf32, #tpu.memory_space<vmem>>
      %dma_wait3A_86 = arith.constant 0 : i32
      %dma_wait3A_87 = tpu.memref_slice %arg2[%add3A_4, %dma_wait3A_86] : memref<64x512xf32, #tpu.memory_space<hbm>> -> memref<1x512xf32, #tpu.memory_space<hbm>>
      %dma_wait3A_88 = tpu.memref_squeeze %dma_wait3A_87 : memref<1x512xf32, #tpu.memory_space<hbm>> -> memref<512xf32, #tpu.memory_space<hbm>>
      tpu.wait_dma2 semaphore(%run_scoped3A_64 : memref<!tpu.dma_semaphore, #tpu.memory_space<semaphore_mem>>) src(%dma_wait3A_88 : memref<512xf32, #tpu.memory_space<hbm>>) dst(%dma_wait3A_85 : memref<512xf32, #tpu.memory_space<vmem>>)
      tpu.yield
    }) : () -> ()
    %run_scoped3A_5 = arith.constant 0 : i32
    "tpu.region"() ({
      %run_scoped3A_64 = tpu.sem_alloc : memref<!tpu.dma_semaphore, #tpu.memory_space<semaphore_mem>>
      %dma_start3A_65 = arith.constant 0 : i32
      %dma_start3A_66 = tpu.memref_slice %arg7[%run_scoped3A_5, %dma_start3A_65] : memref<2x512xf32, #tpu.memory_space<vmem>> -> memref<1x512xf32, #tpu.memory_space<vmem>>
      %dma_start3A_67 = tpu.memref_squeeze %dma_start3A_66 : memref<1x512xf32, #tpu.memory_space<vmem>> -> memref<512xf32, #tpu.memory_space<vmem>>
      %dma_start3A_68 = arith.constant 0 : i32
      %dma_start3A_69 = tpu.memref_slice %arg3[%add3A_4, %dma_start3A_68] : memref<64x512xf32, #tpu.memory_space<hbm>> -> memref<1x512xf32, #tpu.memory_space<hbm>>
      %dma_start3A_70 = tpu.memref_squeeze %dma_start3A_69 : memref<1x512xf32, #tpu.memory_space<hbm>> -> memref<512xf32, #tpu.memory_space<hbm>>
      %dma_start3A_71 = arith.constant 0 : i32
      %dma_start3A_72 = tpu.memref_slice %arg7[%run_scoped3A_5, %dma_start3A_71] : memref<2x512xf32, #tpu.memory_space<vmem>> -> memref<1x512xf32, #tpu.memory_space<vmem>>
      %dma_start3A_73 = tpu.memref_squeeze %dma_start3A_72 : memref<1x512xf32, #tpu.memory_space<vmem>> -> memref<512xf32, #tpu.memory_space<vmem>>
      %dma_start3A_74 = arith.constant 0 : i32
      %dma_start3A_75 = tpu.memref_slice %arg3[%add3A_4, %dma_start3A_74] : memref<64x512xf32, #tpu.memory_space<hbm>> -> memref<1x512xf32, #tpu.memory_space<hbm>>
      %dma_start3A_76 = tpu.memref_squeeze %dma_start3A_75 : memref<1x512xf32, #tpu.memory_space<hbm>> -> memref<512xf32, #tpu.memory_space<hbm>>
      tpu.enqueue_dma source(%dma_start3A_76 : memref<512xf32, #tpu.memory_space<hbm>>) target(%dma_start3A_73 : memref<512xf32, #tpu.memory_space<vmem>>) target_semaphore(%run_scoped3A_64 : memref<!tpu.dma_semaphore, #tpu.memory_space<semaphore_mem>>)
      %dma_wait3A_77 = arith.constant 0 : i32
      %dma_wait3A_78 = tpu.memref_slice %arg7[%run_scoped3A_5, %dma_wait3A_77] : memref<2x512xf32, #tpu.memory_space<vmem>> -> memref<1x512xf32, #tpu.memory_space<vmem>>
      %dma_wait3A_79 = tpu.memref_squeeze %dma_wait3A_78 : memref<1x512xf32, #tpu.memory_space<vmem>> -> memref<512xf32, #tpu.memory_space<vmem>>
      %dma_wait3A_80 = arith.constant 0 : i32
      %dma_wait3A_81 = tpu.memref_slice %arg3[%add3A_4, %dma_wait3A_80] : memref<64x512xf32, #tpu.memory_space<hbm>> -> memref<1x512xf32, #tpu.memory_space<hbm>>
      %dma_wait3A_82 = tpu.memref_squeeze %dma_wait3A_81 : memref<1x512xf32, #tpu.memory_space<hbm>> -> memref<512xf32, #tpu.memory_space<hbm>>
      %dma_wait3A_83 = arith.constant 0 : i32
      %dma_wait3A_84 = tpu.memref_slice %arg7[%run_scoped3A_5, %dma_wait3A_83] : memref<2x512xf32, #tpu.memory_space<vmem>> -> memref<1x512xf32, #tpu.memory_space<vmem>>
      %dma_wait3A_85 = tpu.memref_squeeze %dma_wait3A_84 : memref<1x512xf32, #tpu.memory_space<vmem>> -> memref<512xf32, #tpu.memory_space<vmem>>
      %dma_wait3A_86 = arith.constant 0 : i32
      %dma_wait3A_87 = tpu.memref_slice %arg3[%add3A_4, %dma_wait3A_86] : memref<64x512xf32, #tpu.memory_space<hbm>> -> memref<1x512xf32, #tpu.memory_space<hbm>>
      %dma_wait3A_88 = tpu.memref_squeeze %dma_wait3A_87 : memref<1x512xf32, #tpu.memory_space<hbm>> -> memref<512xf32, #tpu.memory_space<hbm>>
      tpu.wait_dma2 semaphore(%run_scoped3A_64 : memref<!tpu.dma_semaphore, #tpu.memory_space<semaphore_mem>>) src(%dma_wait3A_88 : memref<512xf32, #tpu.memory_space<hbm>>) dst(%dma_wait3A_85 : memref<512xf32, #tpu.memory_space<vmem>>)
      tpu.yield
    }) : () -> ()
    %mul3A_6 = arith.constant 2 : i32
    %mul3A_7 = arith.muli %add3A, %mul3A_6 : i32
    %add3A_8 = arith.constant 1 : i32
    %add3A_9 = arith.addi %mul3A_7, %add3A_8 : i32
    %run_scoped3A_10 = arith.constant 1 : i32
    "tpu.region"() ({
      %run_scoped3A_64 = tpu.sem_alloc : memref<!tpu.dma_semaphore, #tpu.memory_space<semaphore_mem>>
      %dma_start3A_65 = arith.constant 0 : i32
      %dma_start3A_66 = tpu.memref_slice %arg6[%run_scoped3A_10, %dma_start3A_65] : memref<2x512xf32, #tpu.memory_space<vmem>> -> memref<1x512xf32, #tpu.memory_space<vmem>>
      %dma_start3A_67 = tpu.memref_squeeze %dma_start3A_66 : memref<1x512xf32, #tpu.memory_space<vmem>> -> memref<512xf32, #tpu.memory_space<vmem>>
      %dma_start3A_68 = arith.constant 0 : i32
      %dma_start3A_69 = tpu.memref_slice %arg2[%add3A_9, %dma_start3A_68] : memref<64x512xf32, #tpu.memory_space<hbm>> -> memref<1x512xf32, #tpu.memory_space<hbm>>
      %dma_start3A_70 = tpu.memref_squeeze %dma_start3A_69 : memref<1x512xf32, #tpu.memory_space<hbm>> -> memref<512xf32, #tpu.memory_space<hbm>>
      %dma_start3A_71 = arith.constant 0 : i32
      %dma_start3A_72 = tpu.memref_slice %arg6[%run_scoped3A_10, %dma_start3A_71] : memref<2x512xf32, #tpu.memory_space<vmem>> -> memref<1x512xf32, #tpu.memory_space<vmem>>
      %dma_start3A_73 = tpu.memref_squeeze %dma_start3A_72 : memref<1x512xf32, #tpu.memory_space<vmem>> -> memref<512xf32, #tpu.memory_space<vmem>>
      %dma_start3A_74 = arith.constant 0 : i32
      %dma_start3A_75 = tpu.memref_slice %arg2[%add3A_9, %dma_start3A_74] : memref<64x512xf32, #tpu.memory_space<hbm>> -> memref<1x512xf32, #tpu.memory_space<hbm>>
      %dma_start3A_76 = tpu.memref_squeeze %dma_start3A_75 : memref<1x512xf32, #tpu.memory_space<hbm>> -> memref<512xf32, #tpu.memory_space<hbm>>
      tpu.enqueue_dma source(%dma_start3A_76 : memref<512xf32, #tpu.memory_space<hbm>>) target(%dma_start3A_73 : memref<512xf32, #tpu.memory_space<vmem>>) target_semaphore(%run_scoped3A_64 : memref<!tpu.dma_semaphore, #tpu.memory_space<semaphore_mem>>)
      %dma_wait3A_77 = arith.constant 0 : i32
      %dma_wait3A_78 = tpu.memref_slice %arg6[%run_scoped3A_10, %dma_wait3A_77] : memref<2x512xf32, #tpu.memory_space<vmem>> -> memref<1x512xf32, #tpu.memory_space<vmem>>
      %dma_wait3A_79 = tpu.memref_squeeze %dma_wait3A_78 : memref<1x512xf32, #tpu.memory_space<vmem>> -> memref<512xf32, #tpu.memory_space<vmem>>
      %dma_wait3A_80 = arith.constant 0 : i32
      %dma_wait3A_81 = tpu.memref_slice %arg2[%add3A_9, %dma_wait3A_80] : memref<64x512xf32, #tpu.memory_space<hbm>> -> memref<1x512xf32, #tpu.memory_space<hbm>>
      %dma_wait3A_82 = tpu.memref_squeeze %dma_wait3A_81 : memref<1x512xf32, #tpu.memory_space<hbm>> -> memref<512xf32, #tpu.memory_space<hbm>>
      %dma_wait3A_83 = arith.constant 0 : i32
      %dma_wait3A_84 = tpu.memref_slice %arg6[%run_scoped3A_10, %dma_wait3A_83] : memref<2x512xf32, #tpu.memory_space<vmem>> -> memref<1x512xf32, #tpu.memory_space<vmem>>
      %dma_wait3A_85 = tpu.memref_squeeze %dma_wait3A_84 : memref<1x512xf32, #tpu.memory_space<vmem>> -> memref<512xf32, #tpu.memory_space<vmem>>
      %dma_wait3A_86 = arith.constant 0 : i32
      %dma_wait3A_87 = tpu.memref_slice %arg2[%add3A_9, %dma_wait3A_86] : memref<64x512xf32, #tpu.memory_space<hbm>> -> memref<1x512xf32, #tpu.memory_space<hbm>>
      %dma_wait3A_88 = tpu.memref_squeeze %dma_wait3A_87 : memref<1x512xf32, #tpu.memory_space<hbm>> -> memref<512xf32, #tpu.memory_space<hbm>>
      tpu.wait_dma2 semaphore(%run_scoped3A_64 : memref<!tpu.dma_semaphore, #tpu.memory_space<semaphore_mem>>) src(%dma_wait3A_88 : memref<512xf32, #tpu.memory_space<hbm>>) dst(%dma_wait3A_85 : memref<512xf32, #tpu.memory_space<vmem>>)
      tpu.yield
    }) : () -> ()
    %run_scoped3A_11 = arith.constant 1 : i32
    "tpu.region"() ({
      %run_scoped3A_64 = tpu.sem_alloc : memref<!tpu.dma_semaphore, #tpu.memory_space<semaphore_mem>>
      %dma_start3A_65 = arith.constant 0 : i32
      %dma_start3A_66 = tpu.memref_slice %arg7[%run_scoped3A_11, %dma_start3A_65] : memref<2x512xf32, #tpu.memory_space<vmem>> -> memref<1x512xf32, #tpu.memory_space<vmem>>
      %dma_start3A_67 = tpu.memref_squeeze %dma_start3A_66 : memref<1x512xf32, #tpu.memory_space<vmem>> -> memref<512xf32, #tpu.memory_space<vmem>>
      %dma_start3A_68 = arith.constant 0 : i32
      %dma_start3A_69 = tpu.memref_slice %arg3[%add3A_9, %dma_start3A_68] : memref<64x512xf32, #tpu.memory_space<hbm>> -> memref<1x512xf32, #tpu.memory_space<hbm>>
      %dma_start3A_70 = tpu.memref_squeeze %dma_start3A_69 : memref<1x512xf32, #tpu.memory_space<hbm>> -> memref<512xf32, #tpu.memory_space<hbm>>
      %dma_start3A_71 = arith.constant 0 : i32
      %dma_start3A_72 = tpu.memref_slice %arg7[%run_scoped3A_11, %dma_start3A_71] : memref<2x512xf32, #tpu.memory_space<vmem>> -> memref<1x512xf32, #tpu.memory_space<vmem>>
      %dma_start3A_73 = tpu.memref_squeeze %dma_start3A_72 : memref<1x512xf32, #tpu.memory_space<vmem>> -> memref<512xf32, #tpu.memory_space<vmem>>
      %dma_start3A_74 = arith.constant 0 : i32
      %dma_start3A_75 = tpu.memref_slice %arg3[%add3A_9, %dma_start3A_74] : memref<64x512xf32, #tpu.memory_space<hbm>> -> memref<1x512xf32, #tpu.memory_space<hbm>>
      %dma_start3A_76 = tpu.memref_squeeze %dma_start3A_75 : memref<1x512xf32, #tpu.memory_space<hbm>> -> memref<512xf32, #tpu.memory_space<hbm>>
      tpu.enqueue_dma source(%dma_start3A_76 : memref<512xf32, #tpu.memory_space<hbm>>) target(%dma_start3A_73 : memref<512xf32, #tpu.memory_space<vmem>>) target_semaphore(%run_scoped3A_64 : memref<!tpu.dma_semaphore, #tpu.memory_space<semaphore_mem>>)
      %dma_wait3A_77 = arith.constant 0 : i32
      %dma_wait3A_78 = tpu.memref_slice %arg7[%run_scoped3A_11, %dma_wait3A_77] : memref<2x512xf32, #tpu.memory_space<vmem>> -> memref<1x512xf32, #tpu.memory_space<vmem>>
      %dma_wait3A_79 = tpu.memref_squeeze %dma_wait3A_78 : memref<1x512xf32, #tpu.memory_space<vmem>> -> memref<512xf32, #tpu.memory_space<vmem>>
      %dma_wait3A_80 = arith.constant 0 : i32
      %dma_wait3A_81 = tpu.memref_slice %arg3[%add3A_9, %dma_wait3A_80] : memref<64x512xf32, #tpu.memory_space<hbm>> -> memref<1x512xf32, #tpu.memory_space<hbm>>
      %dma_wait3A_82 = tpu.memref_squeeze %dma_wait3A_81 : memref<1x512xf32, #tpu.memory_space<hbm>> -> memref<512xf32, #tpu.memory_space<hbm>>
      %dma_wait3A_83 = arith.constant 0 : i32
      %dma_wait3A_84 = tpu.memref_slice %arg7[%run_scoped3A_11, %dma_wait3A_83] : memref<2x512xf32, #tpu.memory_space<vmem>> -> memref<1x512xf32, #tpu.memory_space<vmem>>
      %dma_wait3A_85 = tpu.memref_squeeze %dma_wait3A_84 : memref<1x512xf32, #tpu.memory_space<vmem>> -> memref<512xf32, #tpu.memory_space<vmem>>
      %dma_wait3A_86 = arith.constant 0 : i32
      %dma_wait3A_87 = tpu.memref_slice %arg3[%add3A_9, %dma_wait3A_86] : memref<64x512xf32, #tpu.memory_space<hbm>> -> memref<1x512xf32, #tpu.memory_space<hbm>>
      %dma_wait3A_88 = tpu.memref_squeeze %dma_wait3A_87 : memref<1x512xf32, #tpu.memory_space<hbm>> -> memref<512xf32, #tpu.memory_space<hbm>>
      tpu.wait_dma2 semaphore(%run_scoped3A_64 : memref<!tpu.dma_semaphore, #tpu.memory_space<semaphore_mem>>) src(%dma_wait3A_88 : memref<512xf32, #tpu.memory_space<hbm>>) dst(%dma_wait3A_85 : memref<512xf32, #tpu.memory_space<vmem>>)
      tpu.yield
    }) : () -> ()
    %mul3A_12 = arith.constant 2 : i32
    %mul3A_13 = arith.muli %add3A, %mul3A_12 : i32
    %add3A_14 = arith.constant 0 : i32
    %add3A_15 = arith.addi %mul3A_13, %add3A_14 : i32
    %mul3A_16 = arith.constant 512 : i32
    %mul3A_17 = arith.muli %add3A_15, %mul3A_16 : i32
    %add3A_18 = arith.constant 0 : i32
    %add3A_19 = arith.addi %mul3A_17, %add3A_18 : i32
    %dma_start3A = arith.constant 0 : i32
    %dma_start3A_20 = tpu.memref_slice %arg4[%add3A_19, %dma_start3A] : memref<32768x512xf32, #tpu.memory_space<hbm>> -> memref<32x512xf32, #tpu.memory_space<hbm>>
    %dma_start3A_21 = arith.constant 0 : i32
    %dma_start3A_22 = tpu.memref_slice %arg4[%add3A_19, %dma_start3A_21] : memref<32768x512xf32, #tpu.memory_space<hbm>> -> memref<32x512xf32, #tpu.memory_space<hbm>>
    tpu.enqueue_dma source(%dma_start3A_22 : memref<32x512xf32, #tpu.memory_space<hbm>>) target(%arg8 : memref<32x512xf32, #tpu.memory_space<vmem>>) target_semaphore(%arg12 : memref<!tpu.dma_semaphore, #tpu.memory_space<semaphore_mem>>)
    %mul3A_23 = arith.constant 2 : i32
    %mul3A_24 = arith.muli %add3A, %mul3A_23 : i32
    %add3A_25 = arith.constant 0 : i32
    %add3A_26 = arith.addi %mul3A_24, %add3A_25 : i32
    %mul3A_27 = arith.constant 512 : i32
    %mul3A_28 = arith.muli %add3A_26, %mul3A_27 : i32
    %add3A_29 = arith.constant 32 : i32
    %add3A_30 = arith.addi %mul3A_28, %add3A_29 : i32
    %dma_start3A_31 = arith.constant 0 : i32
    %dma_start3A_32 = tpu.memref_slice %arg4[%add3A_30, %dma_start3A_31] : memref<32768x512xf32, #tpu.memory_space<hbm>> -> memref<32x512xf32, #tpu.memory_space<hbm>>
    %dma_start3A_33 = arith.constant 0 : i32
    %dma_start3A_34 = tpu.memref_slice %arg4[%add3A_30, %dma_start3A_33] : memref<32768x512xf32, #tpu.memory_space<hbm>> -> memref<32x512xf32, #tpu.memory_space<hbm>>
    tpu.enqueue_dma source(%dma_start3A_34 : memref<32x512xf32, #tpu.memory_space<hbm>>) target(%arg9 : memref<32x512xf32, #tpu.memory_space<vmem>>) target_semaphore(%arg13 : memref<!tpu.dma_semaphore, #tpu.memory_space<semaphore_mem>>)
    %scan3A = arith.constant 0 : i32
    %scan3A_35 = arith.constant 0 : i32
    %scan3A_36 = arith.constant 16 : i32
    %scan3A_37 = arith.addi %scan3A_35, %scan3A_36 : i32
    %scan3A_38 = arith.constant 1 : i32
    %scan3A_39 = scf.for %scan3A_64 = %scan3A_35 to %scan3A_37 step %scan3A_38 iter_args(%scan3A_65 = %scan3A) -> (i32)  : i32 {
      %mul3A_66 = arith.constant 2 : i32
      %mul3A_67 = arith.muli %mul3A_66, %scan3A_64 : i32
      %add3A_68 = arith.constant 0 : i32
      %add3A_69 = arith.addi %mul3A_67, %add3A_68 : i32
      %jit3A = arith.constant 16 : i32
      %div3A = arith.divsi %add3A_69, %jit3A : i32
      %sign3A = arith.constant 0 : i32
      %sign3A_70 = arith.cmpi sgt, %add3A_69, %sign3A : i32
      %sign3A_71 = arith.extui %sign3A_70 : i1 to i32
      %sign3A_72 = arith.constant 0 : i32
      %sign3A_73 = arith.cmpi slt, %add3A_69, %sign3A_72 : i32
      %sign3A_74 = arith.extui %sign3A_73 : i1 to i32
      %sign3A_75 = arith.subi %sign3A_71, %sign3A_74 : i32
      %sign3A_76 = arith.constant 0 : i32
      %sign3A_77 = arith.cmpi sgt, %jit3A, %sign3A_76 : i32
      %sign3A_78 = arith.extui %sign3A_77 : i1 to i32
      %sign3A_79 = arith.constant 0 : i32
      %sign3A_80 = arith.cmpi slt, %jit3A, %sign3A_79 : i32
      %sign3A_81 = arith.extui %sign3A_80 : i1 to i32
      %sign3A_82 = arith.subi %sign3A_78, %sign3A_81 : i32
      %ne3A = arith.cmpi ne, %sign3A_75, %sign3A_82 : i32
      %rem3A = arith.remsi %add3A_69, %jit3A : i32
      %ne3A_83 = arith.constant 0 : i32
      %ne3A_84 = arith.cmpi ne, %rem3A, %ne3A_83 : i32
      %and3A = arith.andi %ne3A, %ne3A_84 : i1
      %sub3A = arith.constant 1 : i32
      %sub3A_85 = arith.subi %div3A, %sub3A : i32
      %select_n3A = arith.select %and3A, %sub3A_85, %div3A : i32
      %jit3A_86 = arith.constant 16 : i32
      %eq3A = arith.constant 0 : i32
      %eq3A_87 = arith.cmpi eq, %jit3A_86, %eq3A : i32
      %jit3A_88 = arith.constant 1 : i32
      %select_n3A_89 = arith.select %eq3A_87, %jit3A_88, %jit3A_86 : i32
      %rem3A_90 = arith.remsi %add3A_69, %select_n3A_89 : i32
      %ne3A_91 = arith.constant 0 : i32
      %ne3A_92 = arith.cmpi ne, %rem3A_90, %ne3A_91 : i32
      %lt3A = arith.constant 0 : i32
      %lt3A_93 = arith.cmpi slt, %rem3A_90, %lt3A : i32
      %lt3A_94 = arith.constant 0 : i32
      %lt3A_95 = arith.cmpi slt, %select_n3A_89, %lt3A_94 : i32
      %ne3A_96 = arith.xori %lt3A_93, %lt3A_95 : i1
      %and3A_97 = arith.andi %ne3A_96, %ne3A_92 : i1
      %add3A_98 = arith.addi %rem3A_90, %select_n3A_89 : i32
      %select_n3A_99 = arith.select %and3A_97, %add3A_98, %rem3A_90 : i32
      %mul3A_100 = arith.constant 32 : i32
      %mul3A_101 = arith.muli %select_n3A_99, %mul3A_100 : i32
      %mul3A_102 = arith.constant 2 : i32
      %mul3A_103 = arith.muli %add3A, %mul3A_102 : i32
      %add3A_104 = arith.addi %mul3A_103, %select_n3A : i32
      %mul3A_105 = arith.constant 512 : i32
      %mul3A_106 = arith.muli %add3A_104, %mul3A_105 : i32
      %add3A_107 = arith.addi %mul3A_106, %mul3A_101 : i32
      %dma_wait3A_108 = arith.constant 0 : i32
      %dma_wait3A_109 = tpu.memref_slice %arg4[%add3A_107, %dma_wait3A_108] : memref<32768x512xf32, #tpu.memory_space<hbm>> -> memref<32x512xf32, #tpu.memory_space<hbm>>
      %dma_wait3A_110 = arith.constant 0 : i32
      %dma_wait3A_111 = tpu.memref_slice %arg4[%add3A_107, %dma_wait3A_110] : memref<32768x512xf32, #tpu.memory_space<hbm>> -> memref<32x512xf32, #tpu.memory_space<hbm>>
      tpu.wait_dma2 semaphore(%arg12 : memref<!tpu.dma_semaphore, #tpu.memory_space<semaphore_mem>>) src(%dma_wait3A_111 : memref<32x512xf32, #tpu.memory_space<hbm>>) dst(%arg8 : memref<32x512xf32, #tpu.memory_space<vmem>>)
      %ge3A = arith.constant 2 : i32
      %ge3A_112 = arith.cmpi sge, %add3A_69, %ge3A : i32
      %convert_element_type3A = arith.extui %ge3A_112 : i1 to i32
      %cond3A = arith.constant 0 : i32
      %cond3A_113 = arith.cmpi ne, %convert_element_type3A, %cond3A : i32
      scf.if %cond3A_113 {
        %sub3A_383 = arith.constant 2 : i32
        %sub3A_384 = arith.subi %add3A_69, %sub3A_383 : i32
        %jit3A_385 = arith.constant 16 : i32
        %div3A_386 = arith.divsi %sub3A_384, %jit3A_385 : i32
        %sign3A_387 = arith.constant 0 : i32
        %sign3A_388 = arith.cmpi sgt, %sub3A_384, %sign3A_387 : i32
        %sign3A_389 = arith.extui %sign3A_388 : i1 to i32
        %sign3A_390 = arith.constant 0 : i32
        %sign3A_391 = arith.cmpi slt, %sub3A_384, %sign3A_390 : i32
        %sign3A_392 = arith.extui %sign3A_391 : i1 to i32
        %sign3A_393 = arith.subi %sign3A_389, %sign3A_392 : i32
        %sign3A_394 = arith.constant 0 : i32
        %sign3A_395 = arith.cmpi sgt, %jit3A_385, %sign3A_394 : i32
        %sign3A_396 = arith.extui %sign3A_395 : i1 to i32
        %sign3A_397 = arith.constant 0 : i32
        %sign3A_398 = arith.cmpi slt, %jit3A_385, %sign3A_397 : i32
        %sign3A_399 = arith.extui %sign3A_398 : i1 to i32
        %sign3A_400 = arith.subi %sign3A_396, %sign3A_399 : i32
        %ne3A_401 = arith.cmpi ne, %sign3A_393, %sign3A_400 : i32
        %rem3A_402 = arith.remsi %sub3A_384, %jit3A_385 : i32
        %ne3A_403 = arith.constant 0 : i32
        %ne3A_404 = arith.cmpi ne, %rem3A_402, %ne3A_403 : i32
        %and3A_405 = arith.andi %ne3A_401, %ne3A_404 : i1
        %sub3A_406 = arith.constant 1 : i32
        %sub3A_407 = arith.subi %div3A_386, %sub3A_406 : i32
        %select_n3A_408 = arith.select %and3A_405, %sub3A_407, %div3A_386 : i32
        %jit3A_409 = arith.constant 16 : i32
        %eq3A_410 = arith.constant 0 : i32
        %eq3A_411 = arith.cmpi eq, %jit3A_409, %eq3A_410 : i32
        %jit3A_412 = arith.constant 1 : i32
        %select_n3A_413 = arith.select %eq3A_411, %jit3A_412, %jit3A_409 : i32
        %rem3A_414 = arith.remsi %sub3A_384, %select_n3A_413 : i32
        %ne3A_415 = arith.constant 0 : i32
        %ne3A_416 = arith.cmpi ne, %rem3A_414, %ne3A_415 : i32
        %lt3A_417 = arith.constant 0 : i32
        %lt3A_418 = arith.cmpi slt, %rem3A_414, %lt3A_417 : i32
        %lt3A_419 = arith.constant 0 : i32
        %lt3A_420 = arith.cmpi slt, %select_n3A_413, %lt3A_419 : i32
        %ne3A_421 = arith.xori %lt3A_418, %lt3A_420 : i1
        %and3A_422 = arith.andi %ne3A_421, %ne3A_416 : i1
        %add3A_423 = arith.addi %rem3A_414, %select_n3A_413 : i32
        %select_n3A_424 = arith.select %and3A_422, %add3A_423, %rem3A_414 : i32
        %mul3A_425 = arith.constant 32 : i32
        %mul3A_426 = arith.muli %select_n3A_424, %mul3A_425 : i32
        %mul3A_427 = arith.constant 2 : i32
        %mul3A_428 = arith.muli %add3A, %mul3A_427 : i32
        %add3A_429 = arith.addi %mul3A_428, %select_n3A_408 : i32
        %mul3A_430 = arith.constant 512 : i32
        %mul3A_431 = arith.muli %add3A_429, %mul3A_430 : i32
        %add3A_432 = arith.addi %mul3A_431, %mul3A_426 : i32
        %dma_wait3A_433 = arith.constant 0 : i32
        %dma_wait3A_434 = tpu.memref_slice %arg5[%add3A_432, %dma_wait3A_433] : memref<32768x512xf32, #tpu.memory_space<hbm>> -> memref<32x512xf32, #tpu.memory_space<hbm>>
        %dma_wait3A_435 = arith.constant 0 : i32
        %dma_wait3A_436 = tpu.memref_slice %arg5[%add3A_432, %dma_wait3A_435] : memref<32768x512xf32, #tpu.memory_space<hbm>> -> memref<32x512xf32, #tpu.memory_space<hbm>>
        tpu.wait_dma2 semaphore(%arg14 : memref<!tpu.dma_semaphore, #tpu.memory_space<semaphore_mem>>) src(%arg10 : memref<32x512xf32, #tpu.memory_space<vmem>>) dst(%dma_wait3A_436 : memref<32x512xf32, #tpu.memory_space<hbm>>)
      } else {
      }
      %jit3A_114 = arith.constant 16 : i32
      %div3A_115 = arith.divsi %add3A_69, %jit3A_114 : i32
      %sign3A_116 = arith.constant 0 : i32
      %sign3A_117 = arith.cmpi sgt, %add3A_69, %sign3A_116 : i32
      %sign3A_118 = arith.extui %sign3A_117 : i1 to i32
      %sign3A_119 = arith.constant 0 : i32
      %sign3A_120 = arith.cmpi slt, %add3A_69, %sign3A_119 : i32
      %sign3A_121 = arith.extui %sign3A_120 : i1 to i32
      %sign3A_122 = arith.subi %sign3A_118, %sign3A_121 : i32
      %sign3A_123 = arith.constant 0 : i32
      %sign3A_124 = arith.cmpi sgt, %jit3A_114, %sign3A_123 : i32
      %sign3A_125 = arith.extui %sign3A_124 : i1 to i32
      %sign3A_126 = arith.constant 0 : i32
      %sign3A_127 = arith.cmpi slt, %jit3A_114, %sign3A_126 : i32
      %sign3A_128 = arith.extui %sign3A_127 : i1 to i32
      %sign3A_129 = arith.subi %sign3A_125, %sign3A_128 : i32
      %ne3A_130 = arith.cmpi ne, %sign3A_122, %sign3A_129 : i32
      %rem3A_131 = arith.remsi %add3A_69, %jit3A_114 : i32
      %ne3A_132 = arith.constant 0 : i32
      %ne3A_133 = arith.cmpi ne, %rem3A_131, %ne3A_132 : i32
      %and3A_134 = arith.andi %ne3A_130, %ne3A_133 : i1
      %sub3A_135 = arith.constant 1 : i32
      %sub3A_136 = arith.subi %div3A_115, %sub3A_135 : i32
      %select_n3A_137 = arith.select %and3A_134, %sub3A_136, %div3A_115 : i32
      %jit3A_138 = arith.constant 16 : i32
      %eq3A_139 = arith.constant 0 : i32
      %eq3A_140 = arith.cmpi eq, %jit3A_138, %eq3A_139 : i32
      %jit3A_141 = arith.constant 1 : i32
      %select_n3A_142 = arith.select %eq3A_140, %jit3A_141, %jit3A_138 : i32
      %rem3A_143 = arith.remsi %add3A_69, %select_n3A_142 : i32
      %ne3A_144 = arith.constant 0 : i32
      %ne3A_145 = arith.cmpi ne, %rem3A_143, %ne3A_144 : i32
      %lt3A_146 = arith.constant 0 : i32
      %lt3A_147 = arith.cmpi slt, %rem3A_143, %lt3A_146 : i32
      %lt3A_148 = arith.constant 0 : i32
      %lt3A_149 = arith.cmpi slt, %select_n3A_142, %lt3A_148 : i32
      %ne3A_150 = arith.xori %lt3A_147, %lt3A_149 : i1
      %and3A_151 = arith.andi %ne3A_150, %ne3A_145 : i1
      %add3A_152 = arith.addi %rem3A_143, %select_n3A_142 : i32
      %select_n3A_153 = arith.select %and3A_151, %add3A_152, %rem3A_143 : i32
      %mul3A_154 = arith.constant 32 : i32
      %mul3A_155 = arith.muli %select_n3A_153, %mul3A_154 : i32
      %parallel_loop3A = arith.constant 0 : i32
      %parallel_loop3A_156 = arith.constant 2 : i32
      %parallel_loop3A_157 = arith.constant 1 : i32
      scf.for %parallel_loop3A_383 = %parallel_loop3A to %parallel_loop3A_156 step %parallel_loop3A_157  : i32 {
        %parallel_loop3A_384 = arith.constant 16 : i32
        %parallel_loop3A_385 = arith.muli %parallel_loop3A_383, %parallel_loop3A_384 : i32
        %parallel_loop3A_386 = arith.addi %mul3A_155, %parallel_loop3A_385 : i32
        %parallel_loop3A_387 = arith.index_cast %select_n3A_137 : i32 to index
        %parallel_loop3A_388 = arith.index_cast %parallel_loop3A_386 : i32 to index
        %parallel_loop3A_389 = tpu.vector_load %arg6[%parallel_loop3A_387, %parallel_loop3A_388] {strides = array<i32>} : memref<2x512xf32, #tpu.memory_space<vmem>>, vector<1x16xf32>,
        %parallel_loop3A_390 = vector.shape_cast %parallel_loop3A_389 : vector<1x16xf32> to vector<16xf32>
        %parallel_loop3A_391 = arith.constant 1.000000e+00 : f32
        %parallel_loop3A_392 = vector.broadcast %parallel_loop3A_391 : f32 to vector<16xf32>
        %parallel_loop3A_393 = arith.subf %parallel_loop3A_392, %parallel_loop3A_390 : vector<16xf32>
        %parallel_loop3A_394 = vector.extract_strided_slice %parallel_loop3A_390 {offsets = [0], sizes = [1], strides = [1]} : vector<16xf32> to vector<1xf32>
        %parallel_loop3A_395 = vector.extract %parallel_loop3A_394[0] : f32 from vector<1xf32>
        %parallel_loop3A_396 = vector.extract_strided_slice %parallel_loop3A_390 {offsets = [1], sizes = [1], strides = [1]} : vector<16xf32> to vector<1xf32>
        %parallel_loop3A_397 = vector.extract %parallel_loop3A_396[0] : f32 from vector<1xf32>
        %parallel_loop3A_398 = vector.extract_strided_slice %parallel_loop3A_390 {offsets = [2], sizes = [1], strides = [1]} : vector<16xf32> to vector<1xf32>
        %parallel_loop3A_399 = vector.extract %parallel_loop3A_398[0] : f32 from vector<1xf32>
        %parallel_loop3A_400 = vector.extract_strided_slice %parallel_loop3A_390 {offsets = [3], sizes = [1], strides = [1]} : vector<16xf32> to vector<1xf32>
        %parallel_loop3A_401 = vector.extract %parallel_loop3A_400[0] : f32 from vector<1xf32>
        %parallel_loop3A_402 = vector.extract_strided_slice %parallel_loop3A_390 {offsets = [4], sizes = [1], strides = [1]} : vector<16xf32> to vector<1xf32>
        %parallel_loop3A_403 = vector.extract %parallel_loop3A_402[0] : f32 from vector<1xf32>
        %parallel_loop3A_404 = vector.extract_strided_slice %parallel_loop3A_390 {offsets = [5], sizes = [1], strides = [1]} : vector<16xf32> to vector<1xf32>
        %parallel_loop3A_405 = vector.extract %parallel_loop3A_404[0] : f32 from vector<1xf32>
        %parallel_loop3A_406 = vector.extract_strided_slice %parallel_loop3A_390 {offsets = [6], sizes = [1], strides = [1]} : vector<16xf32> to vector<1xf32>
        %parallel_loop3A_407 = vector.extract %parallel_loop3A_406[0] : f32 from vector<1xf32>
        %parallel_loop3A_408 = vector.extract_strided_slice %parallel_loop3A_390 {offsets = [7], sizes = [1], strides = [1]} : vector<16xf32> to vector<1xf32>
        %parallel_loop3A_409 = vector.extract %parallel_loop3A_408[0] : f32 from vector<1xf32>
        %parallel_loop3A_410 = vector.extract_strided_slice %parallel_loop3A_390 {offsets = [8], sizes = [1], strides = [1]} : vector<16xf32> to vector<1xf32>
        %parallel_loop3A_411 = vector.extract %parallel_loop3A_410[0] : f32 from vector<1xf32>
        %parallel_loop3A_412 = vector.extract_strided_slice %parallel_loop3A_390 {offsets = [9], sizes = [1], strides = [1]} : vector<16xf32> to vector<1xf32>
        %parallel_loop3A_413 = vector.extract %parallel_loop3A_412[0] : f32 from vector<1xf32>
        %parallel_loop3A_414 = vector.extract_strided_slice %parallel_loop3A_390 {offsets = [10], sizes = [1], strides = [1]} : vector<16xf32> to vector<1xf32>
        %parallel_loop3A_415 = vector.extract %parallel_loop3A_414[0] : f32 from vector<1xf32>
        %parallel_loop3A_416 = vector.extract_strided_slice %parallel_loop3A_390 {offsets = [11], sizes = [1], strides = [1]} : vector<16xf32> to vector<1xf32>
        %parallel_loop3A_417 = vector.extract %parallel_loop3A_416[0] : f32 from vector<1xf32>
        %parallel_loop3A_418 = vector.extract_strided_slice %parallel_loop3A_390 {offsets = [12], sizes = [1], strides = [1]} : vector<16xf32> to vector<1xf32>
        %parallel_loop3A_419 = vector.extract %parallel_loop3A_418[0] : f32 from vector<1xf32>
        %parallel_loop3A_420 = vector.extract_strided_slice %parallel_loop3A_390 {offsets = [13], sizes = [1], strides = [1]} : vector<16xf32> to vector<1xf32>
        %parallel_loop3A_421 = vector.extract %parallel_loop3A_420[0] : f32 from vector<1xf32>
        %parallel_loop3A_422 = vector.extract_strided_slice %parallel_loop3A_390 {offsets = [14], sizes = [1], strides = [1]} : vector<16xf32> to vector<1xf32>
        %parallel_loop3A_423 = vector.extract %parallel_loop3A_422[0] : f32 from vector<1xf32>
        %parallel_loop3A_424 = vector.extract_strided_slice %parallel_loop3A_390 {offsets = [15], sizes = [1], strides = [1]} : vector<16xf32> to vector<1xf32>
        %parallel_loop3A_425 = vector.extract %parallel_loop3A_424[0] : f32 from vector<1xf32>
        %parallel_loop3A_426 = vector.extract_strided_slice %parallel_loop3A_393 {offsets = [0], sizes = [1], strides = [1]} : vector<16xf32> to vector<1xf32>
        %parallel_loop3A_427 = vector.extract %parallel_loop3A_426[0] : f32 from vector<1xf32>
        %parallel_loop3A_428 = vector.extract_strided_slice %parallel_loop3A_393 {offsets = [1], sizes = [1], strides = [1]} : vector<16xf32> to vector<1xf32>
        %parallel_loop3A_429 = vector.extract %parallel_loop3A_428[0] : f32 from vector<1xf32>
        %parallel_loop3A_430 = vector.extract_strided_slice %parallel_loop3A_393 {offsets = [2], sizes = [1], strides = [1]} : vector<16xf32> to vector<1xf32>
        %parallel_loop3A_431 = vector.extract %parallel_loop3A_430[0] : f32 from vector<1xf32>
        %parallel_loop3A_432 = vector.extract_strided_slice %parallel_loop3A_393 {offsets = [3], sizes = [1], strides = [1]} : vector<16xf32> to vector<1xf32>
        %parallel_loop3A_433 = vector.extract %parallel_loop3A_432[0] : f32 from vector<1xf32>
        %parallel_loop3A_434 = vector.extract_strided_slice %parallel_loop3A_393 {offsets = [4], sizes = [1], strides = [1]} : vector<16xf32> to vector<1xf32>
        %parallel_loop3A_435 = vector.extract %parallel_loop3A_434[0] : f32 from vector<1xf32>
        %parallel_loop3A_436 = vector.extract_strided_slice %parallel_loop3A_393 {offsets = [5], sizes = [1], strides = [1]} : vector<16xf32> to vector<1xf32>
        %parallel_loop3A_437 = vector.extract %parallel_loop3A_436[0] : f32 from vector<1xf32>
        %parallel_loop3A_438 = vector.extract_strided_slice %parallel_loop3A_393 {offsets = [6], sizes = [1], strides = [1]} : vector<16xf32> to vector<1xf32>
        %parallel_loop3A_439 = vector.extract %parallel_loop3A_438[0] : f32 from vector<1xf32>
        %parallel_loop3A_440 = vector.extract_strided_slice %parallel_loop3A_393 {offsets = [7], sizes = [1], strides = [1]} : vector<16xf32> to vector<1xf32>
        %parallel_loop3A_441 = vector.extract %parallel_loop3A_440[0] : f32 from vector<1xf32>
        %parallel_loop3A_442 = vector.extract_strided_slice %parallel_loop3A_393 {offsets = [8], sizes = [1], strides = [1]} : vector<16xf32> to vector<1xf32>
        %parallel_loop3A_443 = vector.extract %parallel_loop3A_442[0] : f32 from vector<1xf32>
        %parallel_loop3A_444 = vector.extract_strided_slice %parallel_loop3A_393 {offsets = [9], sizes = [1], strides = [1]} : vector<16xf32> to vector<1xf32>
        %parallel_loop3A_445 = vector.extract %parallel_loop3A_444[0] : f32 from vector<1xf32>
        %parallel_loop3A_446 = vector.extract_strided_slice %parallel_loop3A_393 {offsets = [10], sizes = [1], strides = [1]} : vector<16xf32> to vector<1xf32>
        %parallel_loop3A_447 = vector.extract %parallel_loop3A_446[0] : f32 from vector<1xf32>
        %parallel_loop3A_448 = vector.extract_strided_slice %parallel_loop3A_393 {offsets = [11], sizes = [1], strides = [1]} : vector<16xf32> to vector<1xf32>
        %parallel_loop3A_449 = vector.extract %parallel_loop3A_448[0] : f32 from vector<1xf32>
        %parallel_loop3A_450 = vector.extract_strided_slice %parallel_loop3A_393 {offsets = [12], sizes = [1], strides = [1]} : vector<16xf32> to vector<1xf32>
        %parallel_loop3A_451 = vector.extract %parallel_loop3A_450[0] : f32 from vector<1xf32>
        %parallel_loop3A_452 = vector.extract_strided_slice %parallel_loop3A_393 {offsets = [13], sizes = [1], strides = [1]} : vector<16xf32> to vector<1xf32>
        %parallel_loop3A_453 = vector.extract %parallel_loop3A_452[0] : f32 from vector<1xf32>
        %parallel_loop3A_454 = vector.extract_strided_slice %parallel_loop3A_393 {offsets = [14], sizes = [1], strides = [1]} : vector<16xf32> to vector<1xf32>
        %parallel_loop3A_455 = vector.extract %parallel_loop3A_454[0] : f32 from vector<1xf32>
        %parallel_loop3A_456 = vector.extract_strided_slice %parallel_loop3A_393 {offsets = [15], sizes = [1], strides = [1]} : vector<16xf32> to vector<1xf32>
        %parallel_loop3A_457 = vector.extract %parallel_loop3A_456[0] : f32 from vector<1xf32>
        %parallel_loop3A_458 = arith.constant 0 : i32
        %parallel_loop3A_459 = arith.constant 32 : i32
        %parallel_loop3A_460 = arith.constant 1 : i32
        scf.for %parallel_loop3A_767 = %parallel_loop3A_458 to %parallel_loop3A_459 step %parallel_loop3A_460  : i32 {
          %parallel_loop3A_768 = arith.constant 16 : i32
          %parallel_loop3A_769 = arith.muli %parallel_loop3A_767, %parallel_loop3A_768 : i32
          %parallel_loop3A_770 = arith.index_cast %select_n3A_137 : i32 to index
          %parallel_loop3A_771 = arith.index_cast %parallel_loop3A_769 : i32 to index
          %parallel_loop3A_772 = tpu.vector_load %arg6[%parallel_loop3A_770, %parallel_loop3A_771] {strides = array<i32>} : memref<2x512xf32, #tpu.memory_space<vmem>>, vector<1x16xf32>,
          %parallel_loop3A_773 = vector.shape_cast %parallel_loop3A_772 : vector<1x16xf32> to vector<16xf32>
          %parallel_loop3A_774 = arith.index_cast %select_n3A_137 : i32 to index
          %parallel_loop3A_775 = arith.index_cast %parallel_loop3A_769 : i32 to index
          %parallel_loop3A_776 = tpu.vector_load %arg7[%parallel_loop3A_774, %parallel_loop3A_775] {strides = array<i32>} : memref<2x512xf32, #tpu.memory_space<vmem>>, vector<1x16xf32>,
          %parallel_loop3A_777 = vector.shape_cast %parallel_loop3A_776 : vector<1x16xf32> to vector<16xf32>
          %parallel_loop3A_778 = vector.broadcast %parallel_loop3A_427 : f32 to vector<16xf32>
          %parallel_loop3A_779 = arith.subf %parallel_loop3A_778, %parallel_loop3A_773 : vector<16xf32>
          %parallel_loop3A_780 = arith.constant 0 : i32
          %parallel_loop3A_781 = arith.addi %parallel_loop3A_385, %parallel_loop3A_780 : i32
          %parallel_loop3A_782 = arith.index_cast %parallel_loop3A_781 : i32 to index
          %parallel_loop3A_783 = arith.index_cast %parallel_loop3A_769 : i32 to index
          %parallel_loop3A_784 = tpu.vector_load %arg8[%parallel_loop3A_782, %parallel_loop3A_783] {strides = array<i32>} : memref<32x512xf32, #tpu.memory_space<vmem>>, vector<1x16xf32>,
          %parallel_loop3A_785 = vector.shape_cast %parallel_loop3A_784 : vector<1x16xf32> to vector<16xf32>
          %parallel_loop3A_786 = arith.mulf %parallel_loop3A_779, %parallel_loop3A_785 : vector<16xf32>
          %parallel_loop3A_787 = vector.broadcast %parallel_loop3A_395 : f32 to vector<16xf32>
          %parallel_loop3A_788 = arith.mulf %parallel_loop3A_787, %parallel_loop3A_777 : vector<16xf32>
          %parallel_loop3A_789 = arith.addf %parallel_loop3A_786, %parallel_loop3A_788 : vector<16xf32>
          %parallel_loop3A_790 = arith.constant 0 : i32
          %parallel_loop3A_791 = arith.addi %parallel_loop3A_385, %parallel_loop3A_790 : i32
          %parallel_loop3A_792 = arith.index_cast %parallel_loop3A_791 : i32 to index
          %parallel_loop3A_793 = arith.index_cast %parallel_loop3A_769 : i32 to index
          %parallel_loop3A_794 = tpu.vector_load %arg10[%parallel_loop3A_792, %parallel_loop3A_793] {strides = array<i32>} : memref<32x512xf32, #tpu.memory_space<vmem>>, vector<1x16xf32>,
          %parallel_loop3A_795 = vector.shape_cast %parallel_loop3A_794 : vector<1x16xf32> to vector<16xf32>
          %parallel_loop3A_796 = vector.shape_cast %parallel_loop3A_789 : vector<16xf32> to vector<1x16xf32>
          tpu.vector_store %arg10[%parallel_loop3A_792, %parallel_loop3A_793], %parallel_loop3A_796 {strides = array<i32>} : memref<32x512xf32, #tpu.memory_space<vmem>>, vector<1x16xf32>,
          %parallel_loop3A_797 = vector.broadcast %parallel_loop3A_429 : f32 to vector<16xf32>
          %parallel_loop3A_798 = arith.subf %parallel_loop3A_797, %parallel_loop3A_773 : vector<16xf32>
          %parallel_loop3A_799 = arith.constant 1 : i32
          %parallel_loop3A_800 = arith.addi %parallel_loop3A_385, %parallel_loop3A_799 : i32
          %parallel_loop3A_801 = arith.index_cast %parallel_loop3A_800 : i32 to index
          %parallel_loop3A_802 = arith.index_cast %parallel_loop3A_769 : i32 to index
          %parallel_loop3A_803 = tpu.vector_load %arg8[%parallel_loop3A_801, %parallel_loop3A_802] {strides = array<i32>} : memref<32x512xf32, #tpu.memory_space<vmem>>, vector<1x16xf32>,
          %parallel_loop3A_804 = vector.shape_cast %parallel_loop3A_803 : vector<1x16xf32> to vector<16xf32>
          %parallel_loop3A_805 = arith.mulf %parallel_loop3A_798, %parallel_loop3A_804 : vector<16xf32>
          %parallel_loop3A_806 = vector.broadcast %parallel_loop3A_397 : f32 to vector<16xf32>
          %parallel_loop3A_807 = arith.mulf %parallel_loop3A_806, %parallel_loop3A_777 : vector<16xf32>
          %parallel_loop3A_808 = arith.addf %parallel_loop3A_805, %parallel_loop3A_807 : vector<16xf32>
          %parallel_loop3A_809 = arith.constant 1 : i32
          %parallel_loop3A_810 = arith.addi %parallel_loop3A_385, %parallel_loop3A_809 : i32
          %parallel_loop3A_811 = arith.index_cast %parallel_loop3A_810 : i32 to index
          %parallel_loop3A_812 = arith.index_cast %parallel_loop3A_769 : i32 to index
          %parallel_loop3A_813 = tpu.vector_load %arg10[%parallel_loop3A_811, %parallel_loop3A_812] {strides = array<i32>} : memref<32x512xf32, #tpu.memory_space<vmem>>, vector<1x16xf32>,
          %parallel_loop3A_814 = vector.shape_cast %parallel_loop3A_813 : vector<1x16xf32> to vector<16xf32>
          %parallel_loop3A_815 = vector.shape_cast %parallel_loop3A_808 : vector<16xf32> to vector<1x16xf32>
          tpu.vector_store %arg10[%parallel_loop3A_811, %parallel_loop3A_812], %parallel_loop3A_815 {strides = array<i32>} : memref<32x512xf32, #tpu.memory_space<vmem>>, vector<1x16xf32>,
          %parallel_loop3A_816 = vector.broadcast %parallel_loop3A_431 : f32 to vector<16xf32>
          %parallel_loop3A_817 = arith.subf %parallel_loop3A_816, %parallel_loop3A_773 : vector<16xf32>
          %parallel_loop3A_818 = arith.constant 2 : i32
          %parallel_loop3A_819 = arith.addi %parallel_loop3A_385, %parallel_loop3A_818 : i32
          %parallel_loop3A_820 = arith.index_cast %parallel_loop3A_819 : i32 to index
          %parallel_loop3A_821 = arith.index_cast %parallel_loop3A_769 : i32 to index
          %parallel_loop3A_822 = tpu.vector_load %arg8[%parallel_loop3A_820, %parallel_loop3A_821] {strides = array<i32>} : memref<32x512xf32, #tpu.memory_space<vmem>>, vector<1x16xf32>,
          %parallel_loop3A_823 = vector.shape_cast %parallel_loop3A_822 : vector<1x16xf32> to vector<16xf32>
          %parallel_loop3A_824 = arith.mulf %parallel_loop3A_817, %parallel_loop3A_823 : vector<16xf32>
          %parallel_loop3A_825 = vector.broadcast %parallel_loop3A_399 : f32 to vector<16xf32>
          %parallel_loop3A_826 = arith.mulf %parallel_loop3A_825, %parallel_loop3A_777 : vector<16xf32>
          %parallel_loop3A_827 = arith.addf %parallel_loop3A_824, %parallel_loop3A_826 : vector<16xf32>
          %parallel_loop3A_828 = arith.constant 2 : i32
          %parallel_loop3A_829 = arith.addi %parallel_loop3A_385, %parallel_loop3A_828 : i32
          %parallel_loop3A_830 = arith.index_cast %parallel_loop3A_829 : i32 to index
          %parallel_loop3A_831 = arith.index_cast %parallel_loop3A_769 : i32 to index
          %parallel_loop3A_832 = tpu.vector_load %arg10[%parallel_loop3A_830, %parallel_loop3A_831] {strides = array<i32>} : memref<32x512xf32, #tpu.memory_space<vmem>>, vector<1x16xf32>,
          %parallel_loop3A_833 = vector.shape_cast %parallel_loop3A_832 : vector<1x16xf32> to vector<16xf32>
          %parallel_loop3A_834 = vector.shape_cast %parallel_loop3A_827 : vector<16xf32> to vector<1x16xf32>
          tpu.vector_store %arg10[%parallel_loop3A_830, %parallel_loop3A_831], %parallel_loop3A_834 {strides = array<i32>} : memref<32x512xf32, #tpu.memory_space<vmem>>, vector<1x16xf32>,
          %parallel_loop3A_835 = vector.broadcast %parallel_loop3A_433 : f32 to vector<16xf32>
          %parallel_loop3A_836 = arith.subf %parallel_loop3A_835, %parallel_loop3A_773 : vector<16xf32>
          %parallel_loop3A_837 = arith.constant 3 : i32
          %parallel_loop3A_838 = arith.addi %parallel_loop3A_385, %parallel_loop3A_837 : i32
          %parallel_loop3A_839 = arith.index_cast %parallel_loop3A_838 : i32 to index
          %parallel_loop3A_840 = arith.index_cast %parallel_loop3A_769 : i32 to index
          %parallel_loop3A_841 = tpu.vector_load %arg8[%parallel_loop3A_839, %parallel_loop3A_840] {strides = array<i32>} : memref<32x512xf32, #tpu.memory_space<vmem>>, vector<1x16xf32>,
          %parallel_loop3A_842 = vector.shape_cast %parallel_loop3A_841 : vector<1x16xf32> to vector<16xf32>
          %parallel_loop3A_843 = arith.mulf %parallel_loop3A_836, %parallel_loop3A_842 : vector<16xf32>
          %parallel_loop3A_844 = vector.broadcast %parallel_loop3A_401 : f32 to vector<16xf32>
          %parallel_loop3A_845 = arith.mulf %parallel_loop3A_844, %parallel_loop3A_777 : vector<16xf32>
          %parallel_loop3A_846 = arith.addf %parallel_loop3A_843, %parallel_loop3A_845 : vector<16xf32>
          %parallel_loop3A_847 = arith.constant 3 : i32
          %parallel_loop3A_848 = arith.addi %parallel_loop3A_385, %parallel_loop3A_847 : i32
          %parallel_loop3A_849 = arith.index_cast %parallel_loop3A_848 : i32 to index
          %parallel_loop3A_850 = arith.index_cast %parallel_loop3A_769 : i32 to index
          %parallel_loop3A_851 = tpu.vector_load %arg10[%parallel_loop3A_849, %parallel_loop3A_850] {strides = array<i32>} : memref<32x512xf32, #tpu.memory_space<vmem>>, vector<1x16xf32>,
          %parallel_loop3A_852 = vector.shape_cast %parallel_loop3A_851 : vector<1x16xf32> to vector<16xf32>
          %parallel_loop3A_853 = vector.shape_cast %parallel_loop3A_846 : vector<16xf32> to vector<1x16xf32>
          tpu.vector_store %arg10[%parallel_loop3A_849, %parallel_loop3A_850], %parallel_loop3A_853 {strides = array<i32>} : memref<32x512xf32, #tpu.memory_space<vmem>>, vector<1x16xf32>,
          %parallel_loop3A_854 = vector.broadcast %parallel_loop3A_435 : f32 to vector<16xf32>
          %parallel_loop3A_855 = arith.subf %parallel_loop3A_854, %parallel_loop3A_773 : vector<16xf32>
          %parallel_loop3A_856 = arith.constant 4 : i32
          %parallel_loop3A_857 = arith.addi %parallel_loop3A_385, %parallel_loop3A_856 : i32
          %parallel_loop3A_858 = arith.index_cast %parallel_loop3A_857 : i32 to index
          %parallel_loop3A_859 = arith.index_cast %parallel_loop3A_769 : i32 to index
          %parallel_loop3A_860 = tpu.vector_load %arg8[%parallel_loop3A_858, %parallel_loop3A_859] {strides = array<i32>} : memref<32x512xf32, #tpu.memory_space<vmem>>, vector<1x16xf32>,
          %parallel_loop3A_861 = vector.shape_cast %parallel_loop3A_860 : vector<1x16xf32> to vector<16xf32>
          %parallel_loop3A_862 = arith.mulf %parallel_loop3A_855, %parallel_loop3A_861 : vector<16xf32>
          %parallel_loop3A_863 = vector.broadcast %parallel_loop3A_403 : f32 to vector<16xf32>
          %parallel_loop3A_864 = arith.mulf %parallel_loop3A_863, %parallel_loop3A_777 : vector<16xf32>
          %parallel_loop3A_865 = arith.addf %parallel_loop3A_862, %parallel_loop3A_864 : vector<16xf32>
          %parallel_loop3A_866 = arith.constant 4 : i32
          %parallel_loop3A_867 = arith.addi %parallel_loop3A_385, %parallel_loop3A_866 : i32
          %parallel_loop3A_868 = arith.index_cast %parallel_loop3A_867 : i32 to index
          %parallel_loop3A_869 = arith.index_cast %parallel_loop3A_769 : i32 to index
          %parallel_loop3A_870 = tpu.vector_load %arg10[%parallel_loop3A_868, %parallel_loop3A_869] {strides = array<i32>} : memref<32x512xf32, #tpu.memory_space<vmem>>, vector<1x16xf32>,
          %parallel_loop3A_871 = vector.shape_cast %parallel_loop3A_870 : vector<1x16xf32> to vector<16xf32>
          %parallel_loop3A_872 = vector.shape_cast %parallel_loop3A_865 : vector<16xf32> to vector<1x16xf32>
          tpu.vector_store %arg10[%parallel_loop3A_868, %parallel_loop3A_869], %parallel_loop3A_872 {strides = array<i32>} : memref<32x512xf32, #tpu.memory_space<vmem>>, vector<1x16xf32>,
          %parallel_loop3A_873 = vector.broadcast %parallel_loop3A_437 : f32 to vector<16xf32>
          %parallel_loop3A_874 = arith.subf %parallel_loop3A_873, %parallel_loop3A_773 : vector<16xf32>
          %parallel_loop3A_875 = arith.constant 5 : i32
          %parallel_loop3A_876 = arith.addi %parallel_loop3A_385, %parallel_loop3A_875 : i32
          %parallel_loop3A_877 = arith.index_cast %parallel_loop3A_876 : i32 to index
          %parallel_loop3A_878 = arith.index_cast %parallel_loop3A_769 : i32 to index
          %parallel_loop3A_879 = tpu.vector_load %arg8[%parallel_loop3A_877, %parallel_loop3A_878] {strides = array<i32>} : memref<32x512xf32, #tpu.memory_space<vmem>>, vector<1x16xf32>,
          %parallel_loop3A_880 = vector.shape_cast %parallel_loop3A_879 : vector<1x16xf32> to vector<16xf32>
          %parallel_loop3A_881 = arith.mulf %parallel_loop3A_874, %parallel_loop3A_880 : vector<16xf32>
          %parallel_loop3A_882 = vector.broadcast %parallel_loop3A_405 : f32 to vector<16xf32>
          %parallel_loop3A_883 = arith.mulf %parallel_loop3A_882, %parallel_loop3A_777 : vector<16xf32>
          %parallel_loop3A_884 = arith.addf %parallel_loop3A_881, %parallel_loop3A_883 : vector<16xf32>
          %parallel_loop3A_885 = arith.constant 5 : i32
          %parallel_loop3A_886 = arith.addi %parallel_loop3A_385, %parallel_loop3A_885 : i32
          %parallel_loop3A_887 = arith.index_cast %parallel_loop3A_886 : i32 to index
          %parallel_loop3A_888 = arith.index_cast %parallel_loop3A_769 : i32 to index
          %parallel_loop3A_889 = tpu.vector_load %arg10[%parallel_loop3A_887, %parallel_loop3A_888] {strides = array<i32>} : memref<32x512xf32, #tpu.memory_space<vmem>>, vector<1x16xf32>,
          %parallel_loop3A_890 = vector.shape_cast %parallel_loop3A_889 : vector<1x16xf32> to vector<16xf32>
          %parallel_loop3A_891 = vector.shape_cast %parallel_loop3A_884 : vector<16xf32> to vector<1x16xf32>
          tpu.vector_store %arg10[%parallel_loop3A_887, %parallel_loop3A_888], %parallel_loop3A_891 {strides = array<i32>} : memref<32x512xf32, #tpu.memory_space<vmem>>, vector<1x16xf32>,
          %parallel_loop3A_892 = vector.broadcast %parallel_loop3A_439 : f32 to vector<16xf32>
          %parallel_loop3A_893 = arith.subf %parallel_loop3A_892, %parallel_loop3A_773 : vector<16xf32>
          %parallel_loop3A_894 = arith.constant 6 : i32
          %parallel_loop3A_895 = arith.addi %parallel_loop3A_385, %parallel_loop3A_894 : i32
          %parallel_loop3A_896 = arith.index_cast %parallel_loop3A_895 : i32 to index
          %parallel_loop3A_897 = arith.index_cast %parallel_loop3A_769 : i32 to index
          %parallel_loop3A_898 = tpu.vector_load %arg8[%parallel_loop3A_896, %parallel_loop3A_897] {strides = array<i32>} : memref<32x512xf32, #tpu.memory_space<vmem>>, vector<1x16xf32>,
          %parallel_loop3A_899 = vector.shape_cast %parallel_loop3A_898 : vector<1x16xf32> to vector<16xf32>
          %parallel_loop3A_900 = arith.mulf %parallel_loop3A_893, %parallel_loop3A_899 : vector<16xf32>
          %parallel_loop3A_901 = vector.broadcast %parallel_loop3A_407 : f32 to vector<16xf32>
          %parallel_loop3A_902 = arith.mulf %parallel_loop3A_901, %parallel_loop3A_777 : vector<16xf32>
          %parallel_loop3A_903 = arith.addf %parallel_loop3A_900, %parallel_loop3A_902 : vector<16xf32>
          %parallel_loop3A_904 = arith.constant 6 : i32
          %parallel_loop3A_905 = arith.addi %parallel_loop3A_385, %parallel_loop3A_904 : i32
          %parallel_loop3A_906 = arith.index_cast %parallel_loop3A_905 : i32 to index
          %parallel_loop3A_907 = arith.index_cast %parallel_loop3A_769 : i32 to index
          %parallel_loop3A_908 = tpu.vector_load %arg10[%parallel_loop3A_906, %parallel_loop3A_907] {strides = array<i32>} : memref<32x512xf32, #tpu.memory_space<vmem>>, vector<1x16xf32>,
          %parallel_loop3A_909 = vector.shape_cast %parallel_loop3A_908 : vector<1x16xf32> to vector<16xf32>
          %parallel_loop3A_910 = vector.shape_cast %parallel_loop3A_903 : vector<16xf32> to vector<1x16xf32>
          tpu.vector_store %arg10[%parallel_loop3A_906, %parallel_loop3A_907], %parallel_loop3A_910 {strides = array<i32>} : memref<32x512xf32, #tpu.memory_space<vmem>>, vector<1x16xf32>,
          %parallel_loop3A_911 = vector.broadcast %parallel_loop3A_441 : f32 to vector<16xf32>
          %parallel_loop3A_912 = arith.subf %parallel_loop3A_911, %parallel_loop3A_773 : vector<16xf32>
          %parallel_loop3A_913 = arith.constant 7 : i32
          %parallel_loop3A_914 = arith.addi %parallel_loop3A_385, %parallel_loop3A_913 : i32
          %parallel_loop3A_915 = arith.index_cast %parallel_loop3A_914 : i32 to index
          %parallel_loop3A_916 = arith.index_cast %parallel_loop3A_769 : i32 to index
          %parallel_loop3A_917 = tpu.vector_load %arg8[%parallel_loop3A_915, %parallel_loop3A_916] {strides = array<i32>} : memref<32x512xf32, #tpu.memory_space<vmem>>, vector<1x16xf32>,
          %parallel_loop3A_918 = vector.shape_cast %parallel_loop3A_917 : vector<1x16xf32> to vector<16xf32>
          %parallel_loop3A_919 = arith.mulf %parallel_loop3A_912, %parallel_loop3A_918 : vector<16xf32>
          %parallel_loop3A_920 = vector.broadcast %parallel_loop3A_409 : f32 to vector<16xf32>
          %parallel_loop3A_921 = arith.mulf %parallel_loop3A_920, %parallel_loop3A_777 : vector<16xf32>
          %parallel_loop3A_922 = arith.addf %parallel_loop3A_919, %parallel_loop3A_921 : vector<16xf32>
          %parallel_loop3A_923 = arith.constant 7 : i32
          %parallel_loop3A_924 = arith.addi %parallel_loop3A_385, %parallel_loop3A_923 : i32
          %parallel_loop3A_925 = arith.index_cast %parallel_loop3A_924 : i32 to index
          %parallel_loop3A_926 = arith.index_cast %parallel_loop3A_769 : i32 to index
          %parallel_loop3A_927 = tpu.vector_load %arg10[%parallel_loop3A_925, %parallel_loop3A_926] {strides = array<i32>} : memref<32x512xf32, #tpu.memory_space<vmem>>, vector<1x16xf32>,
          %parallel_loop3A_928 = vector.shape_cast %parallel_loop3A_927 : vector<1x16xf32> to vector<16xf32>
          %parallel_loop3A_929 = vector.shape_cast %parallel_loop3A_922 : vector<16xf32> to vector<1x16xf32>
          tpu.vector_store %arg10[%parallel_loop3A_925, %parallel_loop3A_926], %parallel_loop3A_929 {strides = array<i32>} : memref<32x512xf32, #tpu.memory_space<vmem>>, vector<1x16xf32>,
          %parallel_loop3A_930 = vector.broadcast %parallel_loop3A_443 : f32 to vector<16xf32>
          %parallel_loop3A_931 = arith.subf %parallel_loop3A_930, %parallel_loop3A_773 : vector<16xf32>
          %parallel_loop3A_932 = arith.constant 8 : i32
          %parallel_loop3A_933 = arith.addi %parallel_loop3A_385, %parallel_loop3A_932 : i32
          %parallel_loop3A_934 = arith.index_cast %parallel_loop3A_933 : i32 to index
          %parallel_loop3A_935 = arith.index_cast %parallel_loop3A_769 : i32 to index
          %parallel_loop3A_936 = tpu.vector_load %arg8[%parallel_loop3A_934, %parallel_loop3A_935] {strides = array<i32>} : memref<32x512xf32, #tpu.memory_space<vmem>>, vector<1x16xf32>,
          %parallel_loop3A_937 = vector.shape_cast %parallel_loop3A_936 : vector<1x16xf32> to vector<16xf32>
          %parallel_loop3A_938 = arith.mulf %parallel_loop3A_931, %parallel_loop3A_937 : vector<16xf32>
          %parallel_loop3A_939 = vector.broadcast %parallel_loop3A_411 : f32 to vector<16xf32>
          %parallel_loop3A_940 = arith.mulf %parallel_loop3A_939, %parallel_loop3A_777 : vector<16xf32>
          %parallel_loop3A_941 = arith.addf %parallel_loop3A_938, %parallel_loop3A_940 : vector<16xf32>
          %parallel_loop3A_942 = arith.constant 8 : i32
          %parallel_loop3A_943 = arith.addi %parallel_loop3A_385, %parallel_loop3A_942 : i32
          %parallel_loop3A_944 = arith.index_cast %parallel_loop3A_943 : i32 to index
          %parallel_loop3A_945 = arith.index_cast %parallel_loop3A_769 : i32 to index
          %parallel_loop3A_946 = tpu.vector_load %arg10[%parallel_loop3A_944, %parallel_loop3A_945] {strides = array<i32>} : memref<32x512xf32, #tpu.memory_space<vmem>>, vector<1x16xf32>,
          %parallel_loop3A_947 = vector.shape_cast %parallel_loop3A_946 : vector<1x16xf32> to vector<16xf32>
          %parallel_loop3A_948 = vector.shape_cast %parallel_loop3A_941 : vector<16xf32> to vector<1x16xf32>
          tpu.vector_store %arg10[%parallel_loop3A_944, %parallel_loop3A_945], %parallel_loop3A_948 {strides = array<i32>} : memref<32x512xf32, #tpu.memory_space<vmem>>, vector<1x16xf32>,
          %parallel_loop3A_949 = vector.broadcast %parallel_loop3A_445 : f32 to vector<16xf32>
          %parallel_loop3A_950 = arith.subf %parallel_loop3A_949, %parallel_loop3A_773 : vector<16xf32>
          %parallel_loop3A_951 = arith.constant 9 : i32
          %parallel_loop3A_952 = arith.addi %parallel_loop3A_385, %parallel_loop3A_951 : i32
          %parallel_loop3A_953 = arith.index_cast %parallel_loop3A_952 : i32 to index
          %parallel_loop3A_954 = arith.index_cast %parallel_loop3A_769 : i32 to index
          %parallel_loop3A_955 = tpu.vector_load %arg8[%parallel_loop3A_953, %parallel_loop3A_954] {strides = array<i32>} : memref<32x512xf32, #tpu.memory_space<vmem>>, vector<1x16xf32>,
          %parallel_loop3A_956 = vector.shape_cast %parallel_loop3A_955 : vector<1x16xf32> to vector<16xf32>
          %parallel_loop3A_957 = arith.mulf %parallel_loop3A_950, %parallel_loop3A_956 : vector<16xf32>
          %parallel_loop3A_958 = vector.broadcast %parallel_loop3A_413 : f32 to vector<16xf32>
          %parallel_loop3A_959 = arith.mulf %parallel_loop3A_958, %parallel_loop3A_777 : vector<16xf32>
          %parallel_loop3A_960 = arith.addf %parallel_loop3A_957, %parallel_loop3A_959 : vector<16xf32>
          %parallel_loop3A_961 = arith.constant 9 : i32
          %parallel_loop3A_962 = arith.addi %parallel_loop3A_385, %parallel_loop3A_961 : i32
          %parallel_loop3A_963 = arith.index_cast %parallel_loop3A_962 : i32 to index
          %parallel_loop3A_964 = arith.index_cast %parallel_loop3A_769 : i32 to index
          %parallel_loop3A_965 = tpu.vector_load %arg10[%parallel_loop3A_963, %parallel_loop3A_964] {strides = array<i32>} : memref<32x512xf32, #tpu.memory_space<vmem>>, vector<1x16xf32>,
          %parallel_loop3A_966 = vector.shape_cast %parallel_loop3A_965 : vector<1x16xf32> to vector<16xf32>
          %parallel_loop3A_967 = vector.shape_cast %parallel_loop3A_960 : vector<16xf32> to vector<1x16xf32>
          tpu.vector_store %arg10[%parallel_loop3A_963, %parallel_loop3A_964], %parallel_loop3A_967 {strides = array<i32>} : memref<32x512xf32, #tpu.memory_space<vmem>>, vector<1x16xf32>,
          %parallel_loop3A_968 = vector.broadcast %parallel_loop3A_447 : f32 to vector<16xf32>
          %parallel_loop3A_969 = arith.subf %parallel_loop3A_968, %parallel_loop3A_773 : vector<16xf32>
          %parallel_loop3A_970 = arith.constant 10 : i32
          %parallel_loop3A_971 = arith.addi %parallel_loop3A_385, %parallel_loop3A_970 : i32
          %parallel_loop3A_972 = arith.index_cast %parallel_loop3A_971 : i32 to index
          %parallel_loop3A_973 = arith.index_cast %parallel_loop3A_769 : i32 to index
          %parallel_loop3A_974 = tpu.vector_load %arg8[%parallel_loop3A_972, %parallel_loop3A_973] {strides = array<i32>} : memref<32x512xf32, #tpu.memory_space<vmem>>, vector<1x16xf32>,
          %parallel_loop3A_975 = vector.shape_cast %parallel_loop3A_974 : vector<1x16xf32> to vector<16xf32>
          %parallel_loop3A_976 = arith.mulf %parallel_loop3A_969, %parallel_loop3A_975 : vector<16xf32>
          %parallel_loop3A_977 = vector.broadcast %parallel_loop3A_415 : f32 to vector<16xf32>
          %parallel_loop3A_978 = arith.mulf %parallel_loop3A_977, %parallel_loop3A_777 : vector<16xf32>
          %parallel_loop3A_979 = arith.addf %parallel_loop3A_976, %parallel_loop3A_978 : vector<16xf32>
          %parallel_loop3A_980 = arith.constant 10 : i32
          %parallel_loop3A_981 = arith.addi %parallel_loop3A_385, %parallel_loop3A_980 : i32
          %parallel_loop3A_982 = arith.index_cast %parallel_loop3A_981 : i32 to index
          %parallel_loop3A_983 = arith.index_cast %parallel_loop3A_769 : i32 to index
          %parallel_loop3A_984 = tpu.vector_load %arg10[%parallel_loop3A_982, %parallel_loop3A_983] {strides = array<i32>} : memref<32x512xf32, #tpu.memory_space<vmem>>, vector<1x16xf32>,
          %parallel_loop3A_985 = vector.shape_cast %parallel_loop3A_984 : vector<1x16xf32> to vector<16xf32>
          %parallel_loop3A_986 = vector.shape_cast %parallel_loop3A_979 : vector<16xf32> to vector<1x16xf32>
          tpu.vector_store %arg10[%parallel_loop3A_982, %parallel_loop3A_983], %parallel_loop3A_986 {strides = array<i32>} : memref<32x512xf32, #tpu.memory_space<vmem>>, vector<1x16xf32>,
          %parallel_loop3A_987 = vector.broadcast %parallel_loop3A_449 : f32 to vector<16xf32>
          %parallel_loop3A_988 = arith.subf %parallel_loop3A_987, %parallel_loop3A_773 : vector<16xf32>
          %parallel_loop3A_989 = arith.constant 11 : i32
          %parallel_loop3A_990 = arith.addi %parallel_loop3A_385, %parallel_loop3A_989 : i32
          %parallel_loop3A_991 = arith.index_cast %parallel_loop3A_990 : i32 to index
          %parallel_loop3A_992 = arith.index_cast %parallel_loop3A_769 : i32 to index
          %parallel_loop3A_993 = tpu.vector_load %arg8[%parallel_loop3A_991, %parallel_loop3A_992] {strides = array<i32>} : memref<32x512xf32, #tpu.memory_space<vmem>>, vector<1x16xf32>,
          %parallel_loop3A_994 = vector.shape_cast %parallel_loop3A_993 : vector<1x16xf32> to vector<16xf32>
          %parallel_loop3A_995 = arith.mulf %parallel_loop3A_988, %parallel_loop3A_994 : vector<16xf32>
          %parallel_loop3A_996 = vector.broadcast %parallel_loop3A_417 : f32 to vector<16xf32>
          %parallel_loop3A_997 = arith.mulf %parallel_loop3A_996, %parallel_loop3A_777 : vector<16xf32>
          %parallel_loop3A_998 = arith.addf %parallel_loop3A_995, %parallel_loop3A_997 : vector<16xf32>
          %parallel_loop3A_999 = arith.constant 11 : i32
          %parallel_loop3A_1000 = arith.addi %parallel_loop3A_385, %parallel_loop3A_999 : i32
          %parallel_loop3A_1001 = arith.index_cast %parallel_loop3A_1000 : i32 to index
          %parallel_loop3A_1002 = arith.index_cast %parallel_loop3A_769 : i32 to index
          %parallel_loop3A_1003 = tpu.vector_load %arg10[%parallel_loop3A_1001, %parallel_loop3A_1002] {strides = array<i32>} : memref<32x512xf32, #tpu.memory_space<vmem>>, vector<1x16xf32>,
          %parallel_loop3A_1004 = vector.shape_cast %parallel_loop3A_1003 : vector<1x16xf32> to vector<16xf32>
          %parallel_loop3A_1005 = vector.shape_cast %parallel_loop3A_998 : vector<16xf32> to vector<1x16xf32>
          tpu.vector_store %arg10[%parallel_loop3A_1001, %parallel_loop3A_1002], %parallel_loop3A_1005 {strides = array<i32>} : memref<32x512xf32, #tpu.memory_space<vmem>>, vector<1x16xf32>,
          %parallel_loop3A_1006 = vector.broadcast %parallel_loop3A_451 : f32 to vector<16xf32>
          %parallel_loop3A_1007 = arith.subf %parallel_loop3A_1006, %parallel_loop3A_773 : vector<16xf32>
          %parallel_loop3A_1008 = arith.constant 12 : i32
          %parallel_loop3A_1009 = arith.addi %parallel_loop3A_385, %parallel_loop3A_1008 : i32
          %parallel_loop3A_1010 = arith.index_cast %parallel_loop3A_1009 : i32 to index
          %parallel_loop3A_1011 = arith.index_cast %parallel_loop3A_769 : i32 to index
          %parallel_loop3A_1012 = tpu.vector_load %arg8[%parallel_loop3A_1010, %parallel_loop3A_1011] {strides = array<i32>} : memref<32x512xf32, #tpu.memory_space<vmem>>, vector<1x16xf32>,
          %parallel_loop3A_1013 = vector.shape_cast %parallel_loop3A_1012 : vector<1x16xf32> to vector<16xf32>
          %parallel_loop3A_1014 = arith.mulf %parallel_loop3A_1007, %parallel_loop3A_1013 : vector<16xf32>
          %parallel_loop3A_1015 = vector.broadcast %parallel_loop3A_419 : f32 to vector<16xf32>
          %parallel_loop3A_1016 = arith.mulf %parallel_loop3A_1015, %parallel_loop3A_777 : vector<16xf32>
          %parallel_loop3A_1017 = arith.addf %parallel_loop3A_1014, %parallel_loop3A_1016 : vector<16xf32>
          %parallel_loop3A_1018 = arith.constant 12 : i32
          %parallel_loop3A_1019 = arith.addi %parallel_loop3A_385, %parallel_loop3A_1018 : i32
          %parallel_loop3A_1020 = arith.index_cast %parallel_loop3A_1019 : i32 to index
          %parallel_loop3A_1021 = arith.index_cast %parallel_loop3A_769 : i32 to index
          %parallel_loop3A_1022 = tpu.vector_load %arg10[%parallel_loop3A_1020, %parallel_loop3A_1021] {strides = array<i32>} : memref<32x512xf32, #tpu.memory_space<vmem>>, vector<1x16xf32>,
          %parallel_loop3A_1023 = vector.shape_cast %parallel_loop3A_1022 : vector<1x16xf32> to vector<16xf32>
          %parallel_loop3A_1024 = vector.shape_cast %parallel_loop3A_1017 : vector<16xf32> to vector<1x16xf32>
          tpu.vector_store %arg10[%parallel_loop3A_1020, %parallel_loop3A_1021], %parallel_loop3A_1024 {strides = array<i32>} : memref<32x512xf32, #tpu.memory_space<vmem>>, vector<1x16xf32>,
          %parallel_loop3A_1025 = vector.broadcast %parallel_loop3A_453 : f32 to vector<16xf32>
          %parallel_loop3A_1026 = arith.subf %parallel_loop3A_1025, %parallel_loop3A_773 : vector<16xf32>
          %parallel_loop3A_1027 = arith.constant 13 : i32
          %parallel_loop3A_1028 = arith.addi %parallel_loop3A_385, %parallel_loop3A_1027 : i32
          %parallel_loop3A_1029 = arith.index_cast %parallel_loop3A_1028 : i32 to index
          %parallel_loop3A_1030 = arith.index_cast %parallel_loop3A_769 : i32 to index
          %parallel_loop3A_1031 = tpu.vector_load %arg8[%parallel_loop3A_1029, %parallel_loop3A_1030] {strides = array<i32>} : memref<32x512xf32, #tpu.memory_space<vmem>>, vector<1x16xf32>,
          %parallel_loop3A_1032 = vector.shape_cast %parallel_loop3A_1031 : vector<1x16xf32> to vector<16xf32>
          %parallel_loop3A_1033 = arith.mulf %parallel_loop3A_1026, %parallel_loop3A_1032 : vector<16xf32>
          %parallel_loop3A_1034 = vector.broadcast %parallel_loop3A_421 : f32 to vector<16xf32>
          %parallel_loop3A_1035 = arith.mulf %parallel_loop3A_1034, %parallel_loop3A_777 : vector<16xf32>
          %parallel_loop3A_1036 = arith.addf %parallel_loop3A_1033, %parallel_loop3A_1035 : vector<16xf32>
          %parallel_loop3A_1037 = arith.constant 13 : i32
          %parallel_loop3A_1038 = arith.addi %parallel_loop3A_385, %parallel_loop3A_1037 : i32
          %parallel_loop3A_1039 = arith.index_cast %parallel_loop3A_1038 : i32 to index
          %parallel_loop3A_1040 = arith.index_cast %parallel_loop3A_769 : i32 to index
          %parallel_loop3A_1041 = tpu.vector_load %arg10[%parallel_loop3A_1039, %parallel_loop3A_1040] {strides = array<i32>} : memref<32x512xf32, #tpu.memory_space<vmem>>, vector<1x16xf32>,
          %parallel_loop3A_1042 = vector.shape_cast %parallel_loop3A_1041 : vector<1x16xf32> to vector<16xf32>
          %parallel_loop3A_1043 = vector.shape_cast %parallel_loop3A_1036 : vector<16xf32> to vector<1x16xf32>
          tpu.vector_store %arg10[%parallel_loop3A_1039, %parallel_loop3A_1040], %parallel_loop3A_1043 {strides = array<i32>} : memref<32x512xf32, #tpu.memory_space<vmem>>, vector<1x16xf32>,
          %parallel_loop3A_1044 = vector.broadcast %parallel_loop3A_455 : f32 to vector<16xf32>
          %parallel_loop3A_1045 = arith.subf %parallel_loop3A_1044, %parallel_loop3A_773 : vector<16xf32>
          %parallel_loop3A_1046 = arith.constant 14 : i32
          %parallel_loop3A_1047 = arith.addi %parallel_loop3A_385, %parallel_loop3A_1046 : i32
          %parallel_loop3A_1048 = arith.index_cast %parallel_loop3A_1047 : i32 to index
          %parallel_loop3A_1049 = arith.index_cast %parallel_loop3A_769 : i32 to index
          %parallel_loop3A_1050 = tpu.vector_load %arg8[%parallel_loop3A_1048, %parallel_loop3A_1049] {strides = array<i32>} : memref<32x512xf32, #tpu.memory_space<vmem>>, vector<1x16xf32>,
          %parallel_loop3A_1051 = vector.shape_cast %parallel_loop3A_1050 : vector<1x16xf32> to vector<16xf32>
          %parallel_loop3A_1052 = arith.mulf %parallel_loop3A_1045, %parallel_loop3A_1051 : vector<16xf32>
          %parallel_loop3A_1053 = vector.broadcast %parallel_loop3A_423 : f32 to vector<16xf32>
          %parallel_loop3A_1054 = arith.mulf %parallel_loop3A_1053, %parallel_loop3A_777 : vector<16xf32>
          %parallel_loop3A_1055 = arith.addf %parallel_loop3A_1052, %parallel_loop3A_1054 : vector<16xf32>
          %parallel_loop3A_1056 = arith.constant 14 : i32
          %parallel_loop3A_1057 = arith.addi %parallel_loop3A_385, %parallel_loop3A_1056 : i32
          %parallel_loop3A_1058 = arith.index_cast %parallel_loop3A_1057 : i32 to index
          %parallel_loop3A_1059 = arith.index_cast %parallel_loop3A_769 : i32 to index
          %parallel_loop3A_1060 = tpu.vector_load %arg10[%parallel_loop3A_1058, %parallel_loop3A_1059] {strides = array<i32>} : memref<32x512xf32, #tpu.memory_space<vmem>>, vector<1x16xf32>,
          %parallel_loop3A_1061 = vector.shape_cast %parallel_loop3A_1060 : vector<1x16xf32> to vector<16xf32>
          %parallel_loop3A_1062 = vector.shape_cast %parallel_loop3A_1055 : vector<16xf32> to vector<1x16xf32>
          tpu.vector_store %arg10[%parallel_loop3A_1058, %parallel_loop3A_1059], %parallel_loop3A_1062 {strides = array<i32>} : memref<32x512xf32, #tpu.memory_space<vmem>>, vector<1x16xf32>,
          %parallel_loop3A_1063 = vector.broadcast %parallel_loop3A_457 : f32 to vector<16xf32>
          %parallel_loop3A_1064 = arith.subf %parallel_loop3A_1063, %parallel_loop3A_773 : vector<16xf32>
          %parallel_loop3A_1065 = arith.constant 15 : i32
          %parallel_loop3A_1066 = arith.addi %parallel_loop3A_385, %parallel_loop3A_1065 : i32
          %parallel_loop3A_1067 = arith.index_cast %parallel_loop3A_1066 : i32 to index
          %parallel_loop3A_1068 = arith.index_cast %parallel_loop3A_769 : i32 to index
          %parallel_loop3A_1069 = tpu.vector_load %arg8[%parallel_loop3A_1067, %parallel_loop3A_1068] {strides = array<i32>} : memref<32x512xf32, #tpu.memory_space<vmem>>, vector<1x16xf32>,
          %parallel_loop3A_1070 = vector.shape_cast %parallel_loop3A_1069 : vector<1x16xf32> to vector<16xf32>
          %parallel_loop3A_1071 = arith.mulf %parallel_loop3A_1064, %parallel_loop3A_1070 : vector<16xf32>
          %parallel_loop3A_1072 = vector.broadcast %parallel_loop3A_425 : f32 to vector<16xf32>
          %parallel_loop3A_1073 = arith.mulf %parallel_loop3A_1072, %parallel_loop3A_777 : vector<16xf32>
          %parallel_loop3A_1074 = arith.addf %parallel_loop3A_1071, %parallel_loop3A_1073 : vector<16xf32>
          %parallel_loop3A_1075 = arith.constant 15 : i32
          %parallel_loop3A_1076 = arith.addi %parallel_loop3A_385, %parallel_loop3A_1075 : i32
          %parallel_loop3A_1077 = arith.index_cast %parallel_loop3A_1076 : i32 to index
          %parallel_loop3A_1078 = arith.index_cast %parallel_loop3A_769 : i32 to index
          %parallel_loop3A_1079 = tpu.vector_load %arg10[%parallel_loop3A_1077, %parallel_loop3A_1078] {strides = array<i32>} : memref<32x512xf32, #tpu.memory_space<vmem>>, vector<1x16xf32>,
          %parallel_loop3A_1080 = vector.shape_cast %parallel_loop3A_1079 : vector<1x16xf32> to vector<16xf32>
          %parallel_loop3A_1081 = vector.shape_cast %parallel_loop3A_1074 : vector<16xf32> to vector<1x16xf32>
          tpu.vector_store %arg10[%parallel_loop3A_1077, %parallel_loop3A_1078], %parallel_loop3A_1081 {strides = array<i32>} : memref<32x512xf32, #tpu.memory_space<vmem>>, vector<1x16xf32>,
        } {sc.loop_unroll_factor = 1 : i64, sc.parallel_access}
        %parallel_loop3A_461 = arith.addi %mul3A_155, %parallel_loop3A_385 : i32
        %parallel_loop3A_462 = tpu.iota {dimensions = array<i32: 0>} : vector<16xi32>
        %parallel_loop3A_463 = arith.constant 0 : i32
        %parallel_loop3A_464 = arith.addi %parallel_loop3A_385, %parallel_loop3A_463 : i32
        %parallel_loop3A_465 = arith.index_cast %parallel_loop3A_464 : i32 to index
        %parallel_loop3A_466 = arith.index_cast %parallel_loop3A_461 : i32 to index
        %parallel_loop3A_467 = tpu.vector_load %arg10[%parallel_loop3A_465, %parallel_loop3A_466] {strides = array<i32>} : memref<32x512xf32, #tpu.memory_space<vmem>>, vector<1x16xf32>,
        %parallel_loop3A_468 = vector.shape_cast %parallel_loop3A_467 : vector<1x16xf32> to vector<16xf32>
        %parallel_loop3A_469 = arith.constant 0 : i32
        %parallel_loop3A_470 = vector.broadcast %parallel_loop3A_469 : i32 to vector<16xi32>
        %parallel_loop3A_471 = arith.cmpi eq, %parallel_loop3A_462, %parallel_loop3A_470 : vector<16xi32>
        %parallel_loop3A_472 = arith.constant 0.000000e+00 : f32
        %parallel_loop3A_473 = vector.broadcast %parallel_loop3A_472 : f32 to vector<16xf32>
        %parallel_loop3A_474 = arith.select %parallel_loop3A_471, %parallel_loop3A_473, %parallel_loop3A_468 : vector<16xi1>, vector<16xf32>
        %parallel_loop3A_475 = arith.constant 0 : i32
        %parallel_loop3A_476 = arith.addi %parallel_loop3A_385, %parallel_loop3A_475 : i32
        %parallel_loop3A_477 = arith.index_cast %parallel_loop3A_476 : i32 to index
        %parallel_loop3A_478 = arith.index_cast %parallel_loop3A_461 : i32 to index
        %parallel_loop3A_479 = tpu.vector_load %arg10[%parallel_loop3A_477, %parallel_loop3A_478] {strides = array<i32>} : memref<32x512xf32, #tpu.memory_space<vmem>>, vector<1x16xf32>,
        %parallel_loop3A_480 = vector.shape_cast %parallel_loop3A_479 : vector<1x16xf32> to vector<16xf32>
        %parallel_loop3A_481 = vector.shape_cast %parallel_loop3A_474 : vector<16xf32> to vector<1x16xf32>
        tpu.vector_store %arg10[%parallel_loop3A_477, %parallel_loop3A_478], %parallel_loop3A_481 {strides = array<i32>} : memref<32x512xf32, #tpu.memory_space<vmem>>, vector<1x16xf32>,
        %parallel_loop3A_482 = arith.constant 1 : i32
        %parallel_loop3A_483 = arith.addi %parallel_loop3A_385, %parallel_loop3A_482 : i32
        %parallel_loop3A_484 = arith.index_cast %parallel_loop3A_483 : i32 to index
        %parallel_loop3A_485 = arith.index_cast %parallel_loop3A_461 : i32 to index
        %parallel_loop3A_486 = tpu.vector_load %arg10[%parallel_loop3A_484, %parallel_loop3A_485] {strides = array<i32>} : memref<32x512xf32, #tpu.memory_space<vmem>>, vector<1x16xf32>,
        %parallel_loop3A_487 = vector.shape_cast %parallel_loop3A_486 : vector<1x16xf32> to vector<16xf32>
        %parallel_loop3A_488 = arith.constant 1 : i32
        %parallel_loop3A_489 = vector.broadcast %parallel_loop3A_488 : i32 to vector<16xi32>
        %parallel_loop3A_490 = arith.cmpi eq, %parallel_loop3A_462, %parallel_loop3A_489 : vector<16xi32>
        %parallel_loop3A_491 = arith.constant 0.000000e+00 : f32
        %parallel_loop3A_492 = vector.broadcast %parallel_loop3A_491 : f32 to vector<16xf32>
        %parallel_loop3A_493 = arith.select %parallel_loop3A_490, %parallel_loop3A_492, %parallel_loop3A_487 : vector<16xi1>, vector<16xf32>
        %parallel_loop3A_494 = arith.constant 1 : i32
        %parallel_loop3A_495 = arith.addi %parallel_loop3A_385, %parallel_loop3A_494 : i32
        %parallel_loop3A_496 = arith.index_cast %parallel_loop3A_495 : i32 to index
        %parallel_loop3A_497 = arith.index_cast %parallel_loop3A_461 : i32 to index
        %parallel_loop3A_498 = tpu.vector_load %arg10[%parallel_loop3A_496, %parallel_loop3A_497] {strides = array<i32>} : memref<32x512xf32, #tpu.memory_space<vmem>>, vector<1x16xf32>,
        %parallel_loop3A_499 = vector.shape_cast %parallel_loop3A_498 : vector<1x16xf32> to vector<16xf32>
        %parallel_loop3A_500 = vector.shape_cast %parallel_loop3A_493 : vector<16xf32> to vector<1x16xf32>
        tpu.vector_store %arg10[%parallel_loop3A_496, %parallel_loop3A_497], %parallel_loop3A_500 {strides = array<i32>} : memref<32x512xf32, #tpu.memory_space<vmem>>, vector<1x16xf32>,
        %parallel_loop3A_501 = arith.constant 2 : i32
        %parallel_loop3A_502 = arith.addi %parallel_loop3A_385, %parallel_loop3A_501 : i32
        %parallel_loop3A_503 = arith.index_cast %parallel_loop3A_502 : i32 to index
        %parallel_loop3A_504 = arith.index_cast %parallel_loop3A_461 : i32 to index
        %parallel_loop3A_505 = tpu.vector_load %arg10[%parallel_loop3A_503, %parallel_loop3A_504] {strides = array<i32>} : memref<32x512xf32, #tpu.memory_space<vmem>>, vector<1x16xf32>,
        %parallel_loop3A_506 = vector.shape_cast %parallel_loop3A_505 : vector<1x16xf32> to vector<16xf32>
        %parallel_loop3A_507 = arith.constant 2 : i32
        %parallel_loop3A_508 = vector.broadcast %parallel_loop3A_507 : i32 to vector<16xi32>
        %parallel_loop3A_509 = arith.cmpi eq, %parallel_loop3A_462, %parallel_loop3A_508 : vector<16xi32>
        %parallel_loop3A_510 = arith.constant 0.000000e+00 : f32
        %parallel_loop3A_511 = vector.broadcast %parallel_loop3A_510 : f32 to vector<16xf32>
        %parallel_loop3A_512 = arith.select %parallel_loop3A_509, %parallel_loop3A_511, %parallel_loop3A_506 : vector<16xi1>, vector<16xf32>
        %parallel_loop3A_513 = arith.constant 2 : i32
        %parallel_loop3A_514 = arith.addi %parallel_loop3A_385, %parallel_loop3A_513 : i32
        %parallel_loop3A_515 = arith.index_cast %parallel_loop3A_514 : i32 to index
        %parallel_loop3A_516 = arith.index_cast %parallel_loop3A_461 : i32 to index
        %parallel_loop3A_517 = tpu.vector_load %arg10[%parallel_loop3A_515, %parallel_loop3A_516] {strides = array<i32>} : memref<32x512xf32, #tpu.memory_space<vmem>>, vector<1x16xf32>,
        %parallel_loop3A_518 = vector.shape_cast %parallel_loop3A_517 : vector<1x16xf32> to vector<16xf32>
        %parallel_loop3A_519 = vector.shape_cast %parallel_loop3A_512 : vector<16xf32> to vector<1x16xf32>
        tpu.vector_store %arg10[%parallel_loop3A_515, %parallel_loop3A_516], %parallel_loop3A_519 {strides = array<i32>} : memref<32x512xf32, #tpu.memory_space<vmem>>, vector<1x16xf32>,
        %parallel_loop3A_520 = arith.constant 3 : i32
        %parallel_loop3A_521 = arith.addi %parallel_loop3A_385, %parallel_loop3A_520 : i32
        %parallel_loop3A_522 = arith.index_cast %parallel_loop3A_521 : i32 to index
        %parallel_loop3A_523 = arith.index_cast %parallel_loop3A_461 : i32 to index
        %parallel_loop3A_524 = tpu.vector_load %arg10[%parallel_loop3A_522, %parallel_loop3A_523] {strides = array<i32>} : memref<32x512xf32, #tpu.memory_space<vmem>>, vector<1x16xf32>,
        %parallel_loop3A_525 = vector.shape_cast %parallel_loop3A_524 : vector<1x16xf32> to vector<16xf32>
        %parallel_loop3A_526 = arith.constant 3 : i32
        %parallel_loop3A_527 = vector.broadcast %parallel_loop3A_526 : i32 to vector<16xi32>
        %parallel_loop3A_528 = arith.cmpi eq, %parallel_loop3A_462, %parallel_loop3A_527 : vector<16xi32>
        %parallel_loop3A_529 = arith.constant 0.000000e+00 : f32
        %parallel_loop3A_530 = vector.broadcast %parallel_loop3A_529 : f32 to vector<16xf32>
        %parallel_loop3A_531 = arith.select %parallel_loop3A_528, %parallel_loop3A_530, %parallel_loop3A_525 : vector<16xi1>, vector<16xf32>
        %parallel_loop3A_532 = arith.constant 3 : i32
        %parallel_loop3A_533 = arith.addi %parallel_loop3A_385, %parallel_loop3A_532 : i32
        %parallel_loop3A_534 = arith.index_cast %parallel_loop3A_533 : i32 to index
        %parallel_loop3A_535 = arith.index_cast %parallel_loop3A_461 : i32 to index
        %parallel_loop3A_536 = tpu.vector_load %arg10[%parallel_loop3A_534, %parallel_loop3A_535] {strides = array<i32>} : memref<32x512xf32, #tpu.memory_space<vmem>>, vector<1x16xf32>,
        %parallel_loop3A_537 = vector.shape_cast %parallel_loop3A_536 : vector<1x16xf32> to vector<16xf32>
        %parallel_loop3A_538 = vector.shape_cast %parallel_loop3A_531 : vector<16xf32> to vector<1x16xf32>
        tpu.vector_store %arg10[%parallel_loop3A_534, %parallel_loop3A_535], %parallel_loop3A_538 {strides = array<i32>} : memref<32x512xf32, #tpu.memory_space<vmem>>, vector<1x16xf32>,
        %parallel_loop3A_539 = arith.constant 4 : i32
        %parallel_loop3A_540 = arith.addi %parallel_loop3A_385, %parallel_loop3A_539 : i32
        %parallel_loop3A_541 = arith.index_cast %parallel_loop3A_540 : i32 to index
        %parallel_loop3A_542 = arith.index_cast %parallel_loop3A_461 : i32 to index
        %parallel_loop3A_543 = tpu.vector_load %arg10[%parallel_loop3A_541, %parallel_loop3A_542] {strides = array<i32>} : memref<32x512xf32, #tpu.memory_space<vmem>>, vector<1x16xf32>,
        %parallel_loop3A_544 = vector.shape_cast %parallel_loop3A_543 : vector<1x16xf32> to vector<16xf32>
        %parallel_loop3A_545 = arith.constant 4 : i32
        %parallel_loop3A_546 = vector.broadcast %parallel_loop3A_545 : i32 to vector<16xi32>
        %parallel_loop3A_547 = arith.cmpi eq, %parallel_loop3A_462, %parallel_loop3A_546 : vector<16xi32>
        %parallel_loop3A_548 = arith.constant 0.000000e+00 : f32
        %parallel_loop3A_549 = vector.broadcast %parallel_loop3A_548 : f32 to vector<16xf32>
        %parallel_loop3A_550 = arith.select %parallel_loop3A_547, %parallel_loop3A_549, %parallel_loop3A_544 : vector<16xi1>, vector<16xf32>
        %parallel_loop3A_551 = arith.constant 4 : i32
        %parallel_loop3A_552 = arith.addi %parallel_loop3A_385, %parallel_loop3A_551 : i32
        %parallel_loop3A_553 = arith.index_cast %parallel_loop3A_552 : i32 to index
        %parallel_loop3A_554 = arith.index_cast %parallel_loop3A_461 : i32 to index
        %parallel_loop3A_555 = tpu.vector_load %arg10[%parallel_loop3A_553, %parallel_loop3A_554] {strides = array<i32>} : memref<32x512xf32, #tpu.memory_space<vmem>>, vector<1x16xf32>,
        %parallel_loop3A_556 = vector.shape_cast %parallel_loop3A_555 : vector<1x16xf32> to vector<16xf32>
        %parallel_loop3A_557 = vector.shape_cast %parallel_loop3A_550 : vector<16xf32> to vector<1x16xf32>
        tpu.vector_store %arg10[%parallel_loop3A_553, %parallel_loop3A_554], %parallel_loop3A_557 {strides = array<i32>} : memref<32x512xf32, #tpu.memory_space<vmem>>, vector<1x16xf32>,
        %parallel_loop3A_558 = arith.constant 5 : i32
        %parallel_loop3A_559 = arith.addi %parallel_loop3A_385, %parallel_loop3A_558 : i32
        %parallel_loop3A_560 = arith.index_cast %parallel_loop3A_559 : i32 to index
        %parallel_loop3A_561 = arith.index_cast %parallel_loop3A_461 : i32 to index
        %parallel_loop3A_562 = tpu.vector_load %arg10[%parallel_loop3A_560, %parallel_loop3A_561] {strides = array<i32>} : memref<32x512xf32, #tpu.memory_space<vmem>>, vector<1x16xf32>,
        %parallel_loop3A_563 = vector.shape_cast %parallel_loop3A_562 : vector<1x16xf32> to vector<16xf32>
        %parallel_loop3A_564 = arith.constant 5 : i32
        %parallel_loop3A_565 = vector.broadcast %parallel_loop3A_564 : i32 to vector<16xi32>
        %parallel_loop3A_566 = arith.cmpi eq, %parallel_loop3A_462, %parallel_loop3A_565 : vector<16xi32>
        %parallel_loop3A_567 = arith.constant 0.000000e+00 : f32
        %parallel_loop3A_568 = vector.broadcast %parallel_loop3A_567 : f32 to vector<16xf32>
        %parallel_loop3A_569 = arith.select %parallel_loop3A_566, %parallel_loop3A_568, %parallel_loop3A_563 : vector<16xi1>, vector<16xf32>
        %parallel_loop3A_570 = arith.constant 5 : i32
        %parallel_loop3A_571 = arith.addi %parallel_loop3A_385, %parallel_loop3A_570 : i32
        %parallel_loop3A_572 = arith.index_cast %parallel_loop3A_571 : i32 to index
        %parallel_loop3A_573 = arith.index_cast %parallel_loop3A_461 : i32 to index
        %parallel_loop3A_574 = tpu.vector_load %arg10[%parallel_loop3A_572, %parallel_loop3A_573] {strides = array<i32>} : memref<32x512xf32, #tpu.memory_space<vmem>>, vector<1x16xf32>,
        %parallel_loop3A_575 = vector.shape_cast %parallel_loop3A_574 : vector<1x16xf32> to vector<16xf32>
        %parallel_loop3A_576 = vector.shape_cast %parallel_loop3A_569 : vector<16xf32> to vector<1x16xf32>
        tpu.vector_store %arg10[%parallel_loop3A_572, %parallel_loop3A_573], %parallel_loop3A_576 {strides = array<i32>} : memref<32x512xf32, #tpu.memory_space<vmem>>, vector<1x16xf32>,
        %parallel_loop3A_577 = arith.constant 6 : i32
        %parallel_loop3A_578 = arith.addi %parallel_loop3A_385, %parallel_loop3A_577 : i32
        %parallel_loop3A_579 = arith.index_cast %parallel_loop3A_578 : i32 to index
        %parallel_loop3A_580 = arith.index_cast %parallel_loop3A_461 : i32 to index
        %parallel_loop3A_581 = tpu.vector_load %arg10[%parallel_loop3A_579, %parallel_loop3A_580] {strides = array<i32>} : memref<32x512xf32, #tpu.memory_space<vmem>>, vector<1x16xf32>,
        %parallel_loop3A_582 = vector.shape_cast %parallel_loop3A_581 : vector<1x16xf32> to vector<16xf32>
        %parallel_loop3A_583 = arith.constant 6 : i32
        %parallel_loop3A_584 = vector.broadcast %parallel_loop3A_583 : i32 to vector<16xi32>
        %parallel_loop3A_585 = arith.cmpi eq, %parallel_loop3A_462, %parallel_loop3A_584 : vector<16xi32>
        %parallel_loop3A_586 = arith.constant 0.000000e+00 : f32
        %parallel_loop3A_587 = vector.broadcast %parallel_loop3A_586 : f32 to vector<16xf32>
        %parallel_loop3A_588 = arith.select %parallel_loop3A_585, %parallel_loop3A_587, %parallel_loop3A_582 : vector<16xi1>, vector<16xf32>
        %parallel_loop3A_589 = arith.constant 6 : i32
        %parallel_loop3A_590 = arith.addi %parallel_loop3A_385, %parallel_loop3A_589 : i32
        %parallel_loop3A_591 = arith.index_cast %parallel_loop3A_590 : i32 to index
        %parallel_loop3A_592 = arith.index_cast %parallel_loop3A_461 : i32 to index
        %parallel_loop3A_593 = tpu.vector_load %arg10[%parallel_loop3A_591, %parallel_loop3A_592] {strides = array<i32>} : memref<32x512xf32, #tpu.memory_space<vmem>>, vector<1x16xf32>,
        %parallel_loop3A_594 = vector.shape_cast %parallel_loop3A_593 : vector<1x16xf32> to vector<16xf32>
        %parallel_loop3A_595 = vector.shape_cast %parallel_loop3A_588 : vector<16xf32> to vector<1x16xf32>
        tpu.vector_store %arg10[%parallel_loop3A_591, %parallel_loop3A_592], %parallel_loop3A_595 {strides = array<i32>} : memref<32x512xf32, #tpu.memory_space<vmem>>, vector<1x16xf32>,
        %parallel_loop3A_596 = arith.constant 7 : i32
        %parallel_loop3A_597 = arith.addi %parallel_loop3A_385, %parallel_loop3A_596 : i32
        %parallel_loop3A_598 = arith.index_cast %parallel_loop3A_597 : i32 to index
        %parallel_loop3A_599 = arith.index_cast %parallel_loop3A_461 : i32 to index
        %parallel_loop3A_600 = tpu.vector_load %arg10[%parallel_loop3A_598, %parallel_loop3A_599] {strides = array<i32>} : memref<32x512xf32, #tpu.memory_space<vmem>>, vector<1x16xf32>,
        %parallel_loop3A_601 = vector.shape_cast %parallel_loop3A_600 : vector<1x16xf32> to vector<16xf32>
        %parallel_loop3A_602 = arith.constant 7 : i32
        %parallel_loop3A_603 = vector.broadcast %parallel_loop3A_602 : i32 to vector<16xi32>
        %parallel_loop3A_604 = arith.cmpi eq, %parallel_loop3A_462, %parallel_loop3A_603 : vector<16xi32>
        %parallel_loop3A_605 = arith.constant 0.000000e+00 : f32
        %parallel_loop3A_606 = vector.broadcast %parallel_loop3A_605 : f32 to vector<16xf32>
        %parallel_loop3A_607 = arith.select %parallel_loop3A_604, %parallel_loop3A_606, %parallel_loop3A_601 : vector<16xi1>, vector<16xf32>
        %parallel_loop3A_608 = arith.constant 7 : i32
        %parallel_loop3A_609 = arith.addi %parallel_loop3A_385, %parallel_loop3A_608 : i32
        %parallel_loop3A_610 = arith.index_cast %parallel_loop3A_609 : i32 to index
        %parallel_loop3A_611 = arith.index_cast %parallel_loop3A_461 : i32 to index
        %parallel_loop3A_612 = tpu.vector_load %arg10[%parallel_loop3A_610, %parallel_loop3A_611] {strides = array<i32>} : memref<32x512xf32, #tpu.memory_space<vmem>>, vector<1x16xf32>,
        %parallel_loop3A_613 = vector.shape_cast %parallel_loop3A_612 : vector<1x16xf32> to vector<16xf32>
        %parallel_loop3A_614 = vector.shape_cast %parallel_loop3A_607 : vector<16xf32> to vector<1x16xf32>
        tpu.vector_store %arg10[%parallel_loop3A_610, %parallel_loop3A_611], %parallel_loop3A_614 {strides = array<i32>} : memref<32x512xf32, #tpu.memory_space<vmem>>, vector<1x16xf32>,
        %parallel_loop3A_615 = arith.constant 8 : i32
        %parallel_loop3A_616 = arith.addi %parallel_loop3A_385, %parallel_loop3A_615 : i32
        %parallel_loop3A_617 = arith.index_cast %parallel_loop3A_616 : i32 to index
        %parallel_loop3A_618 = arith.index_cast %parallel_loop3A_461 : i32 to index
        %parallel_loop3A_619 = tpu.vector_load %arg10[%parallel_loop3A_617, %parallel_loop3A_618] {strides = array<i32>} : memref<32x512xf32, #tpu.memory_space<vmem>>, vector<1x16xf32>,
        %parallel_loop3A_620 = vector.shape_cast %parallel_loop3A_619 : vector<1x16xf32> to vector<16xf32>
        %parallel_loop3A_621 = arith.constant 8 : i32
        %parallel_loop3A_622 = vector.broadcast %parallel_loop3A_621 : i32 to vector<16xi32>
        %parallel_loop3A_623 = arith.cmpi eq, %parallel_loop3A_462, %parallel_loop3A_622 : vector<16xi32>
        %parallel_loop3A_624 = arith.constant 0.000000e+00 : f32
        %parallel_loop3A_625 = vector.broadcast %parallel_loop3A_624 : f32 to vector<16xf32>
        %parallel_loop3A_626 = arith.select %parallel_loop3A_623, %parallel_loop3A_625, %parallel_loop3A_620 : vector<16xi1>, vector<16xf32>
        %parallel_loop3A_627 = arith.constant 8 : i32
        %parallel_loop3A_628 = arith.addi %parallel_loop3A_385, %parallel_loop3A_627 : i32
        %parallel_loop3A_629 = arith.index_cast %parallel_loop3A_628 : i32 to index
        %parallel_loop3A_630 = arith.index_cast %parallel_loop3A_461 : i32 to index
        %parallel_loop3A_631 = tpu.vector_load %arg10[%parallel_loop3A_629, %parallel_loop3A_630] {strides = array<i32>} : memref<32x512xf32, #tpu.memory_space<vmem>>, vector<1x16xf32>,
        %parallel_loop3A_632 = vector.shape_cast %parallel_loop3A_631 : vector<1x16xf32> to vector<16xf32>
        %parallel_loop3A_633 = vector.shape_cast %parallel_loop3A_626 : vector<16xf32> to vector<1x16xf32>
        tpu.vector_store %arg10[%parallel_loop3A_629, %parallel_loop3A_630], %parallel_loop3A_633 {strides = array<i32>} : memref<32x512xf32, #tpu.memory_space<vmem>>, vector<1x16xf32>,
        %parallel_loop3A_634 = arith.constant 9 : i32
        %parallel_loop3A_635 = arith.addi %parallel_loop3A_385, %parallel_loop3A_634 : i32
        %parallel_loop3A_636 = arith.index_cast %parallel_loop3A_635 : i32 to index
        %parallel_loop3A_637 = arith.index_cast %parallel_loop3A_461 : i32 to index
        %parallel_loop3A_638 = tpu.vector_load %arg10[%parallel_loop3A_636, %parallel_loop3A_637] {strides = array<i32>} : memref<32x512xf32, #tpu.memory_space<vmem>>, vector<1x16xf32>,
        %parallel_loop3A_639 = vector.shape_cast %parallel_loop3A_638 : vector<1x16xf32> to vector<16xf32>
        %parallel_loop3A_640 = arith.constant 9 : i32
        %parallel_loop3A_641 = vector.broadcast %parallel_loop3A_640 : i32 to vector<16xi32>
        %parallel_loop3A_642 = arith.cmpi eq, %parallel_loop3A_462, %parallel_loop3A_641 : vector<16xi32>
        %parallel_loop3A_643 = arith.constant 0.000000e+00 : f32
        %parallel_loop3A_644 = vector.broadcast %parallel_loop3A_643 : f32 to vector<16xf32>
        %parallel_loop3A_645 = arith.select %parallel_loop3A_642, %parallel_loop3A_644, %parallel_loop3A_639 : vector<16xi1>, vector<16xf32>
        %parallel_loop3A_646 = arith.constant 9 : i32
        %parallel_loop3A_647 = arith.addi %parallel_loop3A_385, %parallel_loop3A_646 : i32
        %parallel_loop3A_648 = arith.index_cast %parallel_loop3A_647 : i32 to index
        %parallel_loop3A_649 = arith.index_cast %parallel_loop3A_461 : i32 to index
        %parallel_loop3A_650 = tpu.vector_load %arg10[%parallel_loop3A_648, %parallel_loop3A_649] {strides = array<i32>} : memref<32x512xf32, #tpu.memory_space<vmem>>, vector<1x16xf32>,
        %parallel_loop3A_651 = vector.shape_cast %parallel_loop3A_650 : vector<1x16xf32> to vector<16xf32>
        %parallel_loop3A_652 = vector.shape_cast %parallel_loop3A_645 : vector<16xf32> to vector<1x16xf32>
        tpu.vector_store %arg10[%parallel_loop3A_648, %parallel_loop3A_649], %parallel_loop3A_652 {strides = array<i32>} : memref<32x512xf32, #tpu.memory_space<vmem>>, vector<1x16xf32>,
        %parallel_loop3A_653 = arith.constant 10 : i32
        %parallel_loop3A_654 = arith.addi %parallel_loop3A_385, %parallel_loop3A_653 : i32
        %parallel_loop3A_655 = arith.index_cast %parallel_loop3A_654 : i32 to index
        %parallel_loop3A_656 = arith.index_cast %parallel_loop3A_461 : i32 to index
        %parallel_loop3A_657 = tpu.vector_load %arg10[%parallel_loop3A_655, %parallel_loop3A_656] {strides = array<i32>} : memref<32x512xf32, #tpu.memory_space<vmem>>, vector<1x16xf32>,
        %parallel_loop3A_658 = vector.shape_cast %parallel_loop3A_657 : vector<1x16xf32> to vector<16xf32>
        %parallel_loop3A_659 = arith.constant 10 : i32
        %parallel_loop3A_660 = vector.broadcast %parallel_loop3A_659 : i32 to vector<16xi32>
        %parallel_loop3A_661 = arith.cmpi eq, %parallel_loop3A_462, %parallel_loop3A_660 : vector<16xi32>
        %parallel_loop3A_662 = arith.constant 0.000000e+00 : f32
        %parallel_loop3A_663 = vector.broadcast %parallel_loop3A_662 : f32 to vector<16xf32>
        %parallel_loop3A_664 = arith.select %parallel_loop3A_661, %parallel_loop3A_663, %parallel_loop3A_658 : vector<16xi1>, vector<16xf32>
        %parallel_loop3A_665 = arith.constant 10 : i32
        %parallel_loop3A_666 = arith.addi %parallel_loop3A_385, %parallel_loop3A_665 : i32
        %parallel_loop3A_667 = arith.index_cast %parallel_loop3A_666 : i32 to index
        %parallel_loop3A_668 = arith.index_cast %parallel_loop3A_461 : i32 to index
        %parallel_loop3A_669 = tpu.vector_load %arg10[%parallel_loop3A_667, %parallel_loop3A_668] {strides = array<i32>} : memref<32x512xf32, #tpu.memory_space<vmem>>, vector<1x16xf32>,
        %parallel_loop3A_670 = vector.shape_cast %parallel_loop3A_669 : vector<1x16xf32> to vector<16xf32>
        %parallel_loop3A_671 = vector.shape_cast %parallel_loop3A_664 : vector<16xf32> to vector<1x16xf32>
        tpu.vector_store %arg10[%parallel_loop3A_667, %parallel_loop3A_668], %parallel_loop3A_671 {strides = array<i32>} : memref<32x512xf32, #tpu.memory_space<vmem>>, vector<1x16xf32>,
        %parallel_loop3A_672 = arith.constant 11 : i32
        %parallel_loop3A_673 = arith.addi %parallel_loop3A_385, %parallel_loop3A_672 : i32
        %parallel_loop3A_674 = arith.index_cast %parallel_loop3A_673 : i32 to index
        %parallel_loop3A_675 = arith.index_cast %parallel_loop3A_461 : i32 to index
        %parallel_loop3A_676 = tpu.vector_load %arg10[%parallel_loop3A_674, %parallel_loop3A_675] {strides = array<i32>} : memref<32x512xf32, #tpu.memory_space<vmem>>, vector<1x16xf32>,
        %parallel_loop3A_677 = vector.shape_cast %parallel_loop3A_676 : vector<1x16xf32> to vector<16xf32>
        %parallel_loop3A_678 = arith.constant 11 : i32
        %parallel_loop3A_679 = vector.broadcast %parallel_loop3A_678 : i32 to vector<16xi32>
        %parallel_loop3A_680 = arith.cmpi eq, %parallel_loop3A_462, %parallel_loop3A_679 : vector<16xi32>
        %parallel_loop3A_681 = arith.constant 0.000000e+00 : f32
        %parallel_loop3A_682 = vector.broadcast %parallel_loop3A_681 : f32 to vector<16xf32>
        %parallel_loop3A_683 = arith.select %parallel_loop3A_680, %parallel_loop3A_682, %parallel_loop3A_677 : vector<16xi1>, vector<16xf32>
        %parallel_loop3A_684 = arith.constant 11 : i32
        %parallel_loop3A_685 = arith.addi %parallel_loop3A_385, %parallel_loop3A_684 : i32
        %parallel_loop3A_686 = arith.index_cast %parallel_loop3A_685 : i32 to index
        %parallel_loop3A_687 = arith.index_cast %parallel_loop3A_461 : i32 to index
        %parallel_loop3A_688 = tpu.vector_load %arg10[%parallel_loop3A_686, %parallel_loop3A_687] {strides = array<i32>} : memref<32x512xf32, #tpu.memory_space<vmem>>, vector<1x16xf32>,
        %parallel_loop3A_689 = vector.shape_cast %parallel_loop3A_688 : vector<1x16xf32> to vector<16xf32>
        %parallel_loop3A_690 = vector.shape_cast %parallel_loop3A_683 : vector<16xf32> to vector<1x16xf32>
        tpu.vector_store %arg10[%parallel_loop3A_686, %parallel_loop3A_687], %parallel_loop3A_690 {strides = array<i32>} : memref<32x512xf32, #tpu.memory_space<vmem>>, vector<1x16xf32>,
        %parallel_loop3A_691 = arith.constant 12 : i32
        %parallel_loop3A_692 = arith.addi %parallel_loop3A_385, %parallel_loop3A_691 : i32
        %parallel_loop3A_693 = arith.index_cast %parallel_loop3A_692 : i32 to index
        %parallel_loop3A_694 = arith.index_cast %parallel_loop3A_461 : i32 to index
        %parallel_loop3A_695 = tpu.vector_load %arg10[%parallel_loop3A_693, %parallel_loop3A_694] {strides = array<i32>} : memref<32x512xf32, #tpu.memory_space<vmem>>, vector<1x16xf32>,
        %parallel_loop3A_696 = vector.shape_cast %parallel_loop3A_695 : vector<1x16xf32> to vector<16xf32>
        %parallel_loop3A_697 = arith.constant 12 : i32
        %parallel_loop3A_698 = vector.broadcast %parallel_loop3A_697 : i32 to vector<16xi32>
        %parallel_loop3A_699 = arith.cmpi eq, %parallel_loop3A_462, %parallel_loop3A_698 : vector<16xi32>
        %parallel_loop3A_700 = arith.constant 0.000000e+00 : f32
        %parallel_loop3A_701 = vector.broadcast %parallel_loop3A_700 : f32 to vector<16xf32>
        %parallel_loop3A_702 = arith.select %parallel_loop3A_699, %parallel_loop3A_701, %parallel_loop3A_696 : vector<16xi1>, vector<16xf32>
        %parallel_loop3A_703 = arith.constant 12 : i32
        %parallel_loop3A_704 = arith.addi %parallel_loop3A_385, %parallel_loop3A_703 : i32
        %parallel_loop3A_705 = arith.index_cast %parallel_loop3A_704 : i32 to index
        %parallel_loop3A_706 = arith.index_cast %parallel_loop3A_461 : i32 to index
        %parallel_loop3A_707 = tpu.vector_load %arg10[%parallel_loop3A_705, %parallel_loop3A_706] {strides = array<i32>} : memref<32x512xf32, #tpu.memory_space<vmem>>, vector<1x16xf32>,
        %parallel_loop3A_708 = vector.shape_cast %parallel_loop3A_707 : vector<1x16xf32> to vector<16xf32>
        %parallel_loop3A_709 = vector.shape_cast %parallel_loop3A_702 : vector<16xf32> to vector<1x16xf32>
        tpu.vector_store %arg10[%parallel_loop3A_705, %parallel_loop3A_706], %parallel_loop3A_709 {strides = array<i32>} : memref<32x512xf32, #tpu.memory_space<vmem>>, vector<1x16xf32>,
        %parallel_loop3A_710 = arith.constant 13 : i32
        %parallel_loop3A_711 = arith.addi %parallel_loop3A_385, %parallel_loop3A_710 : i32
        %parallel_loop3A_712 = arith.index_cast %parallel_loop3A_711 : i32 to index
        %parallel_loop3A_713 = arith.index_cast %parallel_loop3A_461 : i32 to index
        %parallel_loop3A_714 = tpu.vector_load %arg10[%parallel_loop3A_712, %parallel_loop3A_713] {strides = array<i32>} : memref<32x512xf32, #tpu.memory_space<vmem>>, vector<1x16xf32>,
        %parallel_loop3A_715 = vector.shape_cast %parallel_loop3A_714 : vector<1x16xf32> to vector<16xf32>
        %parallel_loop3A_716 = arith.constant 13 : i32
        %parallel_loop3A_717 = vector.broadcast %parallel_loop3A_716 : i32 to vector<16xi32>
        %parallel_loop3A_718 = arith.cmpi eq, %parallel_loop3A_462, %parallel_loop3A_717 : vector<16xi32>
        %parallel_loop3A_719 = arith.constant 0.000000e+00 : f32
        %parallel_loop3A_720 = vector.broadcast %parallel_loop3A_719 : f32 to vector<16xf32>
        %parallel_loop3A_721 = arith.select %parallel_loop3A_718, %parallel_loop3A_720, %parallel_loop3A_715 : vector<16xi1>, vector<16xf32>
        %parallel_loop3A_722 = arith.constant 13 : i32
        %parallel_loop3A_723 = arith.addi %parallel_loop3A_385, %parallel_loop3A_722 : i32
        %parallel_loop3A_724 = arith.index_cast %parallel_loop3A_723 : i32 to index
        %parallel_loop3A_725 = arith.index_cast %parallel_loop3A_461 : i32 to index
        %parallel_loop3A_726 = tpu.vector_load %arg10[%parallel_loop3A_724, %parallel_loop3A_725] {strides = array<i32>} : memref<32x512xf32, #tpu.memory_space<vmem>>, vector<1x16xf32>,
        %parallel_loop3A_727 = vector.shape_cast %parallel_loop3A_726 : vector<1x16xf32> to vector<16xf32>
        %parallel_loop3A_728 = vector.shape_cast %parallel_loop3A_721 : vector<16xf32> to vector<1x16xf32>
        tpu.vector_store %arg10[%parallel_loop3A_724, %parallel_loop3A_725], %parallel_loop3A_728 {strides = array<i32>} : memref<32x512xf32, #tpu.memory_space<vmem>>, vector<1x16xf32>,
        %parallel_loop3A_729 = arith.constant 14 : i32
        %parallel_loop3A_730 = arith.addi %parallel_loop3A_385, %parallel_loop3A_729 : i32
        %parallel_loop3A_731 = arith.index_cast %parallel_loop3A_730 : i32 to index
        %parallel_loop3A_732 = arith.index_cast %parallel_loop3A_461 : i32 to index
        %parallel_loop3A_733 = tpu.vector_load %arg10[%parallel_loop3A_731, %parallel_loop3A_732] {strides = array<i32>} : memref<32x512xf32, #tpu.memory_space<vmem>>, vector<1x16xf32>,
        %parallel_loop3A_734 = vector.shape_cast %parallel_loop3A_733 : vector<1x16xf32> to vector<16xf32>
        %parallel_loop3A_735 = arith.constant 14 : i32
        %parallel_loop3A_736 = vector.broadcast %parallel_loop3A_735 : i32 to vector<16xi32>
        %parallel_loop3A_737 = arith.cmpi eq, %parallel_loop3A_462, %parallel_loop3A_736 : vector<16xi32>
        %parallel_loop3A_738 = arith.constant 0.000000e+00 : f32
        %parallel_loop3A_739 = vector.broadcast %parallel_loop3A_738 : f32 to vector<16xf32>
        %parallel_loop3A_740 = arith.select %parallel_loop3A_737, %parallel_loop3A_739, %parallel_loop3A_734 : vector<16xi1>, vector<16xf32>
        %parallel_loop3A_741 = arith.constant 14 : i32
        %parallel_loop3A_742 = arith.addi %parallel_loop3A_385, %parallel_loop3A_741 : i32
        %parallel_loop3A_743 = arith.index_cast %parallel_loop3A_742 : i32 to index
        %parallel_loop3A_744 = arith.index_cast %parallel_loop3A_461 : i32 to index
        %parallel_loop3A_745 = tpu.vector_load %arg10[%parallel_loop3A_743, %parallel_loop3A_744] {strides = array<i32>} : memref<32x512xf32, #tpu.memory_space<vmem>>, vector<1x16xf32>,
        %parallel_loop3A_746 = vector.shape_cast %parallel_loop3A_745 : vector<1x16xf32> to vector<16xf32>
        %parallel_loop3A_747 = vector.shape_cast %parallel_loop3A_740 : vector<16xf32> to vector<1x16xf32>
        tpu.vector_store %arg10[%parallel_loop3A_743, %parallel_loop3A_744], %parallel_loop3A_747 {strides = array<i32>} : memref<32x512xf32, #tpu.memory_space<vmem>>, vector<1x16xf32>,
        %parallel_loop3A_748 = arith.constant 15 : i32
        %parallel_loop3A_749 = arith.addi %parallel_loop3A_385, %parallel_loop3A_748 : i32
        %parallel_loop3A_750 = arith.index_cast %parallel_loop3A_749 : i32 to index
        %parallel_loop3A_751 = arith.index_cast %parallel_loop3A_461 : i32 to index
        %parallel_loop3A_752 = tpu.vector_load %arg10[%parallel_loop3A_750, %parallel_loop3A_751] {strides = array<i32>} : memref<32x512xf32, #tpu.memory_space<vmem>>, vector<1x16xf32>,
        %parallel_loop3A_753 = vector.shape_cast %parallel_loop3A_752 : vector<1x16xf32> to vector<16xf32>
        %parallel_loop3A_754 = arith.constant 15 : i32
        %parallel_loop3A_755 = vector.broadcast %parallel_loop3A_754 : i32 to vector<16xi32>
        %parallel_loop3A_756 = arith.cmpi eq, %parallel_loop3A_462, %parallel_loop3A_755 : vector<16xi32>
        %parallel_loop3A_757 = arith.constant 0.000000e+00 : f32
        %parallel_loop3A_758 = vector.broadcast %parallel_loop3A_757 : f32 to vector<16xf32>
        %parallel_loop3A_759 = arith.select %parallel_loop3A_756, %parallel_loop3A_758, %parallel_loop3A_753 : vector<16xi1>, vector<16xf32>
        %parallel_loop3A_760 = arith.constant 15 : i32
        %parallel_loop3A_761 = arith.addi %parallel_loop3A_385, %parallel_loop3A_760 : i32
        %parallel_loop3A_762 = arith.index_cast %parallel_loop3A_761 : i32 to index
        %parallel_loop3A_763 = arith.index_cast %parallel_loop3A_461 : i32 to index
        %parallel_loop3A_764 = tpu.vector_load %arg10[%parallel_loop3A_762, %parallel_loop3A_763] {strides = array<i32>} : memref<32x512xf32, #tpu.memory_space<vmem>>, vector<1x16xf32>,
        %parallel_loop3A_765 = vector.shape_cast %parallel_loop3A_764 : vector<1x16xf32> to vector<16xf32>
        %parallel_loop3A_766 = vector.shape_cast %parallel_loop3A_759 : vector<16xf32> to vector<1x16xf32>
        tpu.vector_store %arg10[%parallel_loop3A_762, %parallel_loop3A_763], %parallel_loop3A_766 {strides = array<i32>} : memref<32x512xf32, #tpu.memory_space<vmem>>, vector<1x16xf32>,
      } {sc.loop_unroll_factor = 1 : i64, sc.parallel_access}
      %jit3A_158 = arith.constant 16 : i32
      %div3A_159 = arith.divsi %add3A_69, %jit3A_158 : i32
      %sign3A_160 = arith.constant 0 : i32
      %sign3A_161 = arith.cmpi sgt, %add3A_69, %sign3A_160 : i32
      %sign3A_162 = arith.extui %sign3A_161 : i1 to i32
      %sign3A_163 = arith.constant 0 : i32
      %sign3A_164 = arith.cmpi slt, %add3A_69, %sign3A_163 : i32
      %sign3A_165 = arith.extui %sign3A_164 : i1 to i32
      %sign3A_166 = arith.subi %sign3A_162, %sign3A_165 : i32
      %sign3A_167 = arith.constant 0 : i32
      %sign3A_168 = arith.cmpi sgt, %jit3A_158, %sign3A_167 : i32
      %sign3A_169 = arith.extui %sign3A_168 : i1 to i32
      %sign3A_170 = arith.constant 0 : i32
      %sign3A_171 = arith.cmpi slt, %jit3A_158, %sign3A_170 : i32
      %sign3A_172 = arith.extui %sign3A_171 : i1 to i32
      %sign3A_173 = arith.subi %sign3A_169, %sign3A_172 : i32
      %ne3A_174 = arith.cmpi ne, %sign3A_166, %sign3A_173 : i32
      %rem3A_175 = arith.remsi %add3A_69, %jit3A_158 : i32
      %ne3A_176 = arith.constant 0 : i32
      %ne3A_177 = arith.cmpi ne, %rem3A_175, %ne3A_176 : i32
      %and3A_178 = arith.andi %ne3A_174, %ne3A_177 : i1
      %sub3A_179 = arith.constant 1 : i32
      %sub3A_180 = arith.subi %div3A_159, %sub3A_179 : i32
      %select_n3A_181 = arith.select %and3A_178, %sub3A_180, %div3A_159 : i32
      %jit3A_182 = arith.constant 16 : i32
      %eq3A_183 = arith.constant 0 : i32
      %eq3A_184 = arith.cmpi eq, %jit3A_182, %eq3A_183 : i32
      %jit3A_185 = arith.constant 1 : i32
      %select_n3A_186 = arith.select %eq3A_184, %jit3A_185, %jit3A_182 : i32
      %rem3A_187 = arith.remsi %add3A_69, %select_n3A_186 : i32
      %ne3A_188 = arith.constant 0 : i32
      %ne3A_189 = arith.cmpi ne, %rem3A_187, %ne3A_188 : i32
      %lt3A_190 = arith.constant 0 : i32
      %lt3A_191 = arith.cmpi slt, %rem3A_187, %lt3A_190 : i32
      %lt3A_192 = arith.constant 0 : i32
      %lt3A_193 = arith.cmpi slt, %select_n3A_186, %lt3A_192 : i32
      %ne3A_194 = arith.xori %lt3A_191, %lt3A_193 : i1
      %and3A_195 = arith.andi %ne3A_194, %ne3A_189 : i1
      %add3A_196 = arith.addi %rem3A_187, %select_n3A_186 : i32
      %select_n3A_197 = arith.select %and3A_195, %add3A_196, %rem3A_187 : i32
      %mul3A_198 = arith.constant 32 : i32
      %mul3A_199 = arith.muli %select_n3A_197, %mul3A_198 : i32
      %mul3A_200 = arith.constant 2 : i32
      %mul3A_201 = arith.muli %add3A, %mul3A_200 : i32
      %add3A_202 = arith.addi %mul3A_201, %select_n3A_181 : i32
      %mul3A_203 = arith.constant 512 : i32
      %mul3A_204 = arith.muli %add3A_202, %mul3A_203 : i32
      %add3A_205 = arith.addi %mul3A_204, %mul3A_199 : i32
      %dma_start3A_206 = arith.constant 0 : i32
      %dma_start3A_207 = tpu.memref_slice %arg5[%add3A_205, %dma_start3A_206] : memref<32768x512xf32, #tpu.memory_space<hbm>> -> memref<32x512xf32, #tpu.memory_space<hbm>>
      %dma_start3A_208 = arith.constant 0 : i32
      %dma_start3A_209 = tpu.memref_slice %arg5[%add3A_205, %dma_start3A_208] : memref<32768x512xf32, #tpu.memory_space<hbm>> -> memref<32x512xf32, #tpu.memory_space<hbm>>
      tpu.enqueue_dma source(%arg10 : memref<32x512xf32, #tpu.memory_space<vmem>>) target(%dma_start3A_209 : memref<32x512xf32, #tpu.memory_space<hbm>>) target_semaphore(%arg14 : memref<!tpu.dma_semaphore, #tpu.memory_space<semaphore_mem>>)
      %add3A_210 = arith.constant 2 : i32
      %add3A_211 = arith.addi %add3A_69, %add3A_210 : i32
      %lt3A_212 = arith.constant 32 : i32
      %lt3A_213 = arith.cmpi slt, %add3A_211, %lt3A_212 : i32
      %convert_element_type3A_214 = arith.extui %lt3A_213 : i1 to i32
      %cond3A_215 = arith.constant 0 : i32
      %cond3A_216 = arith.cmpi ne, %convert_element_type3A_214, %cond3A_215 : i32
      scf.if %cond3A_216 {
        %add3A_383 = arith.constant 2 : i32
        %add3A_384 = arith.addi %add3A_69, %add3A_383 : i32
        %jit3A_385 = arith.constant 16 : i32
        %div3A_386 = arith.divsi %add3A_384, %jit3A_385 : i32
        %sign3A_387 = arith.constant 0 : i32
        %sign3A_388 = arith.cmpi sgt, %add3A_384, %sign3A_387 : i32
        %sign3A_389 = arith.extui %sign3A_388 : i1 to i32
        %sign3A_390 = arith.constant 0 : i32
        %sign3A_391 = arith.cmpi slt, %add3A_384, %sign3A_390 : i32
        %sign3A_392 = arith.extui %sign3A_391 : i1 to i32
        %sign3A_393 = arith.subi %sign3A_389, %sign3A_392 : i32
        %sign3A_394 = arith.constant 0 : i32
        %sign3A_395 = arith.cmpi sgt, %jit3A_385, %sign3A_394 : i32
        %sign3A_396 = arith.extui %sign3A_395 : i1 to i32
        %sign3A_397 = arith.constant 0 : i32
        %sign3A_398 = arith.cmpi slt, %jit3A_385, %sign3A_397 : i32
        %sign3A_399 = arith.extui %sign3A_398 : i1 to i32
        %sign3A_400 = arith.subi %sign3A_396, %sign3A_399 : i32
        %ne3A_401 = arith.cmpi ne, %sign3A_393, %sign3A_400 : i32
        %rem3A_402 = arith.remsi %add3A_384, %jit3A_385 : i32
        %ne3A_403 = arith.constant 0 : i32
        %ne3A_404 = arith.cmpi ne, %rem3A_402, %ne3A_403 : i32
        %and3A_405 = arith.andi %ne3A_401, %ne3A_404 : i1
        %sub3A_406 = arith.constant 1 : i32
        %sub3A_407 = arith.subi %div3A_386, %sub3A_406 : i32
        %select_n3A_408 = arith.select %and3A_405, %sub3A_407, %div3A_386 : i32
        %jit3A_409 = arith.constant 16 : i32
        %eq3A_410 = arith.constant 0 : i32
        %eq3A_411 = arith.cmpi eq, %jit3A_409, %eq3A_410 : i32
        %jit3A_412 = arith.constant 1 : i32
        %select_n3A_413 = arith.select %eq3A_411, %jit3A_412, %jit3A_409 : i32
        %rem3A_414 = arith.remsi %add3A_384, %select_n3A_413 : i32
        %ne3A_415 = arith.constant 0 : i32
        %ne3A_416 = arith.cmpi ne, %rem3A_414, %ne3A_415 : i32
        %lt3A_417 = arith.constant 0 : i32
        %lt3A_418 = arith.cmpi slt, %rem3A_414, %lt3A_417 : i32
        %lt3A_419 = arith.constant 0 : i32
        %lt3A_420 = arith.cmpi slt, %select_n3A_413, %lt3A_419 : i32
        %ne3A_421 = arith.xori %lt3A_418, %lt3A_420 : i1
        %and3A_422 = arith.andi %ne3A_421, %ne3A_416 : i1
        %add3A_423 = arith.addi %rem3A_414, %select_n3A_413 : i32
        %select_n3A_424 = arith.select %and3A_422, %add3A_423, %rem3A_414 : i32
        %mul3A_425 = arith.constant 32 : i32
        %mul3A_426 = arith.muli %select_n3A_424, %mul3A_425 : i32
        %mul3A_427 = arith.constant 2 : i32
        %mul3A_428 = arith.muli %add3A, %mul3A_427 : i32
        %add3A_429 = arith.addi %mul3A_428, %select_n3A_408 : i32
        %mul3A_430 = arith.constant 512 : i32
        %mul3A_431 = arith.muli %add3A_429, %mul3A_430 : i32
        %add3A_432 = arith.addi %mul3A_431, %mul3A_426 : i32
        %dma_start3A_433 = arith.constant 0 : i32
        %dma_start3A_434 = tpu.memref_slice %arg4[%add3A_432, %dma_start3A_433] : memref<32768x512xf32, #tpu.memory_space<hbm>> -> memref<32x512xf32, #tpu.memory_space<hbm>>
        %dma_start3A_435 = arith.constant 0 : i32
        %dma_start3A_436 = tpu.memref_slice %arg4[%add3A_432, %dma_start3A_435] : memref<32768x512xf32, #tpu.memory_space<hbm>> -> memref<32x512xf32, #tpu.memory_space<hbm>>
        tpu.enqueue_dma source(%dma_start3A_436 : memref<32x512xf32, #tpu.memory_space<hbm>>) target(%arg8 : memref<32x512xf32, #tpu.memory_space<vmem>>) target_semaphore(%arg12 : memref<!tpu.dma_semaphore, #tpu.memory_space<semaphore_mem>>)
      } else {
      }
      %mul3A_217 = arith.constant 2 : i32
      %mul3A_218 = arith.muli %mul3A_217, %scan3A_64 : i32
      %add3A_219 = arith.constant 1 : i32
      %add3A_220 = arith.addi %mul3A_218, %add3A_219 : i32
      %jit3A_221 = arith.constant 16 : i32
      %div3A_222 = arith.divsi %add3A_220, %jit3A_221 : i32
      %sign3A_223 = arith.constant 0 : i32
      %sign3A_224 = arith.cmpi sgt, %add3A_220, %sign3A_223 : i32
      %sign3A_225 = arith.extui %sign3A_224 : i1 to i32
      %sign3A_226 = arith.constant 0 : i32
      %sign3A_227 = arith.cmpi slt, %add3A_220, %sign3A_226 : i32
      %sign3A_228 = arith.extui %sign3A_227 : i1 to i32
      %sign3A_229 = arith.subi %sign3A_225, %sign3A_228 : i32
      %sign3A_230 = arith.constant 0 : i32
      %sign3A_231 = arith.cmpi sgt, %jit3A_221, %sign3A_230 : i32
      %sign3A_232 = arith.extui %sign3A_231 : i1 to i32
      %sign3A_233 = arith.constant 0 : i32
      %sign3A_234 = arith.cmpi slt, %jit3A_221, %sign3A_233 : i32
      %sign3A_235 = arith.extui %sign3A_234 : i1 to i32
      %sign3A_236 = arith.subi %sign3A_232, %sign3A_235 : i32
      %ne3A_237 = arith.cmpi ne, %sign3A_229, %sign3A_236 : i32
      %rem3A_238 = arith.remsi %add3A_220, %jit3A_221 : i32
      %ne3A_239 = arith.constant 0 : i32
      %ne3A_240 = arith.cmpi ne, %rem3A_238, %ne3A_239 : i32
      %and3A_241 = arith.andi %ne3A_237, %ne3A_240 : i1
      %sub3A_242 = arith.constant 1 : i32
      %sub3A_243 = arith.subi %div3A_222, %sub3A_242 : i32
      %select_n3A_244 = arith.select %and3A_241, %sub3A_243, %div3A_222 : i32
      %jit3A_245 = arith.constant 16 : i32
      %eq3A_246 = arith.constant 0 : i32
      %eq3A_247 = arith.cmpi eq, %jit3A_245, %eq3A_246 : i32
      %jit3A_248 = arith.constant 1 : i32
      %select_n3A_249 = arith.select %eq3A_247, %jit3A_248, %jit3A_245 : i32
      %rem3A_250 = arith.remsi %add3A_220, %select_n3A_249 : i32
      %ne3A_251 = arith.constant 0 : i32
      %ne3A_252 = arith.cmpi ne, %rem3A_250, %ne3A_251 : i32
      %lt3A_253 = arith.constant 0 : i32
      %lt3A_254 = arith.cmpi slt, %rem3A_250, %lt3A_253 : i32
      %lt3A_255 = arith.constant 0 : i32
      %lt3A_256 = arith.cmpi slt, %select_n3A_249, %lt3A_255 : i32
      %ne3A_257 = arith.xori %lt3A_254, %lt3A_256 : i1
      %and3A_258 = arith.andi %ne3A_257, %ne3A_252 : i1
      %add3A_259 = arith.addi %rem3A_250, %select_n3A_249 : i32
      %select_n3A_260 = arith.select %and3A_258, %add3A_259, %rem3A_250 : i32
      %mul3A_261 = arith.constant 32 : i32
      %mul3A_262 = arith.muli %select_n3A_260, %mul3A_261 : i32
      %mul3A_263 = arith.constant 2 : i32
      %mul3A_264 = arith.muli %add3A, %mul3A_263 : i32
      %add3A_265 = arith.addi %mul3A_264, %select_n3A_244 : i32
      %mul3A_266 = arith.constant 512 : i32
      %mul3A_267 = arith.muli %add3A_265, %mul3A_266 : i32
      %add3A_268 = arith.addi %mul3A_267, %mul3A_262 : i32
      %dma_wait3A_269 = arith.constant 0 : i32
      %dma_wait3A_270 = tpu.memref_slice %arg4[%add3A_268, %dma_wait3A_269] : memref<32768x512xf32, #tpu.memory_space<hbm>> -> memref<32x512xf32, #tpu.memory_space<hbm>>
      %dma_wait3A_271 = arith.constant 0 : i32
      %dma_wait3A_272 = tpu.memref_slice %arg4[%add3A_268, %dma_wait3A_271] : memref<32768x512xf32, #tpu.memory_space<hbm>> -> memref<32x512xf32, #tpu.memory_space<hbm>>
      tpu.wait_dma2 semaphore(%arg13 : memref<!tpu.dma_semaphore, #tpu.memory_space<semaphore_mem>>) src(%dma_wait3A_272 : memref<32x512xf32, #tpu.memory_space<hbm>>) dst(%arg9 : memref<32x512xf32, #tpu.memory_space<vmem>>)
      %ge3A_273 = arith.constant 2 : i32
      %ge3A_274 = arith.cmpi sge, %add3A_220, %ge3A_273 : i32
      %convert_element_type3A_275 = arith.extui %ge3A_274 : i1 to i32
      %cond3A_276 = arith.constant 0 : i32
      %cond3A_277 = arith.cmpi ne, %convert_element_type3A_275, %cond3A_276 : i32
      scf.if %cond3A_277 {
        %sub3A_383 = arith.constant 2 : i32
        %sub3A_384 = arith.subi %add3A_220, %sub3A_383 : i32
        %jit3A_385 = arith.constant 16 : i32
        %div3A_386 = arith.divsi %sub3A_384, %jit3A_385 : i32
        %sign3A_387 = arith.constant 0 : i32
        %sign3A_388 = arith.cmpi sgt, %sub3A_384, %sign3A_387 : i32
        %sign3A_389 = arith.extui %sign3A_388 : i1 to i32
        %sign3A_390 = arith.constant 0 : i32
        %sign3A_391 = arith.cmpi slt, %sub3A_384, %sign3A_390 : i32
        %sign3A_392 = arith.extui %sign3A_391 : i1 to i32
        %sign3A_393 = arith.subi %sign3A_389, %sign3A_392 : i32
        %sign3A_394 = arith.constant 0 : i32
        %sign3A_395 = arith.cmpi sgt, %jit3A_385, %sign3A_394 : i32
        %sign3A_396 = arith.extui %sign3A_395 : i1 to i32
        %sign3A_397 = arith.constant 0 : i32
        %sign3A_398 = arith.cmpi slt, %jit3A_385, %sign3A_397 : i32
        %sign3A_399 = arith.extui %sign3A_398 : i1 to i32
        %sign3A_400 = arith.subi %sign3A_396, %sign3A_399 : i32
        %ne3A_401 = arith.cmpi ne, %sign3A_393, %sign3A_400 : i32
        %rem3A_402 = arith.remsi %sub3A_384, %jit3A_385 : i32
        %ne3A_403 = arith.constant 0 : i32
        %ne3A_404 = arith.cmpi ne, %rem3A_402, %ne3A_403 : i32
        %and3A_405 = arith.andi %ne3A_401, %ne3A_404 : i1
        %sub3A_406 = arith.constant 1 : i32
        %sub3A_407 = arith.subi %div3A_386, %sub3A_406 : i32
        %select_n3A_408 = arith.select %and3A_405, %sub3A_407, %div3A_386 : i32
        %jit3A_409 = arith.constant 16 : i32
        %eq3A_410 = arith.constant 0 : i32
        %eq3A_411 = arith.cmpi eq, %jit3A_409, %eq3A_410 : i32
        %jit3A_412 = arith.constant 1 : i32
        %select_n3A_413 = arith.select %eq3A_411, %jit3A_412, %jit3A_409 : i32
        %rem3A_414 = arith.remsi %sub3A_384, %select_n3A_413 : i32
        %ne3A_415 = arith.constant 0 : i32
        %ne3A_416 = arith.cmpi ne, %rem3A_414, %ne3A_415 : i32
        %lt3A_417 = arith.constant 0 : i32
        %lt3A_418 = arith.cmpi slt, %rem3A_414, %lt3A_417 : i32
        %lt3A_419 = arith.constant 0 : i32
        %lt3A_420 = arith.cmpi slt, %select_n3A_413, %lt3A_419 : i32
        %ne3A_421 = arith.xori %lt3A_418, %lt3A_420 : i1
        %and3A_422 = arith.andi %ne3A_421, %ne3A_416 : i1
        %add3A_423 = arith.addi %rem3A_414, %select_n3A_413 : i32
        %select_n3A_424 = arith.select %and3A_422, %add3A_423, %rem3A_414 : i32
        %mul3A_425 = arith.constant 32 : i32
        %mul3A_426 = arith.muli %select_n3A_424, %mul3A_425 : i32
        %mul3A_427 = arith.constant 2 : i32
        %mul3A_428 = arith.muli %add3A, %mul3A_427 : i32
        %add3A_429 = arith.addi %mul3A_428, %select_n3A_408 : i32
        %mul3A_430 = arith.constant 512 : i32
        %mul3A_431 = arith.muli %add3A_429, %mul3A_430 : i32
        %add3A_432 = arith.addi %mul3A_431, %mul3A_426 : i32
        %dma_wait3A_433 = arith.constant 0 : i32
        %dma_wait3A_434 = tpu.memref_slice %arg5[%add3A_432, %dma_wait3A_433] : memref<32768x512xf32, #tpu.memory_space<hbm>> -> memref<32x512xf32, #tpu.memory_space<hbm>>
        %dma_wait3A_435 = arith.constant 0 : i32
        %dma_wait3A_436 = tpu.memref_slice %arg5[%add3A_432, %dma_wait3A_435] : memref<32768x512xf32, #tpu.memory_space<hbm>> -> memref<32x512xf32, #tpu.memory_space<hbm>>
        tpu.wait_dma2 semaphore(%arg15 : memref<!tpu.dma_semaphore, #tpu.memory_space<semaphore_mem>>) src(%arg11 : memref<32x512xf32, #tpu.memory_space<vmem>>) dst(%dma_wait3A_436 : memref<32x512xf32, #tpu.memory_space<hbm>>)
      } else {
      }
      %jit3A_278 = arith.constant 16 : i32
      %div3A_279 = arith.divsi %add3A_220, %jit3A_278 : i32
      %sign3A_280 = arith.constant 0 : i32
      %sign3A_281 = arith.cmpi sgt, %add3A_220, %sign3A_280 : i32
      %sign3A_282 = arith.extui %sign3A_281 : i1 to i32
      %sign3A_283 = arith.constant 0 : i32
      %sign3A_284 = arith.cmpi slt, %add3A_220, %sign3A_283 : i32
      %sign3A_285 = arith.extui %sign3A_284 : i1 to i32
      %sign3A_286 = arith.subi %sign3A_282, %sign3A_285 : i32
      %sign3A_287 = arith.constant 0 : i32
      %sign3A_288 = arith.cmpi sgt, %jit3A_278, %sign3A_287 : i32
      %sign3A_289 = arith.extui %sign3A_288 : i1 to i32
      %sign3A_290 = arith.constant 0 : i32
      %sign3A_291 = arith.cmpi slt, %jit3A_278, %sign3A_290 : i32
      %sign3A_292 = arith.extui %sign3A_291 : i1 to i32
      %sign3A_293 = arith.subi %sign3A_289, %sign3A_292 : i32
      %ne3A_294 = arith.cmpi ne, %sign3A_286, %sign3A_293 : i32
      %rem3A_295 = arith.remsi %add3A_220, %jit3A_278 : i32
      %ne3A_296 = arith.constant 0 : i32
      %ne3A_297 = arith.cmpi ne, %rem3A_295, %ne3A_296 : i32
      %and3A_298 = arith.andi %ne3A_294, %ne3A_297 : i1
      %sub3A_299 = arith.constant 1 : i32
      %sub3A_300 = arith.subi %div3A_279, %sub3A_299 : i32
      %select_n3A_301 = arith.select %and3A_298, %sub3A_300, %div3A_279 : i32
      %jit3A_302 = arith.constant 16 : i32
      %eq3A_303 = arith.constant 0 : i32
      %eq3A_304 = arith.cmpi eq, %jit3A_302, %eq3A_303 : i32
      %jit3A_305 = arith.constant 1 : i32
      %select_n3A_306 = arith.select %eq3A_304, %jit3A_305, %jit3A_302 : i32
      %rem3A_307 = arith.remsi %add3A_220, %select_n3A_306 : i32
      %ne3A_308 = arith.constant 0 : i32
      %ne3A_309 = arith.cmpi ne, %rem3A_307, %ne3A_308 : i32
      %lt3A_310 = arith.constant 0 : i32
      %lt3A_311 = arith.cmpi slt, %rem3A_307, %lt3A_310 : i32
      %lt3A_312 = arith.constant 0 : i32
      %lt3A_313 = arith.cmpi slt, %select_n3A_306, %lt3A_312 : i32
      %ne3A_314 = arith.xori %lt3A_311, %lt3A_313 : i1
      %and3A_315 = arith.andi %ne3A_314, %ne3A_309 : i1
      %add3A_316 = arith.addi %rem3A_307, %select_n3A_306 : i32
      %select_n3A_317 = arith.select %and3A_315, %add3A_316, %rem3A_307 : i32
      %mul3A_318 = arith.constant 32 : i32
      %mul3A_319 = arith.muli %select_n3A_317, %mul3A_318 : i32
      %parallel_loop3A_320 = arith.constant 0 : i32
      %parallel_loop3A_321 = arith.constant 2 : i32
      %parallel_loop3A_322 = arith.constant 1 : i32
      scf.for %parallel_loop3A_383 = %parallel_loop3A_320 to %parallel_loop3A_321 step %parallel_loop3A_322  : i32 {
        %parallel_loop3A_384 = arith.constant 16 : i32
        %parallel_loop3A_385 = arith.muli %parallel_loop3A_383, %parallel_loop3A_384 : i32
        %parallel_loop3A_386 = arith.addi %mul3A_319, %parallel_loop3A_385 : i32
        %parallel_loop3A_387 = arith.index_cast %select_n3A_301 : i32 to index
        %parallel_loop3A_388 = arith.index_cast %parallel_loop3A_386 : i32 to index
        %parallel_loop3A_389 = tpu.vector_load %arg6[%parallel_loop3A_387, %parallel_loop3A_388] {strides = array<i32>} : memref<2x512xf32, #tpu.memory_space<vmem>>, vector<1x16xf32>,
        %parallel_loop3A_390 = vector.shape_cast %parallel_loop3A_389 : vector<1x16xf32> to vector<16xf32>
        %parallel_loop3A_391 = arith.constant 1.000000e+00 : f32
        %parallel_loop3A_392 = vector.broadcast %parallel_loop3A_391 : f32 to vector<16xf32>
        %parallel_loop3A_393 = arith.subf %parallel_loop3A_392, %parallel_loop3A_390 : vector<16xf32>
        %parallel_loop3A_394 = vector.extract_strided_slice %parallel_loop3A_390 {offsets = [0], sizes = [1], strides = [1]} : vector<16xf32> to vector<1xf32>
        %parallel_loop3A_395 = vector.extract %parallel_loop3A_394[0] : f32 from vector<1xf32>
        %parallel_loop3A_396 = vector.extract_strided_slice %parallel_loop3A_390 {offsets = [1], sizes = [1], strides = [1]} : vector<16xf32> to vector<1xf32>
        %parallel_loop3A_397 = vector.extract %parallel_loop3A_396[0] : f32 from vector<1xf32>
        %parallel_loop3A_398 = vector.extract_strided_slice %parallel_loop3A_390 {offsets = [2], sizes = [1], strides = [1]} : vector<16xf32> to vector<1xf32>
        %parallel_loop3A_399 = vector.extract %parallel_loop3A_398[0] : f32 from vector<1xf32>
        %parallel_loop3A_400 = vector.extract_strided_slice %parallel_loop3A_390 {offsets = [3], sizes = [1], strides = [1]} : vector<16xf32> to vector<1xf32>
        %parallel_loop3A_401 = vector.extract %parallel_loop3A_400[0] : f32 from vector<1xf32>
        %parallel_loop3A_402 = vector.extract_strided_slice %parallel_loop3A_390 {offsets = [4], sizes = [1], strides = [1]} : vector<16xf32> to vector<1xf32>
        %parallel_loop3A_403 = vector.extract %parallel_loop3A_402[0] : f32 from vector<1xf32>
        %parallel_loop3A_404 = vector.extract_strided_slice %parallel_loop3A_390 {offsets = [5], sizes = [1], strides = [1]} : vector<16xf32> to vector<1xf32>
        %parallel_loop3A_405 = vector.extract %parallel_loop3A_404[0] : f32 from vector<1xf32>
        %parallel_loop3A_406 = vector.extract_strided_slice %parallel_loop3A_390 {offsets = [6], sizes = [1], strides = [1]} : vector<16xf32> to vector<1xf32>
        %parallel_loop3A_407 = vector.extract %parallel_loop3A_406[0] : f32 from vector<1xf32>
        %parallel_loop3A_408 = vector.extract_strided_slice %parallel_loop3A_390 {offsets = [7], sizes = [1], strides = [1]} : vector<16xf32> to vector<1xf32>
        %parallel_loop3A_409 = vector.extract %parallel_loop3A_408[0] : f32 from vector<1xf32>
        %parallel_loop3A_410 = vector.extract_strided_slice %parallel_loop3A_390 {offsets = [8], sizes = [1], strides = [1]} : vector<16xf32> to vector<1xf32>
        %parallel_loop3A_411 = vector.extract %parallel_loop3A_410[0] : f32 from vector<1xf32>
        %parallel_loop3A_412 = vector.extract_strided_slice %parallel_loop3A_390 {offsets = [9], sizes = [1], strides = [1]} : vector<16xf32> to vector<1xf32>
        %parallel_loop3A_413 = vector.extract %parallel_loop3A_412[0] : f32 from vector<1xf32>
        %parallel_loop3A_414 = vector.extract_strided_slice %parallel_loop3A_390 {offsets = [10], sizes = [1], strides = [1]} : vector<16xf32> to vector<1xf32>
        %parallel_loop3A_415 = vector.extract %parallel_loop3A_414[0] : f32 from vector<1xf32>
        %parallel_loop3A_416 = vector.extract_strided_slice %parallel_loop3A_390 {offsets = [11], sizes = [1], strides = [1]} : vector<16xf32> to vector<1xf32>
        %parallel_loop3A_417 = vector.extract %parallel_loop3A_416[0] : f32 from vector<1xf32>
        %parallel_loop3A_418 = vector.extract_strided_slice %parallel_loop3A_390 {offsets = [12], sizes = [1], strides = [1]} : vector<16xf32> to vector<1xf32>
        %parallel_loop3A_419 = vector.extract %parallel_loop3A_418[0] : f32 from vector<1xf32>
        %parallel_loop3A_420 = vector.extract_strided_slice %parallel_loop3A_390 {offsets = [13], sizes = [1], strides = [1]} : vector<16xf32> to vector<1xf32>
        %parallel_loop3A_421 = vector.extract %parallel_loop3A_420[0] : f32 from vector<1xf32>
        %parallel_loop3A_422 = vector.extract_strided_slice %parallel_loop3A_390 {offsets = [14], sizes = [1], strides = [1]} : vector<16xf32> to vector<1xf32>
        %parallel_loop3A_423 = vector.extract %parallel_loop3A_422[0] : f32 from vector<1xf32>
        %parallel_loop3A_424 = vector.extract_strided_slice %parallel_loop3A_390 {offsets = [15], sizes = [1], strides = [1]} : vector<16xf32> to vector<1xf32>
        %parallel_loop3A_425 = vector.extract %parallel_loop3A_424[0] : f32 from vector<1xf32>
        %parallel_loop3A_426 = vector.extract_strided_slice %parallel_loop3A_393 {offsets = [0], sizes = [1], strides = [1]} : vector<16xf32> to vector<1xf32>
        %parallel_loop3A_427 = vector.extract %parallel_loop3A_426[0] : f32 from vector<1xf32>
        %parallel_loop3A_428 = vector.extract_strided_slice %parallel_loop3A_393 {offsets = [1], sizes = [1], strides = [1]} : vector<16xf32> to vector<1xf32>
        %parallel_loop3A_429 = vector.extract %parallel_loop3A_428[0] : f32 from vector<1xf32>
        %parallel_loop3A_430 = vector.extract_strided_slice %parallel_loop3A_393 {offsets = [2], sizes = [1], strides = [1]} : vector<16xf32> to vector<1xf32>
        %parallel_loop3A_431 = vector.extract %parallel_loop3A_430[0] : f32 from vector<1xf32>
        %parallel_loop3A_432 = vector.extract_strided_slice %parallel_loop3A_393 {offsets = [3], sizes = [1], strides = [1]} : vector<16xf32> to vector<1xf32>
        %parallel_loop3A_433 = vector.extract %parallel_loop3A_432[0] : f32 from vector<1xf32>
        %parallel_loop3A_434 = vector.extract_strided_slice %parallel_loop3A_393 {offsets = [4], sizes = [1], strides = [1]} : vector<16xf32> to vector<1xf32>
        %parallel_loop3A_435 = vector.extract %parallel_loop3A_434[0] : f32 from vector<1xf32>
        %parallel_loop3A_436 = vector.extract_strided_slice %parallel_loop3A_393 {offsets = [5], sizes = [1], strides = [1]} : vector<16xf32> to vector<1xf32>
        %parallel_loop3A_437 = vector.extract %parallel_loop3A_436[0] : f32 from vector<1xf32>
        %parallel_loop3A_438 = vector.extract_strided_slice %parallel_loop3A_393 {offsets = [6], sizes = [1], strides = [1]} : vector<16xf32> to vector<1xf32>
        %parallel_loop3A_439 = vector.extract %parallel_loop3A_438[0] : f32 from vector<1xf32>
        %parallel_loop3A_440 = vector.extract_strided_slice %parallel_loop3A_393 {offsets = [7], sizes = [1], strides = [1]} : vector<16xf32> to vector<1xf32>
        %parallel_loop3A_441 = vector.extract %parallel_loop3A_440[0] : f32 from vector<1xf32>
        %parallel_loop3A_442 = vector.extract_strided_slice %parallel_loop3A_393 {offsets = [8], sizes = [1], strides = [1]} : vector<16xf32> to vector<1xf32>
        %parallel_loop3A_443 = vector.extract %parallel_loop3A_442[0] : f32 from vector<1xf32>
        %parallel_loop3A_444 = vector.extract_strided_slice %parallel_loop3A_393 {offsets = [9], sizes = [1], strides = [1]} : vector<16xf32> to vector<1xf32>
        %parallel_loop3A_445 = vector.extract %parallel_loop3A_444[0] : f32 from vector<1xf32>
        %parallel_loop3A_446 = vector.extract_strided_slice %parallel_loop3A_393 {offsets = [10], sizes = [1], strides = [1]} : vector<16xf32> to vector<1xf32>
        %parallel_loop3A_447 = vector.extract %parallel_loop3A_446[0] : f32 from vector<1xf32>
        %parallel_loop3A_448 = vector.extract_strided_slice %parallel_loop3A_393 {offsets = [11], sizes = [1], strides = [1]} : vector<16xf32> to vector<1xf32>
        %parallel_loop3A_449 = vector.extract %parallel_loop3A_448[0] : f32 from vector<1xf32>
        %parallel_loop3A_450 = vector.extract_strided_slice %parallel_loop3A_393 {offsets = [12], sizes = [1], strides = [1]} : vector<16xf32> to vector<1xf32>
        %parallel_loop3A_451 = vector.extract %parallel_loop3A_450[0] : f32 from vector<1xf32>
        %parallel_loop3A_452 = vector.extract_strided_slice %parallel_loop3A_393 {offsets = [13], sizes = [1], strides = [1]} : vector<16xf32> to vector<1xf32>
        %parallel_loop3A_453 = vector.extract %parallel_loop3A_452[0] : f32 from vector<1xf32>
        %parallel_loop3A_454 = vector.extract_strided_slice %parallel_loop3A_393 {offsets = [14], sizes = [1], strides = [1]} : vector<16xf32> to vector<1xf32>
        %parallel_loop3A_455 = vector.extract %parallel_loop3A_454[0] : f32 from vector<1xf32>
        %parallel_loop3A_456 = vector.extract_strided_slice %parallel_loop3A_393 {offsets = [15], sizes = [1], strides = [1]} : vector<16xf32> to vector<1xf32>
        %parallel_loop3A_457 = vector.extract %parallel_loop3A_456[0] : f32 from vector<1xf32>
        %parallel_loop3A_458 = arith.constant 0 : i32
        %parallel_loop3A_459 = arith.constant 32 : i32
        %parallel_loop3A_460 = arith.constant 1 : i32
        scf.for %parallel_loop3A_767 = %parallel_loop3A_458 to %parallel_loop3A_459 step %parallel_loop3A_460  : i32 {
          %parallel_loop3A_768 = arith.constant 16 : i32
          %parallel_loop3A_769 = arith.muli %parallel_loop3A_767, %parallel_loop3A_768 : i32
          %parallel_loop3A_770 = arith.index_cast %select_n3A_301 : i32 to index
          %parallel_loop3A_771 = arith.index_cast %parallel_loop3A_769 : i32 to index
          %parallel_loop3A_772 = tpu.vector_load %arg6[%parallel_loop3A_770, %parallel_loop3A_771] {strides = array<i32>} : memref<2x512xf32, #tpu.memory_space<vmem>>, vector<1x16xf32>,
          %parallel_loop3A_773 = vector.shape_cast %parallel_loop3A_772 : vector<1x16xf32> to vector<16xf32>
          %parallel_loop3A_774 = arith.index_cast %select_n3A_301 : i32 to index
          %parallel_loop3A_775 = arith.index_cast %parallel_loop3A_769 : i32 to index
          %parallel_loop3A_776 = tpu.vector_load %arg7[%parallel_loop3A_774, %parallel_loop3A_775] {strides = array<i32>} : memref<2x512xf32, #tpu.memory_space<vmem>>, vector<1x16xf32>,
          %parallel_loop3A_777 = vector.shape_cast %parallel_loop3A_776 : vector<1x16xf32> to vector<16xf32>
          %parallel_loop3A_778 = vector.broadcast %parallel_loop3A_427 : f32 to vector<16xf32>
          %parallel_loop3A_779 = arith.subf %parallel_loop3A_778, %parallel_loop3A_773 : vector<16xf32>
          %parallel_loop3A_780 = arith.constant 0 : i32
          %parallel_loop3A_781 = arith.addi %parallel_loop3A_385, %parallel_loop3A_780 : i32
          %parallel_loop3A_782 = arith.index_cast %parallel_loop3A_781 : i32 to index
          %parallel_loop3A_783 = arith.index_cast %parallel_loop3A_769 : i32 to index
          %parallel_loop3A_784 = tpu.vector_load %arg9[%parallel_loop3A_782, %parallel_loop3A_783] {strides = array<i32>} : memref<32x512xf32, #tpu.memory_space<vmem>>, vector<1x16xf32>,
          %parallel_loop3A_785 = vector.shape_cast %parallel_loop3A_784 : vector<1x16xf32> to vector<16xf32>
          %parallel_loop3A_786 = arith.mulf %parallel_loop3A_779, %parallel_loop3A_785 : vector<16xf32>
          %parallel_loop3A_787 = vector.broadcast %parallel_loop3A_395 : f32 to vector<16xf32>
          %parallel_loop3A_788 = arith.mulf %parallel_loop3A_787, %parallel_loop3A_777 : vector<16xf32>
          %parallel_loop3A_789 = arith.addf %parallel_loop3A_786, %parallel_loop3A_788 : vector<16xf32>
          %parallel_loop3A_790 = arith.constant 0 : i32
          %parallel_loop3A_791 = arith.addi %parallel_loop3A_385, %parallel_loop3A_790 : i32
          %parallel_loop3A_792 = arith.index_cast %parallel_loop3A_791 : i32 to index
          %parallel_loop3A_793 = arith.index_cast %parallel_loop3A_769 : i32 to index
          %parallel_loop3A_794 = tpu.vector_load %arg11[%parallel_loop3A_792, %parallel_loop3A_793] {strides = array<i32>} : memref<32x512xf32, #tpu.memory_space<vmem>>, vector<1x16xf32>,
          %parallel_loop3A_795 = vector.shape_cast %parallel_loop3A_794 : vector<1x16xf32> to vector<16xf32>
          %parallel_loop3A_796 = vector.shape_cast %parallel_loop3A_789 : vector<16xf32> to vector<1x16xf32>
          tpu.vector_store %arg11[%parallel_loop3A_792, %parallel_loop3A_793], %parallel_loop3A_796 {strides = array<i32>} : memref<32x512xf32, #tpu.memory_space<vmem>>, vector<1x16xf32>,
          %parallel_loop3A_797 = vector.broadcast %parallel_loop3A_429 : f32 to vector<16xf32>
          %parallel_loop3A_798 = arith.subf %parallel_loop3A_797, %parallel_loop3A_773 : vector<16xf32>
          %parallel_loop3A_799 = arith.constant 1 : i32
          %parallel_loop3A_800 = arith.addi %parallel_loop3A_385, %parallel_loop3A_799 : i32
          %parallel_loop3A_801 = arith.index_cast %parallel_loop3A_800 : i32 to index
          %parallel_loop3A_802 = arith.index_cast %parallel_loop3A_769 : i32 to index
          %parallel_loop3A_803 = tpu.vector_load %arg9[%parallel_loop3A_801, %parallel_loop3A_802] {strides = array<i32>} : memref<32x512xf32, #tpu.memory_space<vmem>>, vector<1x16xf32>,
          %parallel_loop3A_804 = vector.shape_cast %parallel_loop3A_803 : vector<1x16xf32> to vector<16xf32>
          %parallel_loop3A_805 = arith.mulf %parallel_loop3A_798, %parallel_loop3A_804 : vector<16xf32>
          %parallel_loop3A_806 = vector.broadcast %parallel_loop3A_397 : f32 to vector<16xf32>
          %parallel_loop3A_807 = arith.mulf %parallel_loop3A_806, %parallel_loop3A_777 : vector<16xf32>
          %parallel_loop3A_808 = arith.addf %parallel_loop3A_805, %parallel_loop3A_807 : vector<16xf32>
          %parallel_loop3A_809 = arith.constant 1 : i32
          %parallel_loop3A_810 = arith.addi %parallel_loop3A_385, %parallel_loop3A_809 : i32
          %parallel_loop3A_811 = arith.index_cast %parallel_loop3A_810 : i32 to index
          %parallel_loop3A_812 = arith.index_cast %parallel_loop3A_769 : i32 to index
          %parallel_loop3A_813 = tpu.vector_load %arg11[%parallel_loop3A_811, %parallel_loop3A_812] {strides = array<i32>} : memref<32x512xf32, #tpu.memory_space<vmem>>, vector<1x16xf32>,
          %parallel_loop3A_814 = vector.shape_cast %parallel_loop3A_813 : vector<1x16xf32> to vector<16xf32>
          %parallel_loop3A_815 = vector.shape_cast %parallel_loop3A_808 : vector<16xf32> to vector<1x16xf32>
          tpu.vector_store %arg11[%parallel_loop3A_811, %parallel_loop3A_812], %parallel_loop3A_815 {strides = array<i32>} : memref<32x512xf32, #tpu.memory_space<vmem>>, vector<1x16xf32>,
          %parallel_loop3A_816 = vector.broadcast %parallel_loop3A_431 : f32 to vector<16xf32>
          %parallel_loop3A_817 = arith.subf %parallel_loop3A_816, %parallel_loop3A_773 : vector<16xf32>
          %parallel_loop3A_818 = arith.constant 2 : i32
          %parallel_loop3A_819 = arith.addi %parallel_loop3A_385, %parallel_loop3A_818 : i32
          %parallel_loop3A_820 = arith.index_cast %parallel_loop3A_819 : i32 to index
          %parallel_loop3A_821 = arith.index_cast %parallel_loop3A_769 : i32 to index
          %parallel_loop3A_822 = tpu.vector_load %arg9[%parallel_loop3A_820, %parallel_loop3A_821] {strides = array<i32>} : memref<32x512xf32, #tpu.memory_space<vmem>>, vector<1x16xf32>,
          %parallel_loop3A_823 = vector.shape_cast %parallel_loop3A_822 : vector<1x16xf32> to vector<16xf32>
          %parallel_loop3A_824 = arith.mulf %parallel_loop3A_817, %parallel_loop3A_823 : vector<16xf32>
          %parallel_loop3A_825 = vector.broadcast %parallel_loop3A_399 : f32 to vector<16xf32>
          %parallel_loop3A_826 = arith.mulf %parallel_loop3A_825, %parallel_loop3A_777 : vector<16xf32>
          %parallel_loop3A_827 = arith.addf %parallel_loop3A_824, %parallel_loop3A_826 : vector<16xf32>
          %parallel_loop3A_828 = arith.constant 2 : i32
          %parallel_loop3A_829 = arith.addi %parallel_loop3A_385, %parallel_loop3A_828 : i32
          %parallel_loop3A_830 = arith.index_cast %parallel_loop3A_829 : i32 to index
          %parallel_loop3A_831 = arith.index_cast %parallel_loop3A_769 : i32 to index
          %parallel_loop3A_832 = tpu.vector_load %arg11[%parallel_loop3A_830, %parallel_loop3A_831] {strides = array<i32>} : memref<32x512xf32, #tpu.memory_space<vmem>>, vector<1x16xf32>,
          %parallel_loop3A_833 = vector.shape_cast %parallel_loop3A_832 : vector<1x16xf32> to vector<16xf32>
          %parallel_loop3A_834 = vector.shape_cast %parallel_loop3A_827 : vector<16xf32> to vector<1x16xf32>
          tpu.vector_store %arg11[%parallel_loop3A_830, %parallel_loop3A_831], %parallel_loop3A_834 {strides = array<i32>} : memref<32x512xf32, #tpu.memory_space<vmem>>, vector<1x16xf32>,
          %parallel_loop3A_835 = vector.broadcast %parallel_loop3A_433 : f32 to vector<16xf32>
          %parallel_loop3A_836 = arith.subf %parallel_loop3A_835, %parallel_loop3A_773 : vector<16xf32>
          %parallel_loop3A_837 = arith.constant 3 : i32
          %parallel_loop3A_838 = arith.addi %parallel_loop3A_385, %parallel_loop3A_837 : i32
          %parallel_loop3A_839 = arith.index_cast %parallel_loop3A_838 : i32 to index
          %parallel_loop3A_840 = arith.index_cast %parallel_loop3A_769 : i32 to index
          %parallel_loop3A_841 = tpu.vector_load %arg9[%parallel_loop3A_839, %parallel_loop3A_840] {strides = array<i32>} : memref<32x512xf32, #tpu.memory_space<vmem>>, vector<1x16xf32>,
          %parallel_loop3A_842 = vector.shape_cast %parallel_loop3A_841 : vector<1x16xf32> to vector<16xf32>
          %parallel_loop3A_843 = arith.mulf %parallel_loop3A_836, %parallel_loop3A_842 : vector<16xf32>
          %parallel_loop3A_844 = vector.broadcast %parallel_loop3A_401 : f32 to vector<16xf32>
          %parallel_loop3A_845 = arith.mulf %parallel_loop3A_844, %parallel_loop3A_777 : vector<16xf32>
          %parallel_loop3A_846 = arith.addf %parallel_loop3A_843, %parallel_loop3A_845 : vector<16xf32>
          %parallel_loop3A_847 = arith.constant 3 : i32
          %parallel_loop3A_848 = arith.addi %parallel_loop3A_385, %parallel_loop3A_847 : i32
          %parallel_loop3A_849 = arith.index_cast %parallel_loop3A_848 : i32 to index
          %parallel_loop3A_850 = arith.index_cast %parallel_loop3A_769 : i32 to index
          %parallel_loop3A_851 = tpu.vector_load %arg11[%parallel_loop3A_849, %parallel_loop3A_850] {strides = array<i32>} : memref<32x512xf32, #tpu.memory_space<vmem>>, vector<1x16xf32>,
          %parallel_loop3A_852 = vector.shape_cast %parallel_loop3A_851 : vector<1x16xf32> to vector<16xf32>
          %parallel_loop3A_853 = vector.shape_cast %parallel_loop3A_846 : vector<16xf32> to vector<1x16xf32>
          tpu.vector_store %arg11[%parallel_loop3A_849, %parallel_loop3A_850], %parallel_loop3A_853 {strides = array<i32>} : memref<32x512xf32, #tpu.memory_space<vmem>>, vector<1x16xf32>,
          %parallel_loop3A_854 = vector.broadcast %parallel_loop3A_435 : f32 to vector<16xf32>
          %parallel_loop3A_855 = arith.subf %parallel_loop3A_854, %parallel_loop3A_773 : vector<16xf32>
          %parallel_loop3A_856 = arith.constant 4 : i32
          %parallel_loop3A_857 = arith.addi %parallel_loop3A_385, %parallel_loop3A_856 : i32
          %parallel_loop3A_858 = arith.index_cast %parallel_loop3A_857 : i32 to index
          %parallel_loop3A_859 = arith.index_cast %parallel_loop3A_769 : i32 to index
          %parallel_loop3A_860 = tpu.vector_load %arg9[%parallel_loop3A_858, %parallel_loop3A_859] {strides = array<i32>} : memref<32x512xf32, #tpu.memory_space<vmem>>, vector<1x16xf32>,
          %parallel_loop3A_861 = vector.shape_cast %parallel_loop3A_860 : vector<1x16xf32> to vector<16xf32>
          %parallel_loop3A_862 = arith.mulf %parallel_loop3A_855, %parallel_loop3A_861 : vector<16xf32>
          %parallel_loop3A_863 = vector.broadcast %parallel_loop3A_403 : f32 to vector<16xf32>
          %parallel_loop3A_864 = arith.mulf %parallel_loop3A_863, %parallel_loop3A_777 : vector<16xf32>
          %parallel_loop3A_865 = arith.addf %parallel_loop3A_862, %parallel_loop3A_864 : vector<16xf32>
          %parallel_loop3A_866 = arith.constant 4 : i32
          %parallel_loop3A_867 = arith.addi %parallel_loop3A_385, %parallel_loop3A_866 : i32
          %parallel_loop3A_868 = arith.index_cast %parallel_loop3A_867 : i32 to index
          %parallel_loop3A_869 = arith.index_cast %parallel_loop3A_769 : i32 to index
          %parallel_loop3A_870 = tpu.vector_load %arg11[%parallel_loop3A_868, %parallel_loop3A_869] {strides = array<i32>} : memref<32x512xf32, #tpu.memory_space<vmem>>, vector<1x16xf32>,
          %parallel_loop3A_871 = vector.shape_cast %parallel_loop3A_870 : vector<1x16xf32> to vector<16xf32>
          %parallel_loop3A_872 = vector.shape_cast %parallel_loop3A_865 : vector<16xf32> to vector<1x16xf32>
          tpu.vector_store %arg11[%parallel_loop3A_868, %parallel_loop3A_869], %parallel_loop3A_872 {strides = array<i32>} : memref<32x512xf32, #tpu.memory_space<vmem>>, vector<1x16xf32>,
          %parallel_loop3A_873 = vector.broadcast %parallel_loop3A_437 : f32 to vector<16xf32>
          %parallel_loop3A_874 = arith.subf %parallel_loop3A_873, %parallel_loop3A_773 : vector<16xf32>
          %parallel_loop3A_875 = arith.constant 5 : i32
          %parallel_loop3A_876 = arith.addi %parallel_loop3A_385, %parallel_loop3A_875 : i32
          %parallel_loop3A_877 = arith.index_cast %parallel_loop3A_876 : i32 to index
          %parallel_loop3A_878 = arith.index_cast %parallel_loop3A_769 : i32 to index
          %parallel_loop3A_879 = tpu.vector_load %arg9[%parallel_loop3A_877, %parallel_loop3A_878] {strides = array<i32>} : memref<32x512xf32, #tpu.memory_space<vmem>>, vector<1x16xf32>,
          %parallel_loop3A_880 = vector.shape_cast %parallel_loop3A_879 : vector<1x16xf32> to vector<16xf32>
          %parallel_loop3A_881 = arith.mulf %parallel_loop3A_874, %parallel_loop3A_880 : vector<16xf32>
          %parallel_loop3A_882 = vector.broadcast %parallel_loop3A_405 : f32 to vector<16xf32>
          %parallel_loop3A_883 = arith.mulf %parallel_loop3A_882, %parallel_loop3A_777 : vector<16xf32>
          %parallel_loop3A_884 = arith.addf %parallel_loop3A_881, %parallel_loop3A_883 : vector<16xf32>
          %parallel_loop3A_885 = arith.constant 5 : i32
          %parallel_loop3A_886 = arith.addi %parallel_loop3A_385, %parallel_loop3A_885 : i32
          %parallel_loop3A_887 = arith.index_cast %parallel_loop3A_886 : i32 to index
          %parallel_loop3A_888 = arith.index_cast %parallel_loop3A_769 : i32 to index
          %parallel_loop3A_889 = tpu.vector_load %arg11[%parallel_loop3A_887, %parallel_loop3A_888] {strides = array<i32>} : memref<32x512xf32, #tpu.memory_space<vmem>>, vector<1x16xf32>,
          %parallel_loop3A_890 = vector.shape_cast %parallel_loop3A_889 : vector<1x16xf32> to vector<16xf32>
          %parallel_loop3A_891 = vector.shape_cast %parallel_loop3A_884 : vector<16xf32> to vector<1x16xf32>
          tpu.vector_store %arg11[%parallel_loop3A_887, %parallel_loop3A_888], %parallel_loop3A_891 {strides = array<i32>} : memref<32x512xf32, #tpu.memory_space<vmem>>, vector<1x16xf32>,
          %parallel_loop3A_892 = vector.broadcast %parallel_loop3A_439 : f32 to vector<16xf32>
          %parallel_loop3A_893 = arith.subf %parallel_loop3A_892, %parallel_loop3A_773 : vector<16xf32>
          %parallel_loop3A_894 = arith.constant 6 : i32
          %parallel_loop3A_895 = arith.addi %parallel_loop3A_385, %parallel_loop3A_894 : i32
          %parallel_loop3A_896 = arith.index_cast %parallel_loop3A_895 : i32 to index
          %parallel_loop3A_897 = arith.index_cast %parallel_loop3A_769 : i32 to index
          %parallel_loop3A_898 = tpu.vector_load %arg9[%parallel_loop3A_896, %parallel_loop3A_897] {strides = array<i32>} : memref<32x512xf32, #tpu.memory_space<vmem>>, vector<1x16xf32>,
          %parallel_loop3A_899 = vector.shape_cast %parallel_loop3A_898 : vector<1x16xf32> to vector<16xf32>
          %parallel_loop3A_900 = arith.mulf %parallel_loop3A_893, %parallel_loop3A_899 : vector<16xf32>
          %parallel_loop3A_901 = vector.broadcast %parallel_loop3A_407 : f32 to vector<16xf32>
          %parallel_loop3A_902 = arith.mulf %parallel_loop3A_901, %parallel_loop3A_777 : vector<16xf32>
          %parallel_loop3A_903 = arith.addf %parallel_loop3A_900, %parallel_loop3A_902 : vector<16xf32>
          %parallel_loop3A_904 = arith.constant 6 : i32
          %parallel_loop3A_905 = arith.addi %parallel_loop3A_385, %parallel_loop3A_904 : i32
          %parallel_loop3A_906 = arith.index_cast %parallel_loop3A_905 : i32 to index
          %parallel_loop3A_907 = arith.index_cast %parallel_loop3A_769 : i32 to index
          %parallel_loop3A_908 = tpu.vector_load %arg11[%parallel_loop3A_906, %parallel_loop3A_907] {strides = array<i32>} : memref<32x512xf32, #tpu.memory_space<vmem>>, vector<1x16xf32>,
          %parallel_loop3A_909 = vector.shape_cast %parallel_loop3A_908 : vector<1x16xf32> to vector<16xf32>
          %parallel_loop3A_910 = vector.shape_cast %parallel_loop3A_903 : vector<16xf32> to vector<1x16xf32>
          tpu.vector_store %arg11[%parallel_loop3A_906, %parallel_loop3A_907], %parallel_loop3A_910 {strides = array<i32>} : memref<32x512xf32, #tpu.memory_space<vmem>>, vector<1x16xf32>,
          %parallel_loop3A_911 = vector.broadcast %parallel_loop3A_441 : f32 to vector<16xf32>
          %parallel_loop3A_912 = arith.subf %parallel_loop3A_911, %parallel_loop3A_773 : vector<16xf32>
          %parallel_loop3A_913 = arith.constant 7 : i32
          %parallel_loop3A_914 = arith.addi %parallel_loop3A_385, %parallel_loop3A_913 : i32
          %parallel_loop3A_915 = arith.index_cast %parallel_loop3A_914 : i32 to index
          %parallel_loop3A_916 = arith.index_cast %parallel_loop3A_769 : i32 to index
          %parallel_loop3A_917 = tpu.vector_load %arg9[%parallel_loop3A_915, %parallel_loop3A_916] {strides = array<i32>} : memref<32x512xf32, #tpu.memory_space<vmem>>, vector<1x16xf32>,
          %parallel_loop3A_918 = vector.shape_cast %parallel_loop3A_917 : vector<1x16xf32> to vector<16xf32>
          %parallel_loop3A_919 = arith.mulf %parallel_loop3A_912, %parallel_loop3A_918 : vector<16xf32>
          %parallel_loop3A_920 = vector.broadcast %parallel_loop3A_409 : f32 to vector<16xf32>
          %parallel_loop3A_921 = arith.mulf %parallel_loop3A_920, %parallel_loop3A_777 : vector<16xf32>
          %parallel_loop3A_922 = arith.addf %parallel_loop3A_919, %parallel_loop3A_921 : vector<16xf32>
          %parallel_loop3A_923 = arith.constant 7 : i32
          %parallel_loop3A_924 = arith.addi %parallel_loop3A_385, %parallel_loop3A_923 : i32
          %parallel_loop3A_925 = arith.index_cast %parallel_loop3A_924 : i32 to index
          %parallel_loop3A_926 = arith.index_cast %parallel_loop3A_769 : i32 to index
          %parallel_loop3A_927 = tpu.vector_load %arg11[%parallel_loop3A_925, %parallel_loop3A_926] {strides = array<i32>} : memref<32x512xf32, #tpu.memory_space<vmem>>, vector<1x16xf32>,
          %parallel_loop3A_928 = vector.shape_cast %parallel_loop3A_927 : vector<1x16xf32> to vector<16xf32>
          %parallel_loop3A_929 = vector.shape_cast %parallel_loop3A_922 : vector<16xf32> to vector<1x16xf32>
          tpu.vector_store %arg11[%parallel_loop3A_925, %parallel_loop3A_926], %parallel_loop3A_929 {strides = array<i32>} : memref<32x512xf32, #tpu.memory_space<vmem>>, vector<1x16xf32>,
          %parallel_loop3A_930 = vector.broadcast %parallel_loop3A_443 : f32 to vector<16xf32>
          %parallel_loop3A_931 = arith.subf %parallel_loop3A_930, %parallel_loop3A_773 : vector<16xf32>
          %parallel_loop3A_932 = arith.constant 8 : i32
          %parallel_loop3A_933 = arith.addi %parallel_loop3A_385, %parallel_loop3A_932 : i32
          %parallel_loop3A_934 = arith.index_cast %parallel_loop3A_933 : i32 to index
          %parallel_loop3A_935 = arith.index_cast %parallel_loop3A_769 : i32 to index
          %parallel_loop3A_936 = tpu.vector_load %arg9[%parallel_loop3A_934, %parallel_loop3A_935] {strides = array<i32>} : memref<32x512xf32, #tpu.memory_space<vmem>>, vector<1x16xf32>,
          %parallel_loop3A_937 = vector.shape_cast %parallel_loop3A_936 : vector<1x16xf32> to vector<16xf32>
          %parallel_loop3A_938 = arith.mulf %parallel_loop3A_931, %parallel_loop3A_937 : vector<16xf32>
          %parallel_loop3A_939 = vector.broadcast %parallel_loop3A_411 : f32 to vector<16xf32>
          %parallel_loop3A_940 = arith.mulf %parallel_loop3A_939, %parallel_loop3A_777 : vector<16xf32>
          %parallel_loop3A_941 = arith.addf %parallel_loop3A_938, %parallel_loop3A_940 : vector<16xf32>
          %parallel_loop3A_942 = arith.constant 8 : i32
          %parallel_loop3A_943 = arith.addi %parallel_loop3A_385, %parallel_loop3A_942 : i32
          %parallel_loop3A_944 = arith.index_cast %parallel_loop3A_943 : i32 to index
          %parallel_loop3A_945 = arith.index_cast %parallel_loop3A_769 : i32 to index
          %parallel_loop3A_946 = tpu.vector_load %arg11[%parallel_loop3A_944, %parallel_loop3A_945] {strides = array<i32>} : memref<32x512xf32, #tpu.memory_space<vmem>>, vector<1x16xf32>,
          %parallel_loop3A_947 = vector.shape_cast %parallel_loop3A_946 : vector<1x16xf32> to vector<16xf32>
          %parallel_loop3A_948 = vector.shape_cast %parallel_loop3A_941 : vector<16xf32> to vector<1x16xf32>
          tpu.vector_store %arg11[%parallel_loop3A_944, %parallel_loop3A_945], %parallel_loop3A_948 {strides = array<i32>} : memref<32x512xf32, #tpu.memory_space<vmem>>, vector<1x16xf32>,
          %parallel_loop3A_949 = vector.broadcast %parallel_loop3A_445 : f32 to vector<16xf32>
          %parallel_loop3A_950 = arith.subf %parallel_loop3A_949, %parallel_loop3A_773 : vector<16xf32>
          %parallel_loop3A_951 = arith.constant 9 : i32
          %parallel_loop3A_952 = arith.addi %parallel_loop3A_385, %parallel_loop3A_951 : i32
          %parallel_loop3A_953 = arith.index_cast %parallel_loop3A_952 : i32 to index
          %parallel_loop3A_954 = arith.index_cast %parallel_loop3A_769 : i32 to index
          %parallel_loop3A_955 = tpu.vector_load %arg9[%parallel_loop3A_953, %parallel_loop3A_954] {strides = array<i32>} : memref<32x512xf32, #tpu.memory_space<vmem>>, vector<1x16xf32>,
          %parallel_loop3A_956 = vector.shape_cast %parallel_loop3A_955 : vector<1x16xf32> to vector<16xf32>
          %parallel_loop3A_957 = arith.mulf %parallel_loop3A_950, %parallel_loop3A_956 : vector<16xf32>
          %parallel_loop3A_958 = vector.broadcast %parallel_loop3A_413 : f32 to vector<16xf32>
          %parallel_loop3A_959 = arith.mulf %parallel_loop3A_958, %parallel_loop3A_777 : vector<16xf32>
          %parallel_loop3A_960 = arith.addf %parallel_loop3A_957, %parallel_loop3A_959 : vector<16xf32>
          %parallel_loop3A_961 = arith.constant 9 : i32
          %parallel_loop3A_962 = arith.addi %parallel_loop3A_385, %parallel_loop3A_961 : i32
          %parallel_loop3A_963 = arith.index_cast %parallel_loop3A_962 : i32 to index
          %parallel_loop3A_964 = arith.index_cast %parallel_loop3A_769 : i32 to index
          %parallel_loop3A_965 = tpu.vector_load %arg11[%parallel_loop3A_963, %parallel_loop3A_964] {strides = array<i32>} : memref<32x512xf32, #tpu.memory_space<vmem>>, vector<1x16xf32>,
          %parallel_loop3A_966 = vector.shape_cast %parallel_loop3A_965 : vector<1x16xf32> to vector<16xf32>
          %parallel_loop3A_967 = vector.shape_cast %parallel_loop3A_960 : vector<16xf32> to vector<1x16xf32>
          tpu.vector_store %arg11[%parallel_loop3A_963, %parallel_loop3A_964], %parallel_loop3A_967 {strides = array<i32>} : memref<32x512xf32, #tpu.memory_space<vmem>>, vector<1x16xf32>,
          %parallel_loop3A_968 = vector.broadcast %parallel_loop3A_447 : f32 to vector<16xf32>
          %parallel_loop3A_969 = arith.subf %parallel_loop3A_968, %parallel_loop3A_773 : vector<16xf32>
          %parallel_loop3A_970 = arith.constant 10 : i32
          %parallel_loop3A_971 = arith.addi %parallel_loop3A_385, %parallel_loop3A_970 : i32
          %parallel_loop3A_972 = arith.index_cast %parallel_loop3A_971 : i32 to index
          %parallel_loop3A_973 = arith.index_cast %parallel_loop3A_769 : i32 to index
          %parallel_loop3A_974 = tpu.vector_load %arg9[%parallel_loop3A_972, %parallel_loop3A_973] {strides = array<i32>} : memref<32x512xf32, #tpu.memory_space<vmem>>, vector<1x16xf32>,
          %parallel_loop3A_975 = vector.shape_cast %parallel_loop3A_974 : vector<1x16xf32> to vector<16xf32>
          %parallel_loop3A_976 = arith.mulf %parallel_loop3A_969, %parallel_loop3A_975 : vector<16xf32>
          %parallel_loop3A_977 = vector.broadcast %parallel_loop3A_415 : f32 to vector<16xf32>
          %parallel_loop3A_978 = arith.mulf %parallel_loop3A_977, %parallel_loop3A_777 : vector<16xf32>
          %parallel_loop3A_979 = arith.addf %parallel_loop3A_976, %parallel_loop3A_978 : vector<16xf32>
          %parallel_loop3A_980 = arith.constant 10 : i32
          %parallel_loop3A_981 = arith.addi %parallel_loop3A_385, %parallel_loop3A_980 : i32
          %parallel_loop3A_982 = arith.index_cast %parallel_loop3A_981 : i32 to index
          %parallel_loop3A_983 = arith.index_cast %parallel_loop3A_769 : i32 to index
          %parallel_loop3A_984 = tpu.vector_load %arg11[%parallel_loop3A_982, %parallel_loop3A_983] {strides = array<i32>} : memref<32x512xf32, #tpu.memory_space<vmem>>, vector<1x16xf32>,
          %parallel_loop3A_985 = vector.shape_cast %parallel_loop3A_984 : vector<1x16xf32> to vector<16xf32>
          %parallel_loop3A_986 = vector.shape_cast %parallel_loop3A_979 : vector<16xf32> to vector<1x16xf32>
          tpu.vector_store %arg11[%parallel_loop3A_982, %parallel_loop3A_983], %parallel_loop3A_986 {strides = array<i32>} : memref<32x512xf32, #tpu.memory_space<vmem>>, vector<1x16xf32>,
          %parallel_loop3A_987 = vector.broadcast %parallel_loop3A_449 : f32 to vector<16xf32>
          %parallel_loop3A_988 = arith.subf %parallel_loop3A_987, %parallel_loop3A_773 : vector<16xf32>
          %parallel_loop3A_989 = arith.constant 11 : i32
          %parallel_loop3A_990 = arith.addi %parallel_loop3A_385, %parallel_loop3A_989 : i32
          %parallel_loop3A_991 = arith.index_cast %parallel_loop3A_990 : i32 to index
          %parallel_loop3A_992 = arith.index_cast %parallel_loop3A_769 : i32 to index
          %parallel_loop3A_993 = tpu.vector_load %arg9[%parallel_loop3A_991, %parallel_loop3A_992] {strides = array<i32>} : memref<32x512xf32, #tpu.memory_space<vmem>>, vector<1x16xf32>,
          %parallel_loop3A_994 = vector.shape_cast %parallel_loop3A_993 : vector<1x16xf32> to vector<16xf32>
          %parallel_loop3A_995 = arith.mulf %parallel_loop3A_988, %parallel_loop3A_994 : vector<16xf32>
          %parallel_loop3A_996 = vector.broadcast %parallel_loop3A_417 : f32 to vector<16xf32>
          %parallel_loop3A_997 = arith.mulf %parallel_loop3A_996, %parallel_loop3A_777 : vector<16xf32>
          %parallel_loop3A_998 = arith.addf %parallel_loop3A_995, %parallel_loop3A_997 : vector<16xf32>
          %parallel_loop3A_999 = arith.constant 11 : i32
          %parallel_loop3A_1000 = arith.addi %parallel_loop3A_385, %parallel_loop3A_999 : i32
          %parallel_loop3A_1001 = arith.index_cast %parallel_loop3A_1000 : i32 to index
          %parallel_loop3A_1002 = arith.index_cast %parallel_loop3A_769 : i32 to index
          %parallel_loop3A_1003 = tpu.vector_load %arg11[%parallel_loop3A_1001, %parallel_loop3A_1002] {strides = array<i32>} : memref<32x512xf32, #tpu.memory_space<vmem>>, vector<1x16xf32>,
          %parallel_loop3A_1004 = vector.shape_cast %parallel_loop3A_1003 : vector<1x16xf32> to vector<16xf32>
          %parallel_loop3A_1005 = vector.shape_cast %parallel_loop3A_998 : vector<16xf32> to vector<1x16xf32>
          tpu.vector_store %arg11[%parallel_loop3A_1001, %parallel_loop3A_1002], %parallel_loop3A_1005 {strides = array<i32>} : memref<32x512xf32, #tpu.memory_space<vmem>>, vector<1x16xf32>,
          %parallel_loop3A_1006 = vector.broadcast %parallel_loop3A_451 : f32 to vector<16xf32>
          %parallel_loop3A_1007 = arith.subf %parallel_loop3A_1006, %parallel_loop3A_773 : vector<16xf32>
          %parallel_loop3A_1008 = arith.constant 12 : i32
          %parallel_loop3A_1009 = arith.addi %parallel_loop3A_385, %parallel_loop3A_1008 : i32
          %parallel_loop3A_1010 = arith.index_cast %parallel_loop3A_1009 : i32 to index
          %parallel_loop3A_1011 = arith.index_cast %parallel_loop3A_769 : i32 to index
          %parallel_loop3A_1012 = tpu.vector_load %arg9[%parallel_loop3A_1010, %parallel_loop3A_1011] {strides = array<i32>} : memref<32x512xf32, #tpu.memory_space<vmem>>, vector<1x16xf32>,
          %parallel_loop3A_1013 = vector.shape_cast %parallel_loop3A_1012 : vector<1x16xf32> to vector<16xf32>
          %parallel_loop3A_1014 = arith.mulf %parallel_loop3A_1007, %parallel_loop3A_1013 : vector<16xf32>
          %parallel_loop3A_1015 = vector.broadcast %parallel_loop3A_419 : f32 to vector<16xf32>
          %parallel_loop3A_1016 = arith.mulf %parallel_loop3A_1015, %parallel_loop3A_777 : vector<16xf32>
          %parallel_loop3A_1017 = arith.addf %parallel_loop3A_1014, %parallel_loop3A_1016 : vector<16xf32>
          %parallel_loop3A_1018 = arith.constant 12 : i32
          %parallel_loop3A_1019 = arith.addi %parallel_loop3A_385, %parallel_loop3A_1018 : i32
          %parallel_loop3A_1020 = arith.index_cast %parallel_loop3A_1019 : i32 to index
          %parallel_loop3A_1021 = arith.index_cast %parallel_loop3A_769 : i32 to index
          %parallel_loop3A_1022 = tpu.vector_load %arg11[%parallel_loop3A_1020, %parallel_loop3A_1021] {strides = array<i32>} : memref<32x512xf32, #tpu.memory_space<vmem>>, vector<1x16xf32>,
          %parallel_loop3A_1023 = vector.shape_cast %parallel_loop3A_1022 : vector<1x16xf32> to vector<16xf32>
          %parallel_loop3A_1024 = vector.shape_cast %parallel_loop3A_1017 : vector<16xf32> to vector<1x16xf32>
          tpu.vector_store %arg11[%parallel_loop3A_1020, %parallel_loop3A_1021], %parallel_loop3A_1024 {strides = array<i32>} : memref<32x512xf32, #tpu.memory_space<vmem>>, vector<1x16xf32>,
          %parallel_loop3A_1025 = vector.broadcast %parallel_loop3A_453 : f32 to vector<16xf32>
          %parallel_loop3A_1026 = arith.subf %parallel_loop3A_1025, %parallel_loop3A_773 : vector<16xf32>
          %parallel_loop3A_1027 = arith.constant 13 : i32
          %parallel_loop3A_1028 = arith.addi %parallel_loop3A_385, %parallel_loop3A_1027 : i32
          %parallel_loop3A_1029 = arith.index_cast %parallel_loop3A_1028 : i32 to index
          %parallel_loop3A_1030 = arith.index_cast %parallel_loop3A_769 : i32 to index
          %parallel_loop3A_1031 = tpu.vector_load %arg9[%parallel_loop3A_1029, %parallel_loop3A_1030] {strides = array<i32>} : memref<32x512xf32, #tpu.memory_space<vmem>>, vector<1x16xf32>,
          %parallel_loop3A_1032 = vector.shape_cast %parallel_loop3A_1031 : vector<1x16xf32> to vector<16xf32>
          %parallel_loop3A_1033 = arith.mulf %parallel_loop3A_1026, %parallel_loop3A_1032 : vector<16xf32>
          %parallel_loop3A_1034 = vector.broadcast %parallel_loop3A_421 : f32 to vector<16xf32>
          %parallel_loop3A_1035 = arith.mulf %parallel_loop3A_1034, %parallel_loop3A_777 : vector<16xf32>
          %parallel_loop3A_1036 = arith.addf %parallel_loop3A_1033, %parallel_loop3A_1035 : vector<16xf32>
          %parallel_loop3A_1037 = arith.constant 13 : i32
          %parallel_loop3A_1038 = arith.addi %parallel_loop3A_385, %parallel_loop3A_1037 : i32
          %parallel_loop3A_1039 = arith.index_cast %parallel_loop3A_1038 : i32 to index
          %parallel_loop3A_1040 = arith.index_cast %parallel_loop3A_769 : i32 to index
          %parallel_loop3A_1041 = tpu.vector_load %arg11[%parallel_loop3A_1039, %parallel_loop3A_1040] {strides = array<i32>} : memref<32x512xf32, #tpu.memory_space<vmem>>, vector<1x16xf32>,
          %parallel_loop3A_1042 = vector.shape_cast %parallel_loop3A_1041 : vector<1x16xf32> to vector<16xf32>
          %parallel_loop3A_1043 = vector.shape_cast %parallel_loop3A_1036 : vector<16xf32> to vector<1x16xf32>
          tpu.vector_store %arg11[%parallel_loop3A_1039, %parallel_loop3A_1040], %parallel_loop3A_1043 {strides = array<i32>} : memref<32x512xf32, #tpu.memory_space<vmem>>, vector<1x16xf32>,
          %parallel_loop3A_1044 = vector.broadcast %parallel_loop3A_455 : f32 to vector<16xf32>
          %parallel_loop3A_1045 = arith.subf %parallel_loop3A_1044, %parallel_loop3A_773 : vector<16xf32>
          %parallel_loop3A_1046 = arith.constant 14 : i32
          %parallel_loop3A_1047 = arith.addi %parallel_loop3A_385, %parallel_loop3A_1046 : i32
          %parallel_loop3A_1048 = arith.index_cast %parallel_loop3A_1047 : i32 to index
          %parallel_loop3A_1049 = arith.index_cast %parallel_loop3A_769 : i32 to index
          %parallel_loop3A_1050 = tpu.vector_load %arg9[%parallel_loop3A_1048, %parallel_loop3A_1049] {strides = array<i32>} : memref<32x512xf32, #tpu.memory_space<vmem>>, vector<1x16xf32>,
          %parallel_loop3A_1051 = vector.shape_cast %parallel_loop3A_1050 : vector<1x16xf32> to vector<16xf32>
          %parallel_loop3A_1052 = arith.mulf %parallel_loop3A_1045, %parallel_loop3A_1051 : vector<16xf32>
          %parallel_loop3A_1053 = vector.broadcast %parallel_loop3A_423 : f32 to vector<16xf32>
          %parallel_loop3A_1054 = arith.mulf %parallel_loop3A_1053, %parallel_loop3A_777 : vector<16xf32>
          %parallel_loop3A_1055 = arith.addf %parallel_loop3A_1052, %parallel_loop3A_1054 : vector<16xf32>
          %parallel_loop3A_1056 = arith.constant 14 : i32
          %parallel_loop3A_1057 = arith.addi %parallel_loop3A_385, %parallel_loop3A_1056 : i32
          %parallel_loop3A_1058 = arith.index_cast %parallel_loop3A_1057 : i32 to index
          %parallel_loop3A_1059 = arith.index_cast %parallel_loop3A_769 : i32 to index
          %parallel_loop3A_1060 = tpu.vector_load %arg11[%parallel_loop3A_1058, %parallel_loop3A_1059] {strides = array<i32>} : memref<32x512xf32, #tpu.memory_space<vmem>>, vector<1x16xf32>,
          %parallel_loop3A_1061 = vector.shape_cast %parallel_loop3A_1060 : vector<1x16xf32> to vector<16xf32>
          %parallel_loop3A_1062 = vector.shape_cast %parallel_loop3A_1055 : vector<16xf32> to vector<1x16xf32>
          tpu.vector_store %arg11[%parallel_loop3A_1058, %parallel_loop3A_1059], %parallel_loop3A_1062 {strides = array<i32>} : memref<32x512xf32, #tpu.memory_space<vmem>>, vector<1x16xf32>,
          %parallel_loop3A_1063 = vector.broadcast %parallel_loop3A_457 : f32 to vector<16xf32>
          %parallel_loop3A_1064 = arith.subf %parallel_loop3A_1063, %parallel_loop3A_773 : vector<16xf32>
          %parallel_loop3A_1065 = arith.constant 15 : i32
          %parallel_loop3A_1066 = arith.addi %parallel_loop3A_385, %parallel_loop3A_1065 : i32
          %parallel_loop3A_1067 = arith.index_cast %parallel_loop3A_1066 : i32 to index
          %parallel_loop3A_1068 = arith.index_cast %parallel_loop3A_769 : i32 to index
          %parallel_loop3A_1069 = tpu.vector_load %arg9[%parallel_loop3A_1067, %parallel_loop3A_1068] {strides = array<i32>} : memref<32x512xf32, #tpu.memory_space<vmem>>, vector<1x16xf32>,
          %parallel_loop3A_1070 = vector.shape_cast %parallel_loop3A_1069 : vector<1x16xf32> to vector<16xf32>
          %parallel_loop3A_1071 = arith.mulf %parallel_loop3A_1064, %parallel_loop3A_1070 : vector<16xf32>
          %parallel_loop3A_1072 = vector.broadcast %parallel_loop3A_425 : f32 to vector<16xf32>
          %parallel_loop3A_1073 = arith.mulf %parallel_loop3A_1072, %parallel_loop3A_777 : vector<16xf32>
          %parallel_loop3A_1074 = arith.addf %parallel_loop3A_1071, %parallel_loop3A_1073 : vector<16xf32>
          %parallel_loop3A_1075 = arith.constant 15 : i32
          %parallel_loop3A_1076 = arith.addi %parallel_loop3A_385, %parallel_loop3A_1075 : i32
          %parallel_loop3A_1077 = arith.index_cast %parallel_loop3A_1076 : i32 to index
          %parallel_loop3A_1078 = arith.index_cast %parallel_loop3A_769 : i32 to index
          %parallel_loop3A_1079 = tpu.vector_load %arg11[%parallel_loop3A_1077, %parallel_loop3A_1078] {strides = array<i32>} : memref<32x512xf32, #tpu.memory_space<vmem>>, vector<1x16xf32>,
          %parallel_loop3A_1080 = vector.shape_cast %parallel_loop3A_1079 : vector<1x16xf32> to vector<16xf32>
          %parallel_loop3A_1081 = vector.shape_cast %parallel_loop3A_1074 : vector<16xf32> to vector<1x16xf32>
          tpu.vector_store %arg11[%parallel_loop3A_1077, %parallel_loop3A_1078], %parallel_loop3A_1081 {strides = array<i32>} : memref<32x512xf32, #tpu.memory_space<vmem>>, vector<1x16xf32>,
        } {sc.loop_unroll_factor = 1 : i64, sc.parallel_access}
        %parallel_loop3A_461 = arith.addi %mul3A_319, %parallel_loop3A_385 : i32
        %parallel_loop3A_462 = tpu.iota {dimensions = array<i32: 0>} : vector<16xi32>
        %parallel_loop3A_463 = arith.constant 0 : i32
        %parallel_loop3A_464 = arith.addi %parallel_loop3A_385, %parallel_loop3A_463 : i32
        %parallel_loop3A_465 = arith.index_cast %parallel_loop3A_464 : i32 to index
        %parallel_loop3A_466 = arith.index_cast %parallel_loop3A_461 : i32 to index
        %parallel_loop3A_467 = tpu.vector_load %arg11[%parallel_loop3A_465, %parallel_loop3A_466] {strides = array<i32>} : memref<32x512xf32, #tpu.memory_space<vmem>>, vector<1x16xf32>,
        %parallel_loop3A_468 = vector.shape_cast %parallel_loop3A_467 : vector<1x16xf32> to vector<16xf32>
        %parallel_loop3A_469 = arith.constant 0 : i32
        %parallel_loop3A_470 = vector.broadcast %parallel_loop3A_469 : i32 to vector<16xi32>
        %parallel_loop3A_471 = arith.cmpi eq, %parallel_loop3A_462, %parallel_loop3A_470 : vector<16xi32>
        %parallel_loop3A_472 = arith.constant 0.000000e+00 : f32
        %parallel_loop3A_473 = vector.broadcast %parallel_loop3A_472 : f32 to vector<16xf32>
        %parallel_loop3A_474 = arith.select %parallel_loop3A_471, %parallel_loop3A_473, %parallel_loop3A_468 : vector<16xi1>, vector<16xf32>
        %parallel_loop3A_475 = arith.constant 0 : i32
        %parallel_loop3A_476 = arith.addi %parallel_loop3A_385, %parallel_loop3A_475 : i32
        %parallel_loop3A_477 = arith.index_cast %parallel_loop3A_476 : i32 to index
        %parallel_loop3A_478 = arith.index_cast %parallel_loop3A_461 : i32 to index
        %parallel_loop3A_479 = tpu.vector_load %arg11[%parallel_loop3A_477, %parallel_loop3A_478] {strides = array<i32>} : memref<32x512xf32, #tpu.memory_space<vmem>>, vector<1x16xf32>,
        %parallel_loop3A_480 = vector.shape_cast %parallel_loop3A_479 : vector<1x16xf32> to vector<16xf32>
        %parallel_loop3A_481 = vector.shape_cast %parallel_loop3A_474 : vector<16xf32> to vector<1x16xf32>
        tpu.vector_store %arg11[%parallel_loop3A_477, %parallel_loop3A_478], %parallel_loop3A_481 {strides = array<i32>} : memref<32x512xf32, #tpu.memory_space<vmem>>, vector<1x16xf32>,
        %parallel_loop3A_482 = arith.constant 1 : i32
        %parallel_loop3A_483 = arith.addi %parallel_loop3A_385, %parallel_loop3A_482 : i32
        %parallel_loop3A_484 = arith.index_cast %parallel_loop3A_483 : i32 to index
        %parallel_loop3A_485 = arith.index_cast %parallel_loop3A_461 : i32 to index
        %parallel_loop3A_486 = tpu.vector_load %arg11[%parallel_loop3A_484, %parallel_loop3A_485] {strides = array<i32>} : memref<32x512xf32, #tpu.memory_space<vmem>>, vector<1x16xf32>,
        %parallel_loop3A_487 = vector.shape_cast %parallel_loop3A_486 : vector<1x16xf32> to vector<16xf32>
        %parallel_loop3A_488 = arith.constant 1 : i32
        %parallel_loop3A_489 = vector.broadcast %parallel_loop3A_488 : i32 to vector<16xi32>
        %parallel_loop3A_490 = arith.cmpi eq, %parallel_loop3A_462, %parallel_loop3A_489 : vector<16xi32>
        %parallel_loop3A_491 = arith.constant 0.000000e+00 : f32
        %parallel_loop3A_492 = vector.broadcast %parallel_loop3A_491 : f32 to vector<16xf32>
        %parallel_loop3A_493 = arith.select %parallel_loop3A_490, %parallel_loop3A_492, %parallel_loop3A_487 : vector<16xi1>, vector<16xf32>
        %parallel_loop3A_494 = arith.constant 1 : i32
        %parallel_loop3A_495 = arith.addi %parallel_loop3A_385, %parallel_loop3A_494 : i32
        %parallel_loop3A_496 = arith.index_cast %parallel_loop3A_495 : i32 to index
        %parallel_loop3A_497 = arith.index_cast %parallel_loop3A_461 : i32 to index
        %parallel_loop3A_498 = tpu.vector_load %arg11[%parallel_loop3A_496, %parallel_loop3A_497] {strides = array<i32>} : memref<32x512xf32, #tpu.memory_space<vmem>>, vector<1x16xf32>,
        %parallel_loop3A_499 = vector.shape_cast %parallel_loop3A_498 : vector<1x16xf32> to vector<16xf32>
        %parallel_loop3A_500 = vector.shape_cast %parallel_loop3A_493 : vector<16xf32> to vector<1x16xf32>
        tpu.vector_store %arg11[%parallel_loop3A_496, %parallel_loop3A_497], %parallel_loop3A_500 {strides = array<i32>} : memref<32x512xf32, #tpu.memory_space<vmem>>, vector<1x16xf32>,
        %parallel_loop3A_501 = arith.constant 2 : i32
        %parallel_loop3A_502 = arith.addi %parallel_loop3A_385, %parallel_loop3A_501 : i32
        %parallel_loop3A_503 = arith.index_cast %parallel_loop3A_502 : i32 to index
        %parallel_loop3A_504 = arith.index_cast %parallel_loop3A_461 : i32 to index
        %parallel_loop3A_505 = tpu.vector_load %arg11[%parallel_loop3A_503, %parallel_loop3A_504] {strides = array<i32>} : memref<32x512xf32, #tpu.memory_space<vmem>>, vector<1x16xf32>,
        %parallel_loop3A_506 = vector.shape_cast %parallel_loop3A_505 : vector<1x16xf32> to vector<16xf32>
        %parallel_loop3A_507 = arith.constant 2 : i32
        %parallel_loop3A_508 = vector.broadcast %parallel_loop3A_507 : i32 to vector<16xi32>
        %parallel_loop3A_509 = arith.cmpi eq, %parallel_loop3A_462, %parallel_loop3A_508 : vector<16xi32>
        %parallel_loop3A_510 = arith.constant 0.000000e+00 : f32
        %parallel_loop3A_511 = vector.broadcast %parallel_loop3A_510 : f32 to vector<16xf32>
        %parallel_loop3A_512 = arith.select %parallel_loop3A_509, %parallel_loop3A_511, %parallel_loop3A_506 : vector<16xi1>, vector<16xf32>
        %parallel_loop3A_513 = arith.constant 2 : i32
        %parallel_loop3A_514 = arith.addi %parallel_loop3A_385, %parallel_loop3A_513 : i32
        %parallel_loop3A_515 = arith.index_cast %parallel_loop3A_514 : i32 to index
        %parallel_loop3A_516 = arith.index_cast %parallel_loop3A_461 : i32 to index
        %parallel_loop3A_517 = tpu.vector_load %arg11[%parallel_loop3A_515, %parallel_loop3A_516] {strides = array<i32>} : memref<32x512xf32, #tpu.memory_space<vmem>>, vector<1x16xf32>,
        %parallel_loop3A_518 = vector.shape_cast %parallel_loop3A_517 : vector<1x16xf32> to vector<16xf32>
        %parallel_loop3A_519 = vector.shape_cast %parallel_loop3A_512 : vector<16xf32> to vector<1x16xf32>
        tpu.vector_store %arg11[%parallel_loop3A_515, %parallel_loop3A_516], %parallel_loop3A_519 {strides = array<i32>} : memref<32x512xf32, #tpu.memory_space<vmem>>, vector<1x16xf32>,
        %parallel_loop3A_520 = arith.constant 3 : i32
        %parallel_loop3A_521 = arith.addi %parallel_loop3A_385, %parallel_loop3A_520 : i32
        %parallel_loop3A_522 = arith.index_cast %parallel_loop3A_521 : i32 to index
        %parallel_loop3A_523 = arith.index_cast %parallel_loop3A_461 : i32 to index
        %parallel_loop3A_524 = tpu.vector_load %arg11[%parallel_loop3A_522, %parallel_loop3A_523] {strides = array<i32>} : memref<32x512xf32, #tpu.memory_space<vmem>>, vector<1x16xf32>,
        %parallel_loop3A_525 = vector.shape_cast %parallel_loop3A_524 : vector<1x16xf32> to vector<16xf32>
        %parallel_loop3A_526 = arith.constant 3 : i32
        %parallel_loop3A_527 = vector.broadcast %parallel_loop3A_526 : i32 to vector<16xi32>
        %parallel_loop3A_528 = arith.cmpi eq, %parallel_loop3A_462, %parallel_loop3A_527 : vector<16xi32>
        %parallel_loop3A_529 = arith.constant 0.000000e+00 : f32
        %parallel_loop3A_530 = vector.broadcast %parallel_loop3A_529 : f32 to vector<16xf32>
        %parallel_loop3A_531 = arith.select %parallel_loop3A_528, %parallel_loop3A_530, %parallel_loop3A_525 : vector<16xi1>, vector<16xf32>
        %parallel_loop3A_532 = arith.constant 3 : i32
        %parallel_loop3A_533 = arith.addi %parallel_loop3A_385, %parallel_loop3A_532 : i32
        %parallel_loop3A_534 = arith.index_cast %parallel_loop3A_533 : i32 to index
        %parallel_loop3A_535 = arith.index_cast %parallel_loop3A_461 : i32 to index
        %parallel_loop3A_536 = tpu.vector_load %arg11[%parallel_loop3A_534, %parallel_loop3A_535] {strides = array<i32>} : memref<32x512xf32, #tpu.memory_space<vmem>>, vector<1x16xf32>,
        %parallel_loop3A_537 = vector.shape_cast %parallel_loop3A_536 : vector<1x16xf32> to vector<16xf32>
        %parallel_loop3A_538 = vector.shape_cast %parallel_loop3A_531 : vector<16xf32> to vector<1x16xf32>
        tpu.vector_store %arg11[%parallel_loop3A_534, %parallel_loop3A_535], %parallel_loop3A_538 {strides = array<i32>} : memref<32x512xf32, #tpu.memory_space<vmem>>, vector<1x16xf32>,
        %parallel_loop3A_539 = arith.constant 4 : i32
        %parallel_loop3A_540 = arith.addi %parallel_loop3A_385, %parallel_loop3A_539 : i32
        %parallel_loop3A_541 = arith.index_cast %parallel_loop3A_540 : i32 to index
        %parallel_loop3A_542 = arith.index_cast %parallel_loop3A_461 : i32 to index
        %parallel_loop3A_543 = tpu.vector_load %arg11[%parallel_loop3A_541, %parallel_loop3A_542] {strides = array<i32>} : memref<32x512xf32, #tpu.memory_space<vmem>>, vector<1x16xf32>,
        %parallel_loop3A_544 = vector.shape_cast %parallel_loop3A_543 : vector<1x16xf32> to vector<16xf32>
        %parallel_loop3A_545 = arith.constant 4 : i32
        %parallel_loop3A_546 = vector.broadcast %parallel_loop3A_545 : i32 to vector<16xi32>
        %parallel_loop3A_547 = arith.cmpi eq, %parallel_loop3A_462, %parallel_loop3A_546 : vector<16xi32>
        %parallel_loop3A_548 = arith.constant 0.000000e+00 : f32
        %parallel_loop3A_549 = vector.broadcast %parallel_loop3A_548 : f32 to vector<16xf32>
        %parallel_loop3A_550 = arith.select %parallel_loop3A_547, %parallel_loop3A_549, %parallel_loop3A_544 : vector<16xi1>, vector<16xf32>
        %parallel_loop3A_551 = arith.constant 4 : i32
        %parallel_loop3A_552 = arith.addi %parallel_loop3A_385, %parallel_loop3A_551 : i32
        %parallel_loop3A_553 = arith.index_cast %parallel_loop3A_552 : i32 to index
        %parallel_loop3A_554 = arith.index_cast %parallel_loop3A_461 : i32 to index
        %parallel_loop3A_555 = tpu.vector_load %arg11[%parallel_loop3A_553, %parallel_loop3A_554] {strides = array<i32>} : memref<32x512xf32, #tpu.memory_space<vmem>>, vector<1x16xf32>,
        %parallel_loop3A_556 = vector.shape_cast %parallel_loop3A_555 : vector<1x16xf32> to vector<16xf32>
        %parallel_loop3A_557 = vector.shape_cast %parallel_loop3A_550 : vector<16xf32> to vector<1x16xf32>
        tpu.vector_store %arg11[%parallel_loop3A_553, %parallel_loop3A_554], %parallel_loop3A_557 {strides = array<i32>} : memref<32x512xf32, #tpu.memory_space<vmem>>, vector<1x16xf32>,
        %parallel_loop3A_558 = arith.constant 5 : i32
        %parallel_loop3A_559 = arith.addi %parallel_loop3A_385, %parallel_loop3A_558 : i32
        %parallel_loop3A_560 = arith.index_cast %parallel_loop3A_559 : i32 to index
        %parallel_loop3A_561 = arith.index_cast %parallel_loop3A_461 : i32 to index
        %parallel_loop3A_562 = tpu.vector_load %arg11[%parallel_loop3A_560, %parallel_loop3A_561] {strides = array<i32>} : memref<32x512xf32, #tpu.memory_space<vmem>>, vector<1x16xf32>,
        %parallel_loop3A_563 = vector.shape_cast %parallel_loop3A_562 : vector<1x16xf32> to vector<16xf32>
        %parallel_loop3A_564 = arith.constant 5 : i32
        %parallel_loop3A_565 = vector.broadcast %parallel_loop3A_564 : i32 to vector<16xi32>
        %parallel_loop3A_566 = arith.cmpi eq, %parallel_loop3A_462, %parallel_loop3A_565 : vector<16xi32>
        %parallel_loop3A_567 = arith.constant 0.000000e+00 : f32
        %parallel_loop3A_568 = vector.broadcast %parallel_loop3A_567 : f32 to vector<16xf32>
        %parallel_loop3A_569 = arith.select %parallel_loop3A_566, %parallel_loop3A_568, %parallel_loop3A_563 : vector<16xi1>, vector<16xf32>
        %parallel_loop3A_570 = arith.constant 5 : i32
        %parallel_loop3A_571 = arith.addi %parallel_loop3A_385, %parallel_loop3A_570 : i32
        %parallel_loop3A_572 = arith.index_cast %parallel_loop3A_571 : i32 to index
        %parallel_loop3A_573 = arith.index_cast %parallel_loop3A_461 : i32 to index
        %parallel_loop3A_574 = tpu.vector_load %arg11[%parallel_loop3A_572, %parallel_loop3A_573] {strides = array<i32>} : memref<32x512xf32, #tpu.memory_space<vmem>>, vector<1x16xf32>,
        %parallel_loop3A_575 = vector.shape_cast %parallel_loop3A_574 : vector<1x16xf32> to vector<16xf32>
        %parallel_loop3A_576 = vector.shape_cast %parallel_loop3A_569 : vector<16xf32> to vector<1x16xf32>
        tpu.vector_store %arg11[%parallel_loop3A_572, %parallel_loop3A_573], %parallel_loop3A_576 {strides = array<i32>} : memref<32x512xf32, #tpu.memory_space<vmem>>, vector<1x16xf32>,
        %parallel_loop3A_577 = arith.constant 6 : i32
        %parallel_loop3A_578 = arith.addi %parallel_loop3A_385, %parallel_loop3A_577 : i32
        %parallel_loop3A_579 = arith.index_cast %parallel_loop3A_578 : i32 to index
        %parallel_loop3A_580 = arith.index_cast %parallel_loop3A_461 : i32 to index
        %parallel_loop3A_581 = tpu.vector_load %arg11[%parallel_loop3A_579, %parallel_loop3A_580] {strides = array<i32>} : memref<32x512xf32, #tpu.memory_space<vmem>>, vector<1x16xf32>,
        %parallel_loop3A_582 = vector.shape_cast %parallel_loop3A_581 : vector<1x16xf32> to vector<16xf32>
        %parallel_loop3A_583 = arith.constant 6 : i32
        %parallel_loop3A_584 = vector.broadcast %parallel_loop3A_583 : i32 to vector<16xi32>
        %parallel_loop3A_585 = arith.cmpi eq, %parallel_loop3A_462, %parallel_loop3A_584 : vector<16xi32>
        %parallel_loop3A_586 = arith.constant 0.000000e+00 : f32
        %parallel_loop3A_587 = vector.broadcast %parallel_loop3A_586 : f32 to vector<16xf32>
        %parallel_loop3A_588 = arith.select %parallel_loop3A_585, %parallel_loop3A_587, %parallel_loop3A_582 : vector<16xi1>, vector<16xf32>
        %parallel_loop3A_589 = arith.constant 6 : i32
        %parallel_loop3A_590 = arith.addi %parallel_loop3A_385, %parallel_loop3A_589 : i32
        %parallel_loop3A_591 = arith.index_cast %parallel_loop3A_590 : i32 to index
        %parallel_loop3A_592 = arith.index_cast %parallel_loop3A_461 : i32 to index
        %parallel_loop3A_593 = tpu.vector_load %arg11[%parallel_loop3A_591, %parallel_loop3A_592] {strides = array<i32>} : memref<32x512xf32, #tpu.memory_space<vmem>>, vector<1x16xf32>,
        %parallel_loop3A_594 = vector.shape_cast %parallel_loop3A_593 : vector<1x16xf32> to vector<16xf32>
        %parallel_loop3A_595 = vector.shape_cast %parallel_loop3A_588 : vector<16xf32> to vector<1x16xf32>
        tpu.vector_store %arg11[%parallel_loop3A_591, %parallel_loop3A_592], %parallel_loop3A_595 {strides = array<i32>} : memref<32x512xf32, #tpu.memory_space<vmem>>, vector<1x16xf32>,
        %parallel_loop3A_596 = arith.constant 7 : i32
        %parallel_loop3A_597 = arith.addi %parallel_loop3A_385, %parallel_loop3A_596 : i32
        %parallel_loop3A_598 = arith.index_cast %parallel_loop3A_597 : i32 to index
        %parallel_loop3A_599 = arith.index_cast %parallel_loop3A_461 : i32 to index
        %parallel_loop3A_600 = tpu.vector_load %arg11[%parallel_loop3A_598, %parallel_loop3A_599] {strides = array<i32>} : memref<32x512xf32, #tpu.memory_space<vmem>>, vector<1x16xf32>,
        %parallel_loop3A_601 = vector.shape_cast %parallel_loop3A_600 : vector<1x16xf32> to vector<16xf32>
        %parallel_loop3A_602 = arith.constant 7 : i32
        %parallel_loop3A_603 = vector.broadcast %parallel_loop3A_602 : i32 to vector<16xi32>
        %parallel_loop3A_604 = arith.cmpi eq, %parallel_loop3A_462, %parallel_loop3A_603 : vector<16xi32>
        %parallel_loop3A_605 = arith.constant 0.000000e+00 : f32
        %parallel_loop3A_606 = vector.broadcast %parallel_loop3A_605 : f32 to vector<16xf32>
        %parallel_loop3A_607 = arith.select %parallel_loop3A_604, %parallel_loop3A_606, %parallel_loop3A_601 : vector<16xi1>, vector<16xf32>
        %parallel_loop3A_608 = arith.constant 7 : i32
        %parallel_loop3A_609 = arith.addi %parallel_loop3A_385, %parallel_loop3A_608 : i32
        %parallel_loop3A_610 = arith.index_cast %parallel_loop3A_609 : i32 to index
        %parallel_loop3A_611 = arith.index_cast %parallel_loop3A_461 : i32 to index
        %parallel_loop3A_612 = tpu.vector_load %arg11[%parallel_loop3A_610, %parallel_loop3A_611] {strides = array<i32>} : memref<32x512xf32, #tpu.memory_space<vmem>>, vector<1x16xf32>,
        %parallel_loop3A_613 = vector.shape_cast %parallel_loop3A_612 : vector<1x16xf32> to vector<16xf32>
        %parallel_loop3A_614 = vector.shape_cast %parallel_loop3A_607 : vector<16xf32> to vector<1x16xf32>
        tpu.vector_store %arg11[%parallel_loop3A_610, %parallel_loop3A_611], %parallel_loop3A_614 {strides = array<i32>} : memref<32x512xf32, #tpu.memory_space<vmem>>, vector<1x16xf32>,
        %parallel_loop3A_615 = arith.constant 8 : i32
        %parallel_loop3A_616 = arith.addi %parallel_loop3A_385, %parallel_loop3A_615 : i32
        %parallel_loop3A_617 = arith.index_cast %parallel_loop3A_616 : i32 to index
        %parallel_loop3A_618 = arith.index_cast %parallel_loop3A_461 : i32 to index
        %parallel_loop3A_619 = tpu.vector_load %arg11[%parallel_loop3A_617, %parallel_loop3A_618] {strides = array<i32>} : memref<32x512xf32, #tpu.memory_space<vmem>>, vector<1x16xf32>,
        %parallel_loop3A_620 = vector.shape_cast %parallel_loop3A_619 : vector<1x16xf32> to vector<16xf32>
        %parallel_loop3A_621 = arith.constant 8 : i32
        %parallel_loop3A_622 = vector.broadcast %parallel_loop3A_621 : i32 to vector<16xi32>
        %parallel_loop3A_623 = arith.cmpi eq, %parallel_loop3A_462, %parallel_loop3A_622 : vector<16xi32>
        %parallel_loop3A_624 = arith.constant 0.000000e+00 : f32
        %parallel_loop3A_625 = vector.broadcast %parallel_loop3A_624 : f32 to vector<16xf32>
        %parallel_loop3A_626 = arith.select %parallel_loop3A_623, %parallel_loop3A_625, %parallel_loop3A_620 : vector<16xi1>, vector<16xf32>
        %parallel_loop3A_627 = arith.constant 8 : i32
        %parallel_loop3A_628 = arith.addi %parallel_loop3A_385, %parallel_loop3A_627 : i32
        %parallel_loop3A_629 = arith.index_cast %parallel_loop3A_628 : i32 to index
        %parallel_loop3A_630 = arith.index_cast %parallel_loop3A_461 : i32 to index
        %parallel_loop3A_631 = tpu.vector_load %arg11[%parallel_loop3A_629, %parallel_loop3A_630] {strides = array<i32>} : memref<32x512xf32, #tpu.memory_space<vmem>>, vector<1x16xf32>,
        %parallel_loop3A_632 = vector.shape_cast %parallel_loop3A_631 : vector<1x16xf32> to vector<16xf32>
        %parallel_loop3A_633 = vector.shape_cast %parallel_loop3A_626 : vector<16xf32> to vector<1x16xf32>
        tpu.vector_store %arg11[%parallel_loop3A_629, %parallel_loop3A_630], %parallel_loop3A_633 {strides = array<i32>} : memref<32x512xf32, #tpu.memory_space<vmem>>, vector<1x16xf32>,
        %parallel_loop3A_634 = arith.constant 9 : i32
        %parallel_loop3A_635 = arith.addi %parallel_loop3A_385, %parallel_loop3A_634 : i32
        %parallel_loop3A_636 = arith.index_cast %parallel_loop3A_635 : i32 to index
        %parallel_loop3A_637 = arith.index_cast %parallel_loop3A_461 : i32 to index
        %parallel_loop3A_638 = tpu.vector_load %arg11[%parallel_loop3A_636, %parallel_loop3A_637] {strides = array<i32>} : memref<32x512xf32, #tpu.memory_space<vmem>>, vector<1x16xf32>,
        %parallel_loop3A_639 = vector.shape_cast %parallel_loop3A_638 : vector<1x16xf32> to vector<16xf32>
        %parallel_loop3A_640 = arith.constant 9 : i32
        %parallel_loop3A_641 = vector.broadcast %parallel_loop3A_640 : i32 to vector<16xi32>
        %parallel_loop3A_642 = arith.cmpi eq, %parallel_loop3A_462, %parallel_loop3A_641 : vector<16xi32>
        %parallel_loop3A_643 = arith.constant 0.000000e+00 : f32
        %parallel_loop3A_644 = vector.broadcast %parallel_loop3A_643 : f32 to vector<16xf32>
        %parallel_loop3A_645 = arith.select %parallel_loop3A_642, %parallel_loop3A_644, %parallel_loop3A_639 : vector<16xi1>, vector<16xf32>
        %parallel_loop3A_646 = arith.constant 9 : i32
        %parallel_loop3A_647 = arith.addi %parallel_loop3A_385, %parallel_loop3A_646 : i32
        %parallel_loop3A_648 = arith.index_cast %parallel_loop3A_647 : i32 to index
        %parallel_loop3A_649 = arith.index_cast %parallel_loop3A_461 : i32 to index
        %parallel_loop3A_650 = tpu.vector_load %arg11[%parallel_loop3A_648, %parallel_loop3A_649] {strides = array<i32>} : memref<32x512xf32, #tpu.memory_space<vmem>>, vector<1x16xf32>,
        %parallel_loop3A_651 = vector.shape_cast %parallel_loop3A_650 : vector<1x16xf32> to vector<16xf32>
        %parallel_loop3A_652 = vector.shape_cast %parallel_loop3A_645 : vector<16xf32> to vector<1x16xf32>
        tpu.vector_store %arg11[%parallel_loop3A_648, %parallel_loop3A_649], %parallel_loop3A_652 {strides = array<i32>} : memref<32x512xf32, #tpu.memory_space<vmem>>, vector<1x16xf32>,
        %parallel_loop3A_653 = arith.constant 10 : i32
        %parallel_loop3A_654 = arith.addi %parallel_loop3A_385, %parallel_loop3A_653 : i32
        %parallel_loop3A_655 = arith.index_cast %parallel_loop3A_654 : i32 to index
        %parallel_loop3A_656 = arith.index_cast %parallel_loop3A_461 : i32 to index
        %parallel_loop3A_657 = tpu.vector_load %arg11[%parallel_loop3A_655, %parallel_loop3A_656] {strides = array<i32>} : memref<32x512xf32, #tpu.memory_space<vmem>>, vector<1x16xf32>,
        %parallel_loop3A_658 = vector.shape_cast %parallel_loop3A_657 : vector<1x16xf32> to vector<16xf32>
        %parallel_loop3A_659 = arith.constant 10 : i32
        %parallel_loop3A_660 = vector.broadcast %parallel_loop3A_659 : i32 to vector<16xi32>
        %parallel_loop3A_661 = arith.cmpi eq, %parallel_loop3A_462, %parallel_loop3A_660 : vector<16xi32>
        %parallel_loop3A_662 = arith.constant 0.000000e+00 : f32
        %parallel_loop3A_663 = vector.broadcast %parallel_loop3A_662 : f32 to vector<16xf32>
        %parallel_loop3A_664 = arith.select %parallel_loop3A_661, %parallel_loop3A_663, %parallel_loop3A_658 : vector<16xi1>, vector<16xf32>
        %parallel_loop3A_665 = arith.constant 10 : i32
        %parallel_loop3A_666 = arith.addi %parallel_loop3A_385, %parallel_loop3A_665 : i32
        %parallel_loop3A_667 = arith.index_cast %parallel_loop3A_666 : i32 to index
        %parallel_loop3A_668 = arith.index_cast %parallel_loop3A_461 : i32 to index
        %parallel_loop3A_669 = tpu.vector_load %arg11[%parallel_loop3A_667, %parallel_loop3A_668] {strides = array<i32>} : memref<32x512xf32, #tpu.memory_space<vmem>>, vector<1x16xf32>,
        %parallel_loop3A_670 = vector.shape_cast %parallel_loop3A_669 : vector<1x16xf32> to vector<16xf32>
        %parallel_loop3A_671 = vector.shape_cast %parallel_loop3A_664 : vector<16xf32> to vector<1x16xf32>
        tpu.vector_store %arg11[%parallel_loop3A_667, %parallel_loop3A_668], %parallel_loop3A_671 {strides = array<i32>} : memref<32x512xf32, #tpu.memory_space<vmem>>, vector<1x16xf32>,
        %parallel_loop3A_672 = arith.constant 11 : i32
        %parallel_loop3A_673 = arith.addi %parallel_loop3A_385, %parallel_loop3A_672 : i32
        %parallel_loop3A_674 = arith.index_cast %parallel_loop3A_673 : i32 to index
        %parallel_loop3A_675 = arith.index_cast %parallel_loop3A_461 : i32 to index
        %parallel_loop3A_676 = tpu.vector_load %arg11[%parallel_loop3A_674, %parallel_loop3A_675] {strides = array<i32>} : memref<32x512xf32, #tpu.memory_space<vmem>>, vector<1x16xf32>,
        %parallel_loop3A_677 = vector.shape_cast %parallel_loop3A_676 : vector<1x16xf32> to vector<16xf32>
        %parallel_loop3A_678 = arith.constant 11 : i32
        %parallel_loop3A_679 = vector.broadcast %parallel_loop3A_678 : i32 to vector<16xi32>
        %parallel_loop3A_680 = arith.cmpi eq, %parallel_loop3A_462, %parallel_loop3A_679 : vector<16xi32>
        %parallel_loop3A_681 = arith.constant 0.000000e+00 : f32
        %parallel_loop3A_682 = vector.broadcast %parallel_loop3A_681 : f32 to vector<16xf32>
        %parallel_loop3A_683 = arith.select %parallel_loop3A_680, %parallel_loop3A_682, %parallel_loop3A_677 : vector<16xi1>, vector<16xf32>
        %parallel_loop3A_684 = arith.constant 11 : i32
        %parallel_loop3A_685 = arith.addi %parallel_loop3A_385, %parallel_loop3A_684 : i32
        %parallel_loop3A_686 = arith.index_cast %parallel_loop3A_685 : i32 to index
        %parallel_loop3A_687 = arith.index_cast %parallel_loop3A_461 : i32 to index
        %parallel_loop3A_688 = tpu.vector_load %arg11[%parallel_loop3A_686, %parallel_loop3A_687] {strides = array<i32>} : memref<32x512xf32, #tpu.memory_space<vmem>>, vector<1x16xf32>,
        %parallel_loop3A_689 = vector.shape_cast %parallel_loop3A_688 : vector<1x16xf32> to vector<16xf32>
        %parallel_loop3A_690 = vector.shape_cast %parallel_loop3A_683 : vector<16xf32> to vector<1x16xf32>
        tpu.vector_store %arg11[%parallel_loop3A_686, %parallel_loop3A_687], %parallel_loop3A_690 {strides = array<i32>} : memref<32x512xf32, #tpu.memory_space<vmem>>, vector<1x16xf32>,
        %parallel_loop3A_691 = arith.constant 12 : i32
        %parallel_loop3A_692 = arith.addi %parallel_loop3A_385, %parallel_loop3A_691 : i32
        %parallel_loop3A_693 = arith.index_cast %parallel_loop3A_692 : i32 to index
        %parallel_loop3A_694 = arith.index_cast %parallel_loop3A_461 : i32 to index
        %parallel_loop3A_695 = tpu.vector_load %arg11[%parallel_loop3A_693, %parallel_loop3A_694] {strides = array<i32>} : memref<32x512xf32, #tpu.memory_space<vmem>>, vector<1x16xf32>,
        %parallel_loop3A_696 = vector.shape_cast %parallel_loop3A_695 : vector<1x16xf32> to vector<16xf32>
        %parallel_loop3A_697 = arith.constant 12 : i32
        %parallel_loop3A_698 = vector.broadcast %parallel_loop3A_697 : i32 to vector<16xi32>
        %parallel_loop3A_699 = arith.cmpi eq, %parallel_loop3A_462, %parallel_loop3A_698 : vector<16xi32>
        %parallel_loop3A_700 = arith.constant 0.000000e+00 : f32
        %parallel_loop3A_701 = vector.broadcast %parallel_loop3A_700 : f32 to vector<16xf32>
        %parallel_loop3A_702 = arith.select %parallel_loop3A_699, %parallel_loop3A_701, %parallel_loop3A_696 : vector<16xi1>, vector<16xf32>
        %parallel_loop3A_703 = arith.constant 12 : i32
        %parallel_loop3A_704 = arith.addi %parallel_loop3A_385, %parallel_loop3A_703 : i32
        %parallel_loop3A_705 = arith.index_cast %parallel_loop3A_704 : i32 to index
        %parallel_loop3A_706 = arith.index_cast %parallel_loop3A_461 : i32 to index
        %parallel_loop3A_707 = tpu.vector_load %arg11[%parallel_loop3A_705, %parallel_loop3A_706] {strides = array<i32>} : memref<32x512xf32, #tpu.memory_space<vmem>>, vector<1x16xf32>,
        %parallel_loop3A_708 = vector.shape_cast %parallel_loop3A_707 : vector<1x16xf32> to vector<16xf32>
        %parallel_loop3A_709 = vector.shape_cast %parallel_loop3A_702 : vector<16xf32> to vector<1x16xf32>
        tpu.vector_store %arg11[%parallel_loop3A_705, %parallel_loop3A_706], %parallel_loop3A_709 {strides = array<i32>} : memref<32x512xf32, #tpu.memory_space<vmem>>, vector<1x16xf32>,
        %parallel_loop3A_710 = arith.constant 13 : i32
        %parallel_loop3A_711 = arith.addi %parallel_loop3A_385, %parallel_loop3A_710 : i32
        %parallel_loop3A_712 = arith.index_cast %parallel_loop3A_711 : i32 to index
        %parallel_loop3A_713 = arith.index_cast %parallel_loop3A_461 : i32 to index
        %parallel_loop3A_714 = tpu.vector_load %arg11[%parallel_loop3A_712, %parallel_loop3A_713] {strides = array<i32>} : memref<32x512xf32, #tpu.memory_space<vmem>>, vector<1x16xf32>,
        %parallel_loop3A_715 = vector.shape_cast %parallel_loop3A_714 : vector<1x16xf32> to vector<16xf32>
        %parallel_loop3A_716 = arith.constant 13 : i32
        %parallel_loop3A_717 = vector.broadcast %parallel_loop3A_716 : i32 to vector<16xi32>
        %parallel_loop3A_718 = arith.cmpi eq, %parallel_loop3A_462, %parallel_loop3A_717 : vector<16xi32>
        %parallel_loop3A_719 = arith.constant 0.000000e+00 : f32
        %parallel_loop3A_720 = vector.broadcast %parallel_loop3A_719 : f32 to vector<16xf32>
        %parallel_loop3A_721 = arith.select %parallel_loop3A_718, %parallel_loop3A_720, %parallel_loop3A_715 : vector<16xi1>, vector<16xf32>
        %parallel_loop3A_722 = arith.constant 13 : i32
        %parallel_loop3A_723 = arith.addi %parallel_loop3A_385, %parallel_loop3A_722 : i32
        %parallel_loop3A_724 = arith.index_cast %parallel_loop3A_723 : i32 to index
        %parallel_loop3A_725 = arith.index_cast %parallel_loop3A_461 : i32 to index
        %parallel_loop3A_726 = tpu.vector_load %arg11[%parallel_loop3A_724, %parallel_loop3A_725] {strides = array<i32>} : memref<32x512xf32, #tpu.memory_space<vmem>>, vector<1x16xf32>,
        %parallel_loop3A_727 = vector.shape_cast %parallel_loop3A_726 : vector<1x16xf32> to vector<16xf32>
        %parallel_loop3A_728 = vector.shape_cast %parallel_loop3A_721 : vector<16xf32> to vector<1x16xf32>
        tpu.vector_store %arg11[%parallel_loop3A_724, %parallel_loop3A_725], %parallel_loop3A_728 {strides = array<i32>} : memref<32x512xf32, #tpu.memory_space<vmem>>, vector<1x16xf32>,
        %parallel_loop3A_729 = arith.constant 14 : i32
        %parallel_loop3A_730 = arith.addi %parallel_loop3A_385, %parallel_loop3A_729 : i32
        %parallel_loop3A_731 = arith.index_cast %parallel_loop3A_730 : i32 to index
        %parallel_loop3A_732 = arith.index_cast %parallel_loop3A_461 : i32 to index
        %parallel_loop3A_733 = tpu.vector_load %arg11[%parallel_loop3A_731, %parallel_loop3A_732] {strides = array<i32>} : memref<32x512xf32, #tpu.memory_space<vmem>>, vector<1x16xf32>,
        %parallel_loop3A_734 = vector.shape_cast %parallel_loop3A_733 : vector<1x16xf32> to vector<16xf32>
        %parallel_loop3A_735 = arith.constant 14 : i32
        %parallel_loop3A_736 = vector.broadcast %parallel_loop3A_735 : i32 to vector<16xi32>
        %parallel_loop3A_737 = arith.cmpi eq, %parallel_loop3A_462, %parallel_loop3A_736 : vector<16xi32>
        %parallel_loop3A_738 = arith.constant 0.000000e+00 : f32
        %parallel_loop3A_739 = vector.broadcast %parallel_loop3A_738 : f32 to vector<16xf32>
        %parallel_loop3A_740 = arith.select %parallel_loop3A_737, %parallel_loop3A_739, %parallel_loop3A_734 : vector<16xi1>, vector<16xf32>
        %parallel_loop3A_741 = arith.constant 14 : i32
        %parallel_loop3A_742 = arith.addi %parallel_loop3A_385, %parallel_loop3A_741 : i32
        %parallel_loop3A_743 = arith.index_cast %parallel_loop3A_742 : i32 to index
        %parallel_loop3A_744 = arith.index_cast %parallel_loop3A_461 : i32 to index
        %parallel_loop3A_745 = tpu.vector_load %arg11[%parallel_loop3A_743, %parallel_loop3A_744] {strides = array<i32>} : memref<32x512xf32, #tpu.memory_space<vmem>>, vector<1x16xf32>,
        %parallel_loop3A_746 = vector.shape_cast %parallel_loop3A_745 : vector<1x16xf32> to vector<16xf32>
        %parallel_loop3A_747 = vector.shape_cast %parallel_loop3A_740 : vector<16xf32> to vector<1x16xf32>
        tpu.vector_store %arg11[%parallel_loop3A_743, %parallel_loop3A_744], %parallel_loop3A_747 {strides = array<i32>} : memref<32x512xf32, #tpu.memory_space<vmem>>, vector<1x16xf32>,
        %parallel_loop3A_748 = arith.constant 15 : i32
        %parallel_loop3A_749 = arith.addi %parallel_loop3A_385, %parallel_loop3A_748 : i32
        %parallel_loop3A_750 = arith.index_cast %parallel_loop3A_749 : i32 to index
        %parallel_loop3A_751 = arith.index_cast %parallel_loop3A_461 : i32 to index
        %parallel_loop3A_752 = tpu.vector_load %arg11[%parallel_loop3A_750, %parallel_loop3A_751] {strides = array<i32>} : memref<32x512xf32, #tpu.memory_space<vmem>>, vector<1x16xf32>,
        %parallel_loop3A_753 = vector.shape_cast %parallel_loop3A_752 : vector<1x16xf32> to vector<16xf32>
        %parallel_loop3A_754 = arith.constant 15 : i32
        %parallel_loop3A_755 = vector.broadcast %parallel_loop3A_754 : i32 to vector<16xi32>
        %parallel_loop3A_756 = arith.cmpi eq, %parallel_loop3A_462, %parallel_loop3A_755 : vector<16xi32>
        %parallel_loop3A_757 = arith.constant 0.000000e+00 : f32
        %parallel_loop3A_758 = vector.broadcast %parallel_loop3A_757 : f32 to vector<16xf32>
        %parallel_loop3A_759 = arith.select %parallel_loop3A_756, %parallel_loop3A_758, %parallel_loop3A_753 : vector<16xi1>, vector<16xf32>
        %parallel_loop3A_760 = arith.constant 15 : i32
        %parallel_loop3A_761 = arith.addi %parallel_loop3A_385, %parallel_loop3A_760 : i32
        %parallel_loop3A_762 = arith.index_cast %parallel_loop3A_761 : i32 to index
        %parallel_loop3A_763 = arith.index_cast %parallel_loop3A_461 : i32 to index
        %parallel_loop3A_764 = tpu.vector_load %arg11[%parallel_loop3A_762, %parallel_loop3A_763] {strides = array<i32>} : memref<32x512xf32, #tpu.memory_space<vmem>>, vector<1x16xf32>,
        %parallel_loop3A_765 = vector.shape_cast %parallel_loop3A_764 : vector<1x16xf32> to vector<16xf32>
        %parallel_loop3A_766 = vector.shape_cast %parallel_loop3A_759 : vector<16xf32> to vector<1x16xf32>
        tpu.vector_store %arg11[%parallel_loop3A_762, %parallel_loop3A_763], %parallel_loop3A_766 {strides = array<i32>} : memref<32x512xf32, #tpu.memory_space<vmem>>, vector<1x16xf32>,
      } {sc.loop_unroll_factor = 1 : i64, sc.parallel_access}
      %jit3A_323 = arith.constant 16 : i32
      %div3A_324 = arith.divsi %add3A_220, %jit3A_323 : i32
      %sign3A_325 = arith.constant 0 : i32
      %sign3A_326 = arith.cmpi sgt, %add3A_220, %sign3A_325 : i32
      %sign3A_327 = arith.extui %sign3A_326 : i1 to i32
      %sign3A_328 = arith.constant 0 : i32
      %sign3A_329 = arith.cmpi slt, %add3A_220, %sign3A_328 : i32
      %sign3A_330 = arith.extui %sign3A_329 : i1 to i32
      %sign3A_331 = arith.subi %sign3A_327, %sign3A_330 : i32
      %sign3A_332 = arith.constant 0 : i32
      %sign3A_333 = arith.cmpi sgt, %jit3A_323, %sign3A_332 : i32
      %sign3A_334 = arith.extui %sign3A_333 : i1 to i32
      %sign3A_335 = arith.constant 0 : i32
      %sign3A_336 = arith.cmpi slt, %jit3A_323, %sign3A_335 : i32
      %sign3A_337 = arith.extui %sign3A_336 : i1 to i32
      %sign3A_338 = arith.subi %sign3A_334, %sign3A_337 : i32
      %ne3A_339 = arith.cmpi ne, %sign3A_331, %sign3A_338 : i32
      %rem3A_340 = arith.remsi %add3A_220, %jit3A_323 : i32
      %ne3A_341 = arith.constant 0 : i32
      %ne3A_342 = arith.cmpi ne, %rem3A_340, %ne3A_341 : i32
      %and3A_343 = arith.andi %ne3A_339, %ne3A_342 : i1
      %sub3A_344 = arith.constant 1 : i32
      %sub3A_345 = arith.subi %div3A_324, %sub3A_344 : i32
      %select_n3A_346 = arith.select %and3A_343, %sub3A_345, %div3A_324 : i32
      %jit3A_347 = arith.constant 16 : i32
      %eq3A_348 = arith.constant 0 : i32
      %eq3A_349 = arith.cmpi eq, %jit3A_347, %eq3A_348 : i32
      %jit3A_350 = arith.constant 1 : i32
      %select_n3A_351 = arith.select %eq3A_349, %jit3A_350, %jit3A_347 : i32
      %rem3A_352 = arith.remsi %add3A_220, %select_n3A_351 : i32
      %ne3A_353 = arith.constant 0 : i32
      %ne3A_354 = arith.cmpi ne, %rem3A_352, %ne3A_353 : i32
      %lt3A_355 = arith.constant 0 : i32
      %lt3A_356 = arith.cmpi slt, %rem3A_352, %lt3A_355 : i32
      %lt3A_357 = arith.constant 0 : i32
      %lt3A_358 = arith.cmpi slt, %select_n3A_351, %lt3A_357 : i32
      %ne3A_359 = arith.xori %lt3A_356, %lt3A_358 : i1
      %and3A_360 = arith.andi %ne3A_359, %ne3A_354 : i1
      %add3A_361 = arith.addi %rem3A_352, %select_n3A_351 : i32
      %select_n3A_362 = arith.select %and3A_360, %add3A_361, %rem3A_352 : i32
      %mul3A_363 = arith.constant 32 : i32
      %mul3A_364 = arith.muli %select_n3A_362, %mul3A_363 : i32
      %mul3A_365 = arith.constant 2 : i32
      %mul3A_366 = arith.muli %add3A, %mul3A_365 : i32
      %add3A_367 = arith.addi %mul3A_366, %select_n3A_346 : i32
      %mul3A_368 = arith.constant 512 : i32
      %mul3A_369 = arith.muli %add3A_367, %mul3A_368 : i32
      %add3A_370 = arith.addi %mul3A_369, %mul3A_364 : i32
      %dma_start3A_371 = arith.constant 0 : i32
      %dma_start3A_372 = tpu.memref_slice %arg5[%add3A_370, %dma_start3A_371] : memref<32768x512xf32, #tpu.memory_space<hbm>> -> memref<32x512xf32, #tpu.memory_space<hbm>>
      %dma_start3A_373 = arith.constant 0 : i32
      %dma_start3A_374 = tpu.memref_slice %arg5[%add3A_370, %dma_start3A_373] : memref<32768x512xf32, #tpu.memory_space<hbm>> -> memref<32x512xf32, #tpu.memory_space<hbm>>
      tpu.enqueue_dma source(%arg11 : memref<32x512xf32, #tpu.memory_space<vmem>>) target(%dma_start3A_374 : memref<32x512xf32, #tpu.memory_space<hbm>>) target_semaphore(%arg15 : memref<!tpu.dma_semaphore, #tpu.memory_space<semaphore_mem>>)
      %add3A_375 = arith.constant 2 : i32
      %add3A_376 = arith.addi %add3A_220, %add3A_375 : i32
      %lt3A_377 = arith.constant 32 : i32
      %lt3A_378 = arith.cmpi slt, %add3A_376, %lt3A_377 : i32
      %convert_element_type3A_379 = arith.extui %lt3A_378 : i1 to i32
      %cond3A_380 = arith.constant 0 : i32
      %cond3A_381 = arith.cmpi ne, %convert_element_type3A_379, %cond3A_380 : i32
      scf.if %cond3A_381 {
        %add3A_383 = arith.constant 2 : i32
        %add3A_384 = arith.addi %add3A_220, %add3A_383 : i32
        %jit3A_385 = arith.constant 16 : i32
        %div3A_386 = arith.divsi %add3A_384, %jit3A_385 : i32
        %sign3A_387 = arith.constant 0 : i32
        %sign3A_388 = arith.cmpi sgt, %add3A_384, %sign3A_387 : i32
        %sign3A_389 = arith.extui %sign3A_388 : i1 to i32
        %sign3A_390 = arith.constant 0 : i32
        %sign3A_391 = arith.cmpi slt, %add3A_384, %sign3A_390 : i32
        %sign3A_392 = arith.extui %sign3A_391 : i1 to i32
        %sign3A_393 = arith.subi %sign3A_389, %sign3A_392 : i32
        %sign3A_394 = arith.constant 0 : i32
        %sign3A_395 = arith.cmpi sgt, %jit3A_385, %sign3A_394 : i32
        %sign3A_396 = arith.extui %sign3A_395 : i1 to i32
        %sign3A_397 = arith.constant 0 : i32
        %sign3A_398 = arith.cmpi slt, %jit3A_385, %sign3A_397 : i32
        %sign3A_399 = arith.extui %sign3A_398 : i1 to i32
        %sign3A_400 = arith.subi %sign3A_396, %sign3A_399 : i32
        %ne3A_401 = arith.cmpi ne, %sign3A_393, %sign3A_400 : i32
        %rem3A_402 = arith.remsi %add3A_384, %jit3A_385 : i32
        %ne3A_403 = arith.constant 0 : i32
        %ne3A_404 = arith.cmpi ne, %rem3A_402, %ne3A_403 : i32
        %and3A_405 = arith.andi %ne3A_401, %ne3A_404 : i1
        %sub3A_406 = arith.constant 1 : i32
        %sub3A_407 = arith.subi %div3A_386, %sub3A_406 : i32
        %select_n3A_408 = arith.select %and3A_405, %sub3A_407, %div3A_386 : i32
        %jit3A_409 = arith.constant 16 : i32
        %eq3A_410 = arith.constant 0 : i32
        %eq3A_411 = arith.cmpi eq, %jit3A_409, %eq3A_410 : i32
        %jit3A_412 = arith.constant 1 : i32
        %select_n3A_413 = arith.select %eq3A_411, %jit3A_412, %jit3A_409 : i32
        %rem3A_414 = arith.remsi %add3A_384, %select_n3A_413 : i32
        %ne3A_415 = arith.constant 0 : i32
        %ne3A_416 = arith.cmpi ne, %rem3A_414, %ne3A_415 : i32
        %lt3A_417 = arith.constant 0 : i32
        %lt3A_418 = arith.cmpi slt, %rem3A_414, %lt3A_417 : i32
        %lt3A_419 = arith.constant 0 : i32
        %lt3A_420 = arith.cmpi slt, %select_n3A_413, %lt3A_419 : i32
        %ne3A_421 = arith.xori %lt3A_418, %lt3A_420 : i1
        %and3A_422 = arith.andi %ne3A_421, %ne3A_416 : i1
        %add3A_423 = arith.addi %rem3A_414, %select_n3A_413 : i32
        %select_n3A_424 = arith.select %and3A_422, %add3A_423, %rem3A_414 : i32
        %mul3A_425 = arith.constant 32 : i32
        %mul3A_426 = arith.muli %select_n3A_424, %mul3A_425 : i32
        %mul3A_427 = arith.constant 2 : i32
        %mul3A_428 = arith.muli %add3A, %mul3A_427 : i32
        %add3A_429 = arith.addi %mul3A_428, %select_n3A_408 : i32
        %mul3A_430 = arith.constant 512 : i32
        %mul3A_431 = arith.muli %add3A_429, %mul3A_430 : i32
        %add3A_432 = arith.addi %mul3A_431, %mul3A_426 : i32
        %dma_start3A_433 = arith.constant 0 : i32
        %dma_start3A_434 = tpu.memref_slice %arg4[%add3A_432, %dma_start3A_433] : memref<32768x512xf32, #tpu.memory_space<hbm>> -> memref<32x512xf32, #tpu.memory_space<hbm>>
        %dma_start3A_435 = arith.constant 0 : i32
        %dma_start3A_436 = tpu.memref_slice %arg4[%add3A_432, %dma_start3A_435] : memref<32768x512xf32, #tpu.memory_space<hbm>> -> memref<32x512xf32, #tpu.memory_space<hbm>>
        tpu.enqueue_dma source(%dma_start3A_436 : memref<32x512xf32, #tpu.memory_space<hbm>>) target(%arg9 : memref<32x512xf32, #tpu.memory_space<vmem>>) target_semaphore(%arg13 : memref<!tpu.dma_semaphore, #tpu.memory_space<semaphore_mem>>)
      } else {
      }
      %scan3A_382 = arith.constant 0 : i32
      scf.yield %scan3A_382 : i32
    }
    %scan3A_40 = arith.constant 16 : i32
    %mul3A_41 = arith.constant 2 : i32
    %mul3A_42 = arith.muli %add3A, %mul3A_41 : i32
    %add3A_43 = arith.constant 1 : i32
    %add3A_44 = arith.addi %mul3A_42, %add3A_43 : i32
    %mul3A_45 = arith.constant 512 : i32
    %mul3A_46 = arith.muli %add3A_44, %mul3A_45 : i32
    %add3A_47 = arith.constant 448 : i32
    %add3A_48 = arith.addi %mul3A_46, %add3A_47 : i32
    %dma_wait3A = arith.constant 0 : i32
    %dma_wait3A_49 = tpu.memref_slice %arg5[%add3A_48, %dma_wait3A] : memref<32768x512xf32, #tpu.memory_space<hbm>> -> memref<32x512xf32, #tpu.memory_space<hbm>>
    %dma_wait3A_50 = arith.constant 0 : i32
    %dma_wait3A_51 = tpu.memref_slice %arg5[%add3A_48, %dma_wait3A_50] : memref<32768x512xf32, #tpu.memory_space<hbm>> -> memref<32x512xf32, #tpu.memory_space<hbm>>
    tpu.wait_dma2 semaphore(%arg14 : memref<!tpu.dma_semaphore, #tpu.memory_space<semaphore_mem>>) src(%arg10 : memref<32x512xf32, #tpu.memory_space<vmem>>) dst(%dma_wait3A_51 : memref<32x512xf32, #tpu.memory_space<hbm>>)
    %mul3A_52 = arith.constant 2 : i32
    %mul3A_53 = arith.muli %add3A, %mul3A_52 : i32
    %add3A_54 = arith.constant 1 : i32
    %add3A_55 = arith.addi %mul3A_53, %add3A_54 : i32
    %mul3A_56 = arith.constant 512 : i32
    %mul3A_57 = arith.muli %add3A_55, %mul3A_56 : i32
    %add3A_58 = arith.constant 480 : i32
    %add3A_59 = arith.addi %mul3A_57, %add3A_58 : i32
    %dma_wait3A_60 = arith.constant 0 : i32
    %dma_wait3A_61 = tpu.memref_slice %arg5[%add3A_59, %dma_wait3A_60] : memref<32768x512xf32, #tpu.memory_space<hbm>> -> memref<32x512xf32, #tpu.memory_space<hbm>>
    %dma_wait3A_62 = arith.constant 0 : i32
    %dma_wait3A_63 = tpu.memref_slice %arg5[%add3A_59, %dma_wait3A_62] : memref<32768x512xf32, #tpu.memory_space<hbm>> -> memref<32x512xf32, #tpu.memory_space<hbm>>
    tpu.wait_dma2 semaphore(%arg15 : memref<!tpu.dma_semaphore, #tpu.memory_space<semaphore_mem>>) src(%arg11 : memref<32x512xf32, #tpu.memory_space<vmem>>) dst(%dma_wait3A_63 : memref<32x512xf32, #tpu.memory_space<hbm>>)
    return
  }
}

</mosaic_0001>

<sc_bundles>
// kernel: _link_update.3.cloned.1.call-start
scs
__scs_entry_jumppad:
0x0: {  	(pc) =	sbr.rel $0x88, $3  }
0x1: {  	(tag) =	ssettag $0x0;
	lr =	simm.s32 $0x1  }
0x2: {  	[smem:$0x3F9E] =	sst lr;
	_ =	strace $0xD0000000  }
0x3: {  	_ = 	snop  }
0x4: {  	_ = 	snop  }
0x5: {  	_ = 	snop  }
0x6: {  	_ = 	snop  }
0x7: {  	_ = 	snop  }
__scs_overlays_trampoline_lowered:
0x8: {  	[smem:$0x3FAD] =	sst s0  }
0x9: {  	[smem:$0x3FAE] =	sst s1  }
0xa: {  	[smem:$0x3FAF] =	sst s2  }
0xb: {  	[smem:$0x3FB0] =	sst s3  }
0xc: {  	[smem:$0x3FB1] =	sst s4  }
0xd: {  	[smem:$0x3FB2] =	sst s5  }
0xe: {  	[smem:$0x3FB3] =	sst s6  }
0xf: {  	[smem:$0x3FB4] =	sst s7  }
0x10: {  	[smem:$0x3FB5] =	sst s8  }
0x11: {  	[smem:$0x3FB6] =	sst s9;
	s0 =	simm.s32 @!p0 $0x0  }
0x12: {  	s1 =	sld [smem:$0x3F9C];
	s0 =	simm.s32 @p0 $0x1  }
0x13: {  	[smem:$0x3FB7] =	sst s0;
	s0 =	simm.s32 @!p1 $0x0  }
0x14: {  	s2 =	sld [smem:$0x3F9B];
	s0 =	simm.s32 @p1 $0x1  }
0x15: {  	[smem:$0x3FB8] =	sst s0;
	s0 =	simm.s32 @!p2 $0x0  }
0x16: {  	s3 =	sld [smem:$0x3FDB];
	s0 =	simm.s32 @p2 $0x1  }
0x17: {  	s4 =	simm.s32 $0x1BF5;
	[smem:$0x3FBA] =	sst s0  }
0x18: {  	s0 =	sld [smem:$0x3F9D];
	_ =	swait.ge [sflag:s4], $0x0  }
0x19: {  	s7 =	sld [smem:$0x3F9E]  }
0x1a: {  	s8 =	sadd.s32 $0xFFFFE003, lr  }
0x1b: {  	s9 =	sadd.s32 $0xFFFFFEF7, lr;
	s5 =	simm.s32 $0xFFFFFFFF;
	p2 =	slt.u32 s8, $0xFFFFF086  }
0x1c: {  	p1 =	slt.u32 s9, $0xF7A;
	s5 =	simm.s32 @!p2 $0x0  }
0x1d: {  	s5 =	simm.s32 @p1 $0x1;
	p0 =	seq.s32 s7, s2  }
0x1e: {  	s7 =	smul.u32 @!p0 $0xF7A, s2;
	p2 =	seq.s32 @!p0 s5, $0x0  }
0x1f: {  	s9 =	smul.u32 $0xF7A, s1;
	s8 =	simm.s32 @!p0 $0x1BF5;
	p2 =	por !p2, p0  }
0x20: {  	[sflag:s8] =	ssyncset.s32 @!p0 $0xFFFFF086;
	s6 =	sadd.s32 @!p0 s3, s7;
	s7 =	simm.s32 @!p0 $0x108  }
0x21: {  	s3 =	sadd.s32 s3, s9;
	s6 =	sadd.s32 @!p0 $0x88, s6;
	s7 =	simm.s32 @p2 $0x1082  }
0x22: {  	[simem:s7], [sflag:s8] =	dma.local @!p0 [hbm:s6], $0xF7A  }
0x23: {  	s9 =	sor.u32 $0xD0000000, s2;
	s6 =	simm.s32 $0x108;
	_ =	swait.ge @!p0 [sflag:s8], $0x0  }
0x24: {  	s3 =	sadd.s32 $0x88, s3;
	s6 =	simm.s32 @!p1 $0x1082;
	[sflag:s4] =	ssyncset.s32 $0xFFFFF086  }
0x25: {  	[simem:s6], [sflag:s4] =	dma.local [hbm:s3], $0xF7A  }
0x26: {  	[smem:$0x3F9E] =	sst s1;
	(tag) =	ssettag s2;
	_ =	strace s9  }
0x27: {  	s1 =	sld [smem:$0x3FAE]  }
0x28: {  	s2 =	sld [smem:$0x3FAF]  }
0x29: {  	s4 =	sld [smem:$0x3FB1]  }
0x2a: {  	p0 =	seq.s32 s5, $0x0;
	s5 =	sld [smem:$0x3FB2]  }
0x2b: {  	s6 =	sld [smem:$0x3FB3]  }
0x2c: {  	s7 =	sld [smem:$0x3FB4]  }
0x2d: {  	s3 =	simm.s32 $0x108;
	s8 =	sld [smem:$0x3FB5]  }
0x2e: {  	s3 =	simm.s32 @!p0 $0x1082;
	s9 =	sld [smem:$0x3FB6]  }
0x2f: {  	lr =	sadd.s32 s0, s3;
	s0 =	sld [smem:$0x3FAD]  }
0x30: {  	s3 =	sld [smem:$0x3FB0]  }
0x31: {  	[smem:$0x3FB9] =	sst s10  }
0x32: {  	s10 =	sld [smem:$0x3FB7];
	_ =	sdelay $0x3  }
0x33: {  	p0 =	seq.s32 s10, $0x1;
	s10 =	sld [smem:$0x3FB9];
	_ =	sdelay $0x3  }
0x34: {  	[smem:$0x3FB9] =	sst s10  }
0x35: {  	s10 =	sld [smem:$0x3FB8];
	_ =	sdelay $0x3  }
0x36: {  	p1 =	seq.s32 s10, $0x1;
	s10 =	sld [smem:$0x3FB9];
	_ =	sdelay $0x3  }
0x37: {  	[smem:$0x3FB9] =	sst s10  }
0x38: {  	s10 =	sld [smem:$0x3FBA]  }
0x39: {  	_ = 	snop;
	(pc) =	sbr.ind lr, $3  }
0x3a: {  	_ = 	snop  }
0x3b: {  	_ = 	snop  }
0x3c: {  	p2 =	seq.s32 s10, $0x1;
	s10 =	sld [smem:$0x3FB9]  }
0x3d: {  	_ =	shalt  }
0x3e: {  	_ =	shalt  }
0x3f: {  	_ =	shalt  }
0x40: {  	_ =	shalt  }
0x41: {  	_ =	shalt  }
0x42: {  	_ =	shalt  }
0x43: {  	_ =	shalt  }
0x44: {  	_ =	shalt  }
0x45: {  	_ =	shalt  }
0x46: {  	_ =	shalt  }
0x47: {  	_ =	shalt  }
0x48: {  	_ =	shalt  }
0x49: {  	_ =	shalt  }
0x4a: {  	_ =	shalt  }
0x4b: {  	_ =	shalt  }
0x4c: {  	_ =	shalt  }
0x4d: {  	_ =	shalt  }
0x4e: {  	_ =	shalt  }
0x4f: {  	_ =	shalt  }
0x50: {  	_ =	shalt  }
0x51: {  	_ =	shalt  }
0x52: {  	_ =	shalt  }
0x53: {  	_ =	shalt  }
0x54: {  	_ =	shalt  }
0x55: {  	_ =	shalt  }
0x56: {  	_ =	shalt  }
0x57: {  	_ =	shalt  }
0x58: {  	_ =	shalt  }
0x59: {  	_ =	shalt  }
0x5a: {  	_ =	shalt  }
0x5b: {  	_ =	shalt  }
0x5c: {  	_ =	shalt  }
0x5d: {  	_ =	shalt  }
0x5e: {  	_ =	shalt  }
0x5f: {  	_ =	shalt  }
0x60: {  	_ =	shalt  }
0x61: {  	_ =	shalt  }
0x62: {  	_ =	shalt  }
0x63: {  	_ =	shalt  }
0x64: {  	_ =	shalt  }
0x65: {  	_ =	shalt  }
0x66: {  	_ =	shalt  }
0x67: {  	_ =	shalt  }
0x68: {  	_ =	shalt  }
0x69: {  	_ =	shalt  }
0x6a: {  	_ =	shalt  }
0x6b: {  	_ =	shalt  }
0x6c: {  	_ =	shalt  }
0x6d: {  	_ =	shalt  }
0x6e: {  	_ =	shalt  }
0x6f: {  	_ =	shalt  }
0x70: {  	_ =	shalt  }
0x71: {  	_ =	shalt  }
0x72: {  	_ =	shalt  }
0x73: {  	_ =	shalt  }
0x74: {  	_ =	shalt  }
0x75: {  	_ =	shalt  }
0x76: {  	_ =	shalt  }
0x77: {  	_ =	shalt  }
0x78: {  	_ =	shalt  }
0x79: {  	_ =	shalt  }
0x7a: {  	_ =	shalt  }
0x7b: {  	_ =	shalt  }
0x7c: {  	_ =	shalt  }
0x7d: {  	_ =	shalt  }
0x7e: {  	_ =	shalt  }
0x7f: {  	_ =	shalt  }
0x80: {  	_ =	shalt  }
0x81: {  	_ =	shalt  }
0x82: {  	_ =	shalt  }
0x83: {  	_ =	shalt  }
0x84: {  	_ =	shalt  }
0x85: {  	_ =	shalt  }
0x86: {  	_ =	shalt  }
0x87: {  	_ =	shalt  }
.Lfunc_end0:
.L_simem_size_0:
called_computation_lowered:
.L_overlay_start_0:
0x88: {  	s2 =	sld [smem:$0x3FD9]  }
0x89: {  	s3 =	sld [smem:$0x3FFE];
	_ =	sdelay $0x1  }
0x8a: {  	s1 =	srdreg.scid  }
0x8b: {  	s0 =	sand.u32 $0x1, s1  }
0x8c: {  	s18 =	sshll.u32 s0, $0xA;
	s2 =	sadd.s32 s3, s2  }
0x8d: {  	s2 =	sadd.s32 s2, s18  }
0x8e: {  	[smem:$0x3FC5] =	sst s2  }
0x8f: {  	_ = 	snop  }
0x90: {  	s2 =	sld [smem:$0x3FC9]  }
0x91: {  	s19 =	sld [smem:$0x3FC8]  }
0x92: {  	s4 =	sld [smem:$0x3FC7]  }
0x93: {  	s5 =	sld [smem:$0x3FD0];
	(tm) =	ssettm $0x1  }
0x94: {  	s6 =	sld [smem:$0x3FFB];
	_ =	sdelay $0x3  }
0x95: {  	_ =	strace s6  }
0x96: {  	s6 =	sld [smem:$0x3FFC];
	_ =	sdelay $0x3  }
0x97: {  	_ =	strace s6  }
0x98: {  	s6 =	sld [smem:$0x3FFD];
	_ =	sdelay $0x3  }
0x99: {  	_ =	strace s6  }
0x9a: {  	_ =	strace $0x8FFFFFFF  }
0x9b: {  	s20 =	sld [smem:$0x3FDB];
	_ =	sdelay $0x1  }
0x9c: {  	s7 =	simm.s32 $_scs_section_size  }
0x9d: {  	s8 =	simm.s32 $_size__tile_overlayer_lowered;
	s9 =	simm.s32 $_tile_overlayer_lowered  }
0x9e: {  	s23 =	simm.s32 $0x1BFF;
	s22 =	sshll.u32 s9, $0x1;
	s6 =	sadd.s32 s7, s20  }
0x9f: {  	s10 =	simm.s32 $0x0;
	s21 =	sshll.u32 s8, $0x1;
	s8 =	sadd.s32 s22, s6  }
0xa0: {  	[timem:s10], [sflag:s23] =	dma.local [hbm:s8], s21  }
0xa1: {  	_ =	swait.ge [sflag:s23], s21  }
0xa2: {  	s7 =	ssub.s32 $0x0, s21;
	[sflag:s23] =	ssyncset.done $0x0  }
0xa3: {  	[sflag:s23] =	ssyncadd.s32 s7;
	_ =	sdelay $0x1  }
0xa4: {  	s24 =	simm.s32 $0x1B8B  }
0xa5: {  	_ =	swait.ge [sflag:s24], $0x1  }
0xa6: {  	[sflag:s24] =	ssyncset.done $0x0  }
0xa7: {  	s25 =	simm.s32 $0x1B8E;
	[sflag:s24] =	ssyncadd.s32 $0xFFFFFFFF  }
0xa8: {  	s26 =	simm.s32 $execute0_lowered;
	[smem:$0x3FD2] =	sst s25  }
0xa9: {  	s7 =	sshll.u32 s26, $0x1;
	_ =	strace $0x80000046;
	[dreg:$0x1] =	wrdreg $0xFFFFFFFF  }
0xaa: {  	s28 =	simm.s32 $_size_execute0_lowered;
	s6 =	sadd.s32 s6, s7;
	[dreg:$0x0] =	wrdreg $0x0  }
0xab: {  	s7 =	sshll.u32 s28, $0x1;
	[dreg:$0x2] =	wrdreg s6  }
0xac: {  	[dreg:$0x3] =	wrdreg s7  }
0xad: {  	[dreg:$0x4] =	wrdreg $0xC0  }
0xae: {  	_ =	task [dreg:s10], $0x5FFFF  }
0xaf: {  	[dreg:$0x1] =	wrdreg $0xFFFFFFFF  }
0xb0: {  	[dreg:$0x0] =	wrdreg $0x60  }
0xb1: {  	[dreg:$0x2] =	wrdreg s2  }
0xb2: {  	[dreg:$0x3] =	wrdreg s19  }
0xb3: {  	[dreg:$0x4] =	wrdreg s4  }
0xb4: {  	[dreg:$0x5] =	wrdreg s5  }
0xb5: {  	[dreg:$0x6] =	wrdreg $0x9  }
0xb6: {  	_ =	task.clear_ibuf [dreg:s10], $0x7FFFF;
	_ =	strace $0x90000046  }
0xb7: {  	s29 =	simm.s32 $0x9;
	_ =	strace $0x80000048  }
0xb8: {  	_ =	swait.ge [sflag:s29], $0x1  }
0xb9: {  	[sflag:s29] =	ssyncadd.s32 $0xFFFFFFFF  }
0xba: {  	_ =	strace $0x90000048  }
0xbb: {  	_ =	sfence  }
0xbc: {  	s30 =	sld [smem:$0x0];
	_ =	sdelay $0x2  }
0xbd: {  	s31 =	sshll.u32 s1, $0xD;
	s1 =	sshrl.u32 s1, $0x2  }
0xbe: {  	s3 =	sand.u32 $0x4000, s31;
	s1 =	sadd.s32 s1, s30  }
0xbf: {  	s0 =	sor.u32 s3, s0;
	s1 =	sshll.u32 s1, $0x11  }
0xc0: {  	s0 =	sor.u32 s1, s0  }
0xc1: {  	s0 =	sadd.s32 $0x8F2B, s0  }
0xc2: {  	[sflag:s0] =	ssyncadd.remote.s32 $0x1  }
0xc3: {  	_ =	sfence.sel $0xFFFF  }
0xc4: {  	[dreg:$0x0] =	wrdreg $0xFFFFFFFF;
	(pc) =	sbr.abs _section_cstart, $3  }
0xc5: {  	[dreg:$0x1] =	wrdreg $0xFFFFFFFF  }
0xc6: {  	_ =	task.clear_ibuf [dreg:s10], $0x2FFFF;
	_ =	strace $0x9FFFFFFF  }
0xc7: {  	(tm) =	ssettm $0x7FFFFFFF  }
tec
execute0_lowered:
.L_overlay_start_1:
0x0: {  	(tag) =	ssettag $0x1  }
0x1: {  	s0 =	rddreg [dreg:$0x0]  }
0x2: {  	s1 =	rddreg [dreg:$0x1]  }
0x3: {  	s3 =	rddreg [dreg:$0x2]  }
0x4: {  	s4 =	simm.s32 $0x0;
	s2 =	srdreg.scid;
	s7 =	stileid.u32  }
0x5: {  	[smem:$0x7FF] =	sst s4;
	s2 =	sand.u32 $0x1, s2;
	s5 =	sshll.u32 s7, $0x1  }
0x6: {  	s21 =	sshll.u32 s7, $0x8;
	_ =	strace $0x80000047;
	s6 =	sor.u32 s2, s5  }
0x7: {  	s2 =	ssub.s32 $0x2, s2;
	s9 =	sand.u32 $0xE00, s21;
	s22 =	sshll.u32 s6, $0x5  }
0x8: {  	s8 =	sshrl.u32 s2, $0x1;
	s5 =	sshll.u32 s6, $0x1;
	s6 =	sshll.u32 s6, $0x10  }
0x9: {  	s7 =	sand.u32 $0x60, s22;
	s2 =	ssub.s32 s2, s8;
	s24 =	sadd.s32 s3, s6  }
0xa: {  	s7 =	sor.u32 s9, s7;
	[dreg:$0x8] =	wrdreg s24;
	s25 =	smax.u32 s2, $0x1  }
0xb: {  	s9 =	sadd.s32 s0, s7;
	[dreg:$0xb] =	wrdreg s25  }
0xc: {  	s23 =	sor.u32 $0x10, s7;
	s7 =	sadd.s32 s1, s7;
	[dreg:$0x5] =	wrdreg s9  }
0xd: {  	s0 =	sadd.s32 s0, s23;
	[dreg:$0x6] =	wrdreg s7  }
0xe: {  	s1 =	sadd.s32 s1, s23;
	[dreg:$0x7] =	wrdreg s0  }
0xf: {  	s26 =	sadd.s32 $0x80, s9;
	[dreg:$0x9] =	wrdreg s1  }
0x10: {  	s28 =	sadd.s32 $0x100, s9;
	[dreg:$0xc] =	wrdreg s26  }
.Ltmp0:
0x11: {  	s29 =	sadd.s32 $0x180, s9;
	[dreg:$0xd] =	wrdreg s28;
	(pc) =	sbr.rel .LBB2_1-.Ltmp0, $4  }
0x12: {  	s30 =	sadd.s32 $0x80, s7;
	[dreg:$0xe] =	wrdreg s29  }
0x13: {  	s31 =	sadd.s32 $0x100, s7;
	[dreg:$0xf] =	wrdreg s30  }
0x14: {  	s0 =	sadd.s32 $0x800, s24;
	[dreg:$0x10] =	wrdreg s31  }
0x15: {  	s2 =	simm.s32 $0x0;
	s24 =	simm.s32 $0x2;
	[dreg:$0xa] =	wrdreg s0  }
.LBB2_12:
0x16: {  	s0 =	simm.s32 $0x3  }
0x17: {  	_ =	swait.ge [sflag:s0], $0x4000  }
0x18: {  	[sflag:s0] =	ssyncset.done $0x0  }
0x19: {  	s1 =	simm.s32 $0x4;
	[sflag:s0] =	ssyncadd.s32 $0xFFFFC000  }
0x1a: {  	_ =	swait.ge [sflag:s1], $0x4000  }
0x1b: {  	s2 =	rddreg [dreg:$0x11]  }
0x1c: {  	s31 =	rddreg [dreg:$0xb];
	s2 =	sadd.s32 $0x1, s2  }
0x1d: {  	p0 =	sne.s32 s2, s31  }
.Ltmp1:
0x1e: {  	_ = 	snop;
	(pc) =	sbr.rel @!p0 .LBB2_13-.Ltmp1, $3  }
0x1f: {  	_ =	sdelay $0x1  }
0x20: {  	[sflag:s1] =	ssyncset.done $0x0  }
0x21: {  	[sflag:s1] =	ssyncadd.s32 $0xFFFFC000  }
.LBB2_1:
0x22: {  	[dreg:$0x11] =	wrdreg s2  }
0x23: {  	s0 =	rddreg [dreg:$0x5]  }
0x24: {  	[tilespmem:s4], [sflag:$0x5] =	stream.linear.gather [hbm4b:s0+s4], $0x80, $0x38;
	[tilespmem:$0x10800] =	vst v63  }
0x25: {  	s20 =	rddreg [dreg:$0xc];
	s1 =	simm.s32 $0x100  }
0x26: {  	[tilespmem:s1], [sflag:$0x5] =	stream.linear.gather [hbm4b:s20+s4], $0x80, $0x38;
	[tilespmem:$0x10800] =	vst v63  }
0x27: {  	s21 =	rddreg [dreg:$0xd];
	s22 =	simm.s32 $0x200  }
0x28: {  	[tilespmem:s22], [sflag:$0x5] =	stream.linear.gather [hbm4b:s21+s4], $0x80, $0x38;
	[tilespmem:$0x10800] =	vst v63  }
0x29: {  	s23 =	rddreg [dreg:$0xe];
	s25 =	simm.s32 $0x300;
	s26 =	simm.s32 $0x5  }
0x2a: {  	[tilespmem:s25], [sflag:$0x5] =	stream.linear.gather [hbm4b:s23+s4], $0x80, $0x38;
	[tilespmem:$0x10800] =	vst v63  }
0x2b: {  	_ =	swait.ge [sflag:s26], $0x200  }
0x2c: {  	[sflag:s26] =	ssyncset.done $0x0  }
0x2d: {  	s29 =	simm.s32 $0x400;
	s28 =	rddreg [dreg:$0x6];
	[sflag:s26] =	ssyncadd.s32 $0xFFFFFE00  }
0x2e: {  	[tilespmem:s29], [sflag:$0x5] =	stream.linear.gather [hbm4b:s28+s4], $0x80, $0x38;
	[tilespmem:$0x10800] =	vst v63  }
0x2f: {  	s3 =	simm.s32 $0x500;
	s31 =	rddreg [dreg:$0xf]  }
0x30: {  	[tilespmem:s3], [sflag:$0x5] =	stream.linear.gather [hbm4b:s31+s4], $0x80, $0x38;
	[tilespmem:$0x10800] =	vst v63  }
0x31: {  	s7 =	simm.s32 $0x600;
	s6 =	rddreg [dreg:$0x10]  }
0x32: {  	[tilespmem:s7], [sflag:$0x5] =	stream.linear.gather [hbm4b:s6+s4], $0x80, $0x38;
	[tilespmem:$0x10800] =	vst v63  }
0x33: {  	s8 =	simm.s32 $0x700;
	s0 =	sadd.s32 $0x180, s28  }
0x34: {  	[tilespmem:s8], [sflag:$0x5] =	stream.linear.gather [hbm4b:s0+s4], $0x80, $0x38;
	[tilespmem:$0x10800] =	vst v63  }
0x35: {  	_ =	swait.ge [sflag:s26], $0x200  }
0x36: {  	[sflag:s26] =	ssyncset.done $0x0  }
0x37: {  	s10 =	simm.s32 $0x80;
	s9 =	rddreg [dreg:$0x7];
	[sflag:s26] =	ssyncadd.s32 $0xFFFFFE00  }
0x38: {  	[tilespmem:s10], [sflag:$0x5] =	stream.linear.gather [hbm4b:s9+s4], $0x80, $0x38;
	[tilespmem:$0x10800] =	vst v63  }
0x39: {  	s12 =	simm.s32 $0x180;
	s11 =	sadd.s32 $0x80, s9  }
0x3a: {  	[tilespmem:s12], [sflag:$0x5] =	stream.linear.gather [hbm4b:s11+s4], $0x80, $0x38;
	[tilespmem:$0x10800] =	vst v63  }
0x3b: {  	s14 =	simm.s32 $0x280;
	s13 =	sadd.s32 $0x100, s9  }
0x3c: {  	[tilespmem:s14], [sflag:$0x5] =	stream.linear.gather [hbm4b:s13+s4], $0x80, $0x38;
	[tilespmem:$0x10800] =	vst v63  }
0x3d: {  	s16 =	simm.s32 $0x380;
	s15 =	sadd.s32 $0x180, s9  }
0x3e: {  	[tilespmem:s16], [sflag:$0x5] =	stream.linear.gather [hbm4b:s15+s4], $0x80, $0x38;
	[tilespmem:$0x10800] =	vst v63  }
0x3f: {  	_ =	swait.ge [sflag:s26], $0x200  }
0x40: {  	[sflag:s26] =	ssyncset.done $0x0  }
0x41: {  	s18 =	simm.s32 $0x480;
	s17 =	rddreg [dreg:$0x9];
	[sflag:s26] =	ssyncadd.s32 $0xFFFFFE00  }
0x42: {  	[tilespmem:s18], [sflag:$0x5] =	stream.linear.gather [hbm4b:s17+s4], $0x80, $0x38;
	[tilespmem:$0x10800] =	vst v63  }
0x43: {  	s20 =	simm.s32 $0x580;
	s19 =	sadd.s32 $0x80, s17  }
0x44: {  	[tilespmem:s20], [sflag:$0x5] =	stream.linear.gather [hbm4b:s19+s4], $0x80, $0x38;
	[tilespmem:$0x10800] =	vst v63  }
0x45: {  	s22 =	simm.s32 $0x680;
	s21 =	sadd.s32 $0x100, s17  }
0x46: {  	[tilespmem:s22], [sflag:$0x5] =	stream.linear.gather [hbm4b:s21+s4], $0x80, $0x38;
	[tilespmem:$0x10800] =	vst v63  }
0x47: {  	s25 =	simm.s32 $0x780;
	s23 =	sadd.s32 $0x180, s17  }
0x48: {  	[tilespmem:s25], [sflag:$0x5] =	stream.linear.gather [hbm4b:s23+s4], $0x80, $0x38;
	[tilespmem:$0x10800] =	vst v63  }
0x49: {  	_ =	swait.ge [sflag:s26], $0x200  }
0x4a: {  	[sflag:s26] =	ssyncset.done $0x0  }
0x4b: {  	s28 =	simm.s32 $0x800;
	[sflag:s26] =	ssyncadd.s32 $0xFFFFFE00;
	s26 =	rddreg [dreg:$0x8]  }
0x4c: {  	[tilespmem:s28], [sflag:$0x1] =	stream.linear.gather [hbm4b:s26+s4], $0x4000, $0x38;
	[tilespmem:$0x10800] =	vst v63  }
0x4d: {  	s30 =	simm.s32 $0x0;
	s31 =	simm.s32 $0x4800;
	s29 =	rddreg [dreg:$0xa]  }
0x4e: {  	[tilespmem:s31], [sflag:$0x2] =	stream.linear.gather [hbm4b:s29+s4], $0x4000, $0x38;
	[tilespmem:$0x10800] =	vst v63  }
.LBB2_2:
0x4f: {  	s31 =	sshll.u32 s30, $0x1;
	s0 =	simm.s32 $0x1  }
0x50: {  	s1 =	sshrl.u32 s30, $0x3;
	s6 =	sshll.u32 s30, $0x6;
	_ =	swait.ge [sflag:s0], $0x4000  }
0x51: {  	p0 =	seq.s32 s30, $0x0;
	s28 =	sshll.u32 s30, $0x9;
	[sflag:s0] =	ssyncset.done $0x0  }
0x52: {  	s12 =	simm.s32 $0x0;
	[sflag:s0] =	ssyncadd.s32 $0xFFFFC000;
	s0 =	sand.u32 $0xC00, s28  }
0x53: {  	s7 =	simm.s32 @!p0 $0x3;
	s2 =	sshll.u32 s1, $0x7;
	s29 =	sshrl.u32 s0, $0x2  }
0x54: {  	s17 =	sor.u32 s5, s1;
	_ =	swait.ge @!p0 [sflag:s7], $0x4000;
	s1 =	sadd.s32 s2, s29  }
0x55: {  	p2 =	por $0x1, $0x1;
	s16 =	sand.u32 $0x1C0, s6;
	[sflag:s7] =	ssyncset.done @!p0 $0x0;
	v0 =	vmov s1  }
0x56: {  	s11 =	sand.u32 $0x40, s6;
	[sflag:s7] =	ssyncadd.s32 @!p0 $0xFFFFC000;
	s1 =	simm.s32 $0x0;
	[tilespmem:$0x1FFF0] =	vst v0  }
.LBB2_3:
0x57: {  	v0 =	vld [tilespmem:$0x1FFF0];
	_ =	sdelay $0x5  }
0x58: {  	s6 =	sshll.u32 s1, $0x4  }
0x59: {  	s13 =	sor.u32 s11, s6  }
0x5a: {  	v12 =	vld.idx.msk [tilespmem:v0+s13+$0x0 ss:$0x1], $0xffff;
	_ =	sdelay $0x1  }
0x5b: {  	s9 =	sand.u32 $0x70, s12;
	s7 =	sadd.s32 $0x0, s2  }
0x5c: {  	s14 =	sshll.u32 s1, $0xD;
	s10 =	sor.u32 s9, s7  }
0x5d: {  	s15 =	sadd.s32 $0x0, s14;
	v5 =	vld [tilespmem:s10+$0x0]  }
0x5e: {  	v2 =	vld [tilespmem:s10+$0x400];
	s21 =	sor.u32 s9, s15;
	v15 =	vsub.f32 $1.000000000e+00, v12  }
0x5f: {  	v3 =	vld [tilespmem:s21+$0x800]  }
0x60: {  	v4 =	vld [tilespmem:s21+$0x880];
	v58 =	vbroadcast v15, $0x0  }
0x61: {  	v6 =	vld [tilespmem:s21+$0x900];
	v13 =	vbroadcast v15, $0x1  }
0x62: {  	v18 =	vbroadcast v12, $0x0;
	v20 =	vbroadcast v15, $0x2;
	v7 =	vsub.f32 v58, v5  }
0x63: {  	v22 =	vbroadcast v12, $0x1;
	v24 =	vbroadcast v12, $0x2;
	v8 =	vsub.f32 v13, v5  }
0x64: {  	v9 =	vmul.f32 v2, v18;
	v3 =	vmul.f32 v3, v7;
	v7 =	vsub.f32 v20, v5  }
0x65: {  	v4 =	vmul.f32 v4, v8;
	v8 =	vmul.f32 v2, v22  }
0x66: {  	v3 =	vadd.f32 v3, v9;
	v6 =	vmul.f32 v6, v7;
	v7 =	vmul.f32 v2, v24  }
0x67: {  	v4 =	vadd.f32 v4, v8  }
0x68: {  	[tilespmem:s21+$0x8800] =	vst v3;
	v3 =	vadd.f32 v6, v7  }
0x69: {  	s15 =	sadd.s32 $0x0, s14;
	[tilespmem:s21+$0x8880] =	vst v4  }
0x6a: {  	s18 =	sor.u32 $0x180, s15;
	[tilespmem:s21+$0x8900] =	vst v3  }
0x6b: {  	v3 =	vld [tilespmem:s18+$0x800]  }
0x6c: {  	v32 =	vbroadcast v15, $0x3  }
0x6d: {  	s19 =	simm.s32 $0x10  }
0x6e: {  	s20 =	sadd.s32 $0x0, s2;
	s6 =	sand.u32 $0x70, s19;
	v33 =	vbroadcast v12, $0x3;
	v6 =	vsub.f32 v32, v5  }
0x6f: {  	s8 =	sadd.s32 $0x0, s14;
	s7 =	sor.u32 s6, s20  }
0x70: {  	s23 =	sor.u32 s6, s8;
	v4 =	vld [tilespmem:s7+$0x0];
	v7 =	vmul.f32 v2, v33;
	v6 =	vmul.f32 v3, v6  }
0x71: {  	v8 =	vld [tilespmem:s23+$0x800]  }
0x72: {  	v3 =	vld [tilespmem:s7+$0x400];
	v6 =	vadd.f32 v6, v7  }
0x73: {  	v36 =	vbroadcast v12, $0x4;
	v34 =	vbroadcast v12, $0x5;
	v7 =	vld [tilespmem:s23+$0x880]  }
0x74: {  	v35 =	vbroadcast v12, $0x6;
	v37 =	vbroadcast v15, $0x4;
	v9 =	vld [tilespmem:s23+$0x900];
	[tilespmem:s18+$0x8800] =	vst v6  }
0x75: {  	v38 =	vbroadcast v15, $0x5;
	v39 =	vbroadcast v15, $0x6;
	v6 =	vsub.f32 v58, v4;
	v10 =	vld [tilespmem:s21+$0xA00]  }
0x76: {  	v14 =	vmul.f32 v2, v36;
	v11 =	vsub.f32 v37, v5;
	v17 =	vsub.f32 v13, v4;
	v19 =	vld [tilespmem:s21+$0xA80]  }
0x77: {  	v21 =	vmul.f32 v3, v18;
	v23 =	vld [tilespmem:s21+$0xB00];
	v6 =	vmul.f32 v8, v6;
	v8 =	vsub.f32 v20, v4  }
0x78: {  	v25 =	vsub.f32 v38, v5;
	v7 =	vmul.f32 v7, v17;
	v17 =	vmul.f32 v3, v22  }
0x79: {  	v6 =	vadd.f32 v6, v21;
	v8 =	vmul.f32 v9, v8;
	v9 =	vmul.f32 v3, v24  }
0x7a: {  	v7 =	vadd.f32 v7, v17;
	v10 =	vmul.f32 v10, v11;
	v11 =	vsub.f32 v39, v5  }
0x7b: {  	s22 =	sadd.s32 $0x10, s14;
	[tilespmem:s23+$0x8800] =	vst v6;
	v6 =	vadd.f32 v8, v9;
	v8 =	vmul.f32 v19, v25;
	v9 =	vmul.f32 v2, v34  }
0x7c: {  	s9 =	sadd.s32 $0x0, s22;
	[tilespmem:s23+$0x8880] =	vst v7;
	v7 =	vadd.f32 v10, v14;
	v10 =	vmul.f32 v23, v11;
	v11 =	vmul.f32 v2, v35  }
0x7d: {  	s25 =	sor.u32 $0x180, s9;
	[tilespmem:s23+$0x8900] =	vst v6;
	v6 =	vadd.f32 v8, v9  }
0x7e: {  	v8 =	vld [tilespmem:s25+$0x800];
	[tilespmem:s21+$0x8A00] =	vst v7;
	v7 =	vadd.f32 v10, v11  }
0x7f: {  	s26 =	simm.s32 $0x20;
	[tilespmem:s21+$0x8A80] =	vst v6  }
0x80: {  	s6 =	sand.u32 $0x70, s26;
	s10 =	sadd.s32 $0x0, s2;
	s29 =	sor.u32 $0x380, s15;
	v40 =	vbroadcast v12, $0x7;
	[tilespmem:s21+$0x8B00] =	vst v7  }
0x81: {  	s10 =	sor.u32 s6, s10;
	v26 =	vbroadcast v12, $0x8;
	v27 =	vbroadcast v12, $0xA;
	s18 =	sadd.s32 $0x0, s14;
	v7 =	vsub.f32 v32, v4;
	v10 =	vld [tilespmem:s29+$0x800]  }
0x82: {  	v53 =	vbroadcast v12, $0xB;
	v41 =	vbroadcast v15, $0x7;
	s6 =	sor.u32 s6, s18;
	v6 =	vld [tilespmem:s10+$0x0]  }
0x83: {  	v44 =	vld [tilespmem:s6+$0x900];
	v19 =	vmul.f32 v3, v33;
	v17 =	vmul.f32 v8, v7  }
0x84: {  	v0 =	vbroadcast v12, $0xC;
	v29 =	vbroadcast v15, $0x8;
	v21 =	vsub.f32 v41, v5;
	v23 =	vld [tilespmem:s6+$0x800]  }
0x85: {  	v30 =	vbroadcast v15, $0x9;
	v31 =	vbroadcast v15, $0xA;
	v7 =	vld [tilespmem:s10+$0x400];
	v17 =	vadd.f32 v17, v19  }
0x86: {  	v28 =	vmul.f32 v2, v40;
	v42 =	vsub.f32 v29, v5;
	v19 =	vld [tilespmem:s6+$0x880];
	v21 =	vmul.f32 v10, v21  }
0x87: {  	v54 =	vbroadcast v15, $0xB;
	v43 =	vsub.f32 v30, v5;
	v45 =	vsub.f32 v58, v6;
	[tilespmem:s25+$0x8800] =	vst v17  }
0x88: {  	v1 =	vbroadcast v15, $0xC;
	v57 =	vsub.f32 v20, v6;
	v46 =	vld [tilespmem:s23+$0xA00];
	v21 =	vadd.f32 v21, v28  }
0x89: {  	v47 =	vmul.f32 v3, v36;
	v48 =	vsub.f32 v13, v6;
	v23 =	vmul.f32 v23, v45;
	v49 =	vld [tilespmem:s23+$0xA80]  }
0x8a: {  	v62 =	vsub.f32 v39, v4;
	v44 =	vmul.f32 v44, v57;
	v50 =	vmul.f32 v7, v18;
	v51 =	vld [tilespmem:s23+$0xB00];
	[tilespmem:s29+$0x8800] =	vst v21  }
0x8b: {  	v59 =	vmul.f32 v7, v22;
	v28 =	vsub.f32 v37, v4;
	v19 =	vmul.f32 v19, v48;
	v52 =	vld [tilespmem:s21+$0x1800]  }
0x8c: {  	v60 =	vmul.f32 v7, v24;
	v23 =	vadd.f32 v23, v50;
	v21 =	vsub.f32 v38, v4  }
0x8d: {  	v25 =	vbroadcast v12, $0x9;
	v61 =	vld [tilespmem:s21+$0x1880];
	v19 =	vadd.f32 v19, v59;
	v28 =	vmul.f32 v46, v28  }
0x8e: {  	v63 =	vld [tilespmem:s21+$0x1900];
	[tilespmem:s6+$0x8800] =	vst v23;
	v23 =	vadd.f32 v44, v60;
	v21 =	vmul.f32 v49, v21;
	v49 =	vmul.f32 v3, v34  }
0x8f: {  	s7 =	sadd.s32 $0x10, s22;
	[tilespmem:s6+$0x8880] =	vst v19;
	v19 =	vadd.f32 v28, v47;
	v28 =	vmul.f32 v51, v62;
	v51 =	vmul.f32 v3, v35  }
0x90: {  	s26 =	sadd.s32 $0x0, s7;
	v17 =	vmul.f32 v2, v26;
	[tilespmem:s6+$0x8900] =	vst v23;
	v21 =	vadd.f32 v21, v49;
	v23 =	vmul.f32 v52, v42  }
0x91: {  	s3 =	sor.u32 $0x180, s26;
	v56 =	vmul.f32 v2, v25;
	v52 =	vsub.f32 v31, v5;
	[tilespmem:s23+$0x8A00] =	vst v19;
	v55 =	vadd.f32 v28, v51  }
0x92: {  	v9 =	vbroadcast v12, $0xF;
	v57 =	vld [tilespmem:s3+$0x800];
	v43 =	vmul.f32 v61, v43;
	[tilespmem:s23+$0x8A80] =	vst v21;
	v17 =	vadd.f32 v23, v17  }
0x93: {  	s8 =	simm.s32 $0x30;
	v59 =	vmul.f32 v2, v27;
	v21 =	vmul.f32 v63, v52;
	[tilespmem:s23+$0x8B00] =	vst v55  }
0x94: {  	s20 =	sand.u32 $0x70, s8;
	s19 =	sor.u32 $0x380, s9;
	v14 =	vbroadcast v15, $0xF;
	v8 =	vbroadcast v15, $0xD;
	s25 =	sadd.s32 $0x0, s2;
	v43 =	vadd.f32 v43, v56;
	[tilespmem:s21+$0x9800] =	vst v17  }
0x95: {  	v45 =	vmul.f32 v3, v26;
	s18 =	sor.u32 s20, s25;
	v60 =	vsub.f32 v32, v6;
	v61 =	vld [tilespmem:s19+$0x800];
	v21 =	vadd.f32 v21, v59;
	[tilespmem:$0x1FFE0] =	vst v9  }
0x96: {  	v62 =	vmul.f32 v7, v33;
	v19 =	vbroadcast v12, $0xD;
	[tilespmem:s21+$0x9880] =	vst v43;
	v17 =	vld [tilespmem:s18+$0x400]  }
0x97: {  	s22 =	sadd.s32 $0x0, s14;
	s29 =	sor.u32 $0x1180, s15;
	v44 =	vsub.f32 v8, v5;
	v28 =	vbroadcast v15, $0xE;
	v46 =	vmul.f32 v57, v60;
	[tilespmem:s21+$0x9900] =	vst v21;
	v21 =	vld [tilespmem:s18+$0x0]  }
0x98: {  	s28 =	sor.u32 s20, s22;
	v51 =	vmul.f32 v2, v53;
	v23 =	vbroadcast v12, $0xE;
	v59 =	vsub.f32 v41, v4;
	v63 =	vld [tilespmem:s29+$0x800]  }
0x99: {  	v12 =	vmovc v53;
	v53 =	vsub.f32 v29, v4;
	v55 =	vmul.f32 v3, v40;
	v47 =	vadd.f32 v46, v62;
	v52 =	vld [tilespmem:s28+$0x800]  }
0x9a: {  	v15 =	vmovc v54;
	v60 =	vsub.f32 v54, v5;
	v46 =	vsub.f32 v30, v4;
	v54 =	vld [tilespmem:s28+$0x880];
	v49 =	vmul.f32 v61, v59  }
0x9b: {  	v42 =	vmul.f32 v2, v0;
	v43 =	vsub.f32 v1, v5;
	v56 =	vld [tilespmem:s28+$0x900];
	[tilespmem:s3+$0x8800] =	vst v47;
	v47 =	vsub.f32 v37, v6  }
0x9c: {  	v16 =	vmovc v58;
	v57 =	vmul.f32 v7, v36;
	v59 =	vld [tilespmem:s6+$0xA00];
	v49 =	vadd.f32 v49, v55;
	v58 =	vsub.f32 v58, v21  }
0x9d: {  	v11 =	vmovc v8;
	v55 =	vsub.f32 v38, v6;
	v50 =	vsub.f32 v13, v21;
	v48 =	vmul.f32 v63, v60;
	v60 =	vld [tilespmem:s6+$0xA80]  }
0x9e: {  	v62 =	vld [tilespmem:s6+$0xB00];
	v61 =	vmul.f32 v17, v18;
	[tilespmem:s19+$0x8800] =	vst v49;
	v52 =	vmul.f32 v52, v58;
	v58 =	vsub.f32 v20, v21  }
0x9f: {  	v10 =	vmovc v1;
	v49 =	vmul.f32 v54, v50;
	v50 =	vmul.f32 v17, v22;
	v63 =	vld [tilespmem:s23+$0x1800];
	v48 =	vadd.f32 v48, v51  }
0xa0: {  	v9 =	vmovc v0;
	v51 =	vld [tilespmem:s23+$0x1880];
	v52 =	vadd.f32 v52, v61;
	v54 =	vmul.f32 v56, v58;
	v61 =	vmul.f32 v17, v24  }
0xa1: {  	v58 =	vsub.f32 v39, v6;
	[tilespmem:s29+$0x8800] =	vst v48;
	v48 =	vadd.f32 v49, v50;
	v49 =	vmul.f32 v59, v47;
	v50 =	vld [tilespmem:s23+$0x1900]  }
0xa2: {  	[tilespmem:s28+$0x8800] =	vst v52;
	v52 =	vadd.f32 v54, v61;
	v59 =	vmul.f32 v60, v55;
	v60 =	vmul.f32 v7, v34;
	v47 =	vld [tilespmem:s21+$0x1A00]  }
0xa3: {  	v56 =	vmul.f32 v7, v35;
	v55 =	vmul.f32 v62, v58;
	[tilespmem:s28+$0x8880] =	vst v48;
	v54 =	vadd.f32 v49, v57;
	v48 =	vld [tilespmem:s21+$0x1A80]  }
0xa4: {  	p1 =	por p2, p2;
	s10 =	simm.s32 $0x4;
	s19 =	simm.s32 $0x0;
	v49 =	vld [tilespmem:s21+$0x1B00];
	[tilespmem:s28+$0x8900] =	vst v52;
	v57 =	vadd.f32 v59, v60;
	v52 =	vmul.f32 v63, v53;
	v53 =	vsub.f32 v31, v4  }
.LBB2_4:
0xa5: {  	_ = 	snop  }
0xa6: {  	s7 =	sadd.s32 $0x10, s7;
	v46 =	vmul.f32 v51, v46;
	v62 =	vmul.f32 v3, v25;
	[tilespmem:s6+$0x8A00] =	vst v54;
	v61 =	vadd.f32 v55, v56  }
0xa7: {  	s22 =	sshrl.u32 s10, $0x3;
	s1 =	sadd.s32 s19, s7;
	[tilespmem:s6+$0x8A80] =	vst v57;
	v45 =	vadd.f32 v52, v45  }
0xa8: {  	v63 =	vmul.f32 v3, v27;
	s8 =	sadd.s32 $0x10, s8;
	v50 =	vmul.f32 v50, v53;
	s18 =	sshll.u32 s22, $0x8;
	s29 =	sor.u32 $0x180, s1;
	v46 =	vadd.f32 v46, v62;
	[tilespmem:s6+$0x8B00] =	vst v61  }
0xa9: {  	v55 =	vsub.f32 v28, v5;
	s3 =	sand.u32 $0x70, s8;
	v43 =	vmul.f32 v47, v43;
	s18 =	sadd.s32 s2, s18;
	v56 =	vld [tilespmem:s29+$0x800];
	[tilespmem:s23+$0x9800] =	vst v45  }
0xaa: {  	v0 =	vmul.f32 v2, v19;
	v57 =	vadd.f32 v50, v63;
	v44 =	vmul.f32 v48, v44;
	s25 =	sor.u32 s3, s18;
	[tilespmem:s23+$0x9880] =	vst v46  }
0xab: {  	v59 =	vmul.f32 v2, v23;
	v42 =	vadd.f32 v43, v42;
	v58 =	vmul.f32 v49, v55;
	v47 =	vld [tilespmem:s25+$0x400]  }
0xac: {  	v5 =	vsub.f32 v14, v5;
	s18 =	sor.u32 $0x380, s26;
	v48 =	vmovc v6;
	v6 =	vmov v21;
	[tilespmem:s23+$0x9900] =	vst v57;
	v44 =	vadd.f32 v44, v0;
	v0 =	vld [tilespmem:$0x1FFE0]  }
0xad: {  	v60 =	vsub.f32 v32, v6;
	v61 =	vld [tilespmem:s18+$0x800];
	[tilespmem:s21+$0x9A00] =	vst v42;
	v46 =	vadd.f32 v58, v59  }
0xae: {  	s19 =	sshll.u32 s22, $0xA;
	s22 =	sor.u32 $0x1180, s9;
	v53 =	vsub.f32 v15, v4;
	v54 =	vmul.f32 v3, v12;
	v62 =	vmul.f32 v17, v33;
	v21 =	vld [tilespmem:s25+$0x0];
	[tilespmem:s21+$0x9A80] =	vst v44  }
0xaf: {  	s20 =	sadd.s32 s14, s19;
	v43 =	vsub.f32 v10, v4;
	v63 =	vsub.f32 v41, v48;
	s25 =	sor.u32 $0x1380, s15;
	v52 =	vld [tilespmem:s22+$0x800];
	[tilespmem:s21+$0x9B00] =	vst v46;
	v45 =	vmul.f32 v56, v60  }
0xb0: {  	s3 =	sor.u32 s3, s20;
	v42 =	vmul.f32 v3, v9;
	v58 =	vsub.f32 v29, v48;
	v44 =	vsub.f32 v11, v4;
	v55 =	vld [tilespmem:s25+$0x800]  }
0xb1: {  	s21 =	smov.u32 s23;
	v56 =	vld [tilespmem:s3+$0x800];
	v50 =	vmul.f32 v2, v0;
	v2 =	vmovc v3;
	v3 =	vmov v7;
	v51 =	vadd.f32 v45, v62  }
0xb2: {  	s23 =	smov.u32 s6;
	s6 =	smov.u32 s28;
	v46 =	vsub.f32 v30, v48;
	s28 =	smov.u32 s3;
	v57 =	vld [tilespmem:s3+$0x880];
	v49 =	vmul.f32 v61, v63;
	v59 =	vmul.f32 v3, v40  }
0xb3: {  	v60 =	vld [tilespmem:s28+$0x900];
	v45 =	vmul.f32 v7, v26;
	v7 =	vmov v17;
	v61 =	vsub.f32 v37, v6;
	[tilespmem:s29+$0x8800] =	vst v51  }
0xb4: {  	v17 =	vmovc v47;
	v51 =	vsub.f32 v16, v21;
	v49 =	vadd.f32 v49, v59;
	v52 =	vmul.f32 v52, v53;
	v1 =	vld [tilespmem:s6+$0xA00]  }
0xb5: {  	v47 =	vmul.f32 v17, v18;
	v53 =	vsub.f32 v13, v21;
	v59 =	vld [tilespmem:s6+$0xA80];
	v55 =	vmul.f32 v55, v5  }
0xb6: {  	v0 =	vld [tilespmem:s6+$0xB00];
	v51 =	vmul.f32 v56, v51;
	v56 =	vsub.f32 v20, v21;
	[tilespmem:s18+$0x8800] =	vst v49;
	v49 =	vadd.f32 v52, v54  }
0xb7: {  	v52 =	vmul.f32 v57, v53;
	v53 =	vmul.f32 v17, v22;
	v8 =	vld [tilespmem:s23+$0x1800];
	v54 =	vadd.f32 v55, v50  }
0xb8: {  	p2 =	sne.s32 s10, $0x1F;
	v57 =	vmul.f32 v17, v24;
	v47 =	vadd.f32 v51, v47;
	v60 =	vmul.f32 v60, v56;
	v51 =	vld [tilespmem:s23+$0x1880];
	[tilespmem:s22+$0x8800] =	vst v49  }
.Ltmp2:
0xb9: {  	v63 =	vsub.f32 v38, v6;
	v62 =	vmul.f32 v7, v36;
	v49 =	vadd.f32 v52, v53;
	v50 =	vld [tilespmem:s23+$0x1900];
	[tilespmem:s25+$0x8800] =	vst v54;
	(pc) =	sbr.rel @p2 .LBB2_4-.Ltmp2, $4  }
0xba: {  	v52 =	vsub.f32 v39, v6;
	v1 =	vmul.f32 v1, v61;
	[tilespmem:s28+$0x8800] =	vst v47;
	v60 =	vadd.f32 v60, v57  }
0xbb: {  	v5 =	vmovc v4;
	v4 =	vmov v48;
	v61 =	vmul.f32 v59, v63;
	v63 =	vmul.f32 v7, v34;
	v47 =	vld [tilespmem:s21+$0x1A00];
	[tilespmem:s28+$0x8880] =	vst v49  }
0xbc: {  	s10 =	sadd.s32 $0x1, s10;
	v56 =	vmul.f32 v7, v35;
	v53 =	vsub.f32 v31, v4;
	v55 =	vmul.f32 v0, v52;
	v48 =	vld [tilespmem:s21+$0x1A80];
	[tilespmem:s28+$0x8900] =	vst v60  }
0xbd: {  	s15 =	smov.u32 s9;
	s9 =	smov.u32 s26;
	s26 =	smov.u32 s1;
	v54 =	vadd.f32 v1, v62;
	v57 =	vadd.f32 v61, v63;
	v52 =	vmul.f32 v8, v58;
	v49 =	vld [tilespmem:s21+$0x1B00]  }
0xbe: {  	s1 =	sadd.s32 $0x10, s7  }
0xbf: {  	s7 =	sadd.s32 s19, s1  }
0xc0: {  	s1 =	sor.u32 $0x180, s7  }
0xc1: {  	v0 =	vld [tilespmem:s1+$0x800];
	_ =	sdelay $0x2  }
0xc2: {  	v1 =	vsub.f32 v32, v21;
	_ =	sdelay $0x1  }
0xc3: {  	v32 =	vmul.f32 v17, v33;
	v0 =	vmul.f32 v0, v1;
	_ =	sdelay $0x1  }
0xc4: {  	v0 =	vadd.f32 v0, v32;
	_ =	sdelay $0x1  }
0xc5: {  	[tilespmem:s1+$0x8800] =	vst v0  }
0xc6: {  	v0 =	vld [tilespmem:s28+$0xA00]  }
0xc7: {  	v33 =	vld [tilespmem:s28+$0xA80]  }
0xc8: {  	v8 =	vld [tilespmem:s28+$0xB00]  }
0xc9: {  	v22 =	vsub.f32 v37, v21  }
0xca: {  	v18 =	vsub.f32 v38, v21  }
0xcb: {  	v20 =	vmul.f32 v17, v36;
	v37 =	vsub.f32 v39, v21;
	v0 =	vmul.f32 v0, v22  }
0xcc: {  	v16 =	vadd.f32 v55, v56;
	v38 =	vmul.f32 v17, v34;
	[tilespmem:s6+$0x8A00] =	vst v54;
	v1 =	vmul.f32 v33, v18  }
0xcd: {  	[tilespmem:s6+$0x8A80] =	vst v57;
	v54 =	vmul.f32 v17, v35;
	v8 =	vmul.f32 v8, v37;
	v0 =	vadd.f32 v0, v20  }
0xce: {  	s19 =	sor.u32 $0x380, s26;
	[tilespmem:s6+$0x8B00] =	vst v16;
	v1 =	vadd.f32 v1, v38  }
0xcf: {  	v39 =	vld [tilespmem:s19+$0x800];
	v55 =	vadd.f32 v8, v54;
	[tilespmem:s28+$0x8A00] =	vst v0  }
0xd0: {  	[tilespmem:s28+$0x8A80] =	vst v1  }
0xd1: {  	s3 =	sor.u32 $0x380, s7;
	[tilespmem:s28+$0x8B00] =	vst v55  }
0xd2: {  	v56 =	vsub.f32 v41, v6;
	v59 =	vld [tilespmem:s3+$0x800];
	_ =	sdelay $0x1  }
0xd3: {  	v58 =	vmul.f32 v7, v40;
	v57 =	vmul.f32 v39, v56  }
0xd4: {  	v60 =	vsub.f32 v41, v21  }
0xd5: {  	v0 =	vadd.f32 v57, v58  }
0xd6: {  	v61 =	vmul.f32 v17, v40;
	v1 =	vmul.f32 v59, v60  }
0xd7: {  	[tilespmem:s19+$0x8800] =	vst v0  }
0xd8: {  	v0 =	vld [tilespmem:s6+$0x1800];
	v1 =	vadd.f32 v1, v61  }
0xd9: {  	v63 =	vmul.f32 v51, v46;
	v13 =	vmul.f32 v3, v25;
	v62 =	vld [tilespmem:s6+$0x1880]  }
0xda: {  	v24 =	vsub.f32 v29, v6;
	v40 =	vsub.f32 v30, v6;
	v41 =	vmul.f32 v7, v26;
	v36 =	vld [tilespmem:s6+$0x1900];
	[tilespmem:s3+$0x8800] =	vst v1  }
0xdb: {  	v16 =	vadd.f32 v63, v13;
	v39 =	vmul.f32 v3, v27;
	v38 =	vmul.f32 v50, v53;
	v46 =	vld [tilespmem:s28+$0x1800]  }
0xdc: {  	v37 =	vadd.f32 v52, v45;
	v45 =	vsub.f32 v31, v6;
	v52 =	vmul.f32 v7, v25;
	v53 =	vld [tilespmem:s28+$0x1880]  }
0xdd: {  	v50 =	vadd.f32 v38, v39;
	v55 =	vmul.f32 v7, v27;
	v0 =	vmul.f32 v0, v24;
	v56 =	vld [tilespmem:s28+$0x1900]  }
0xde: {  	[tilespmem:s23+$0x9880] =	vst v16;
	v58 =	vsub.f32 v29, v21;
	v60 =	vsub.f32 v30, v21;
	v51 =	vmul.f32 v62, v40  }
0xdf: {  	[tilespmem:s23+$0x9800] =	vst v37;
	v54 =	vmul.f32 v36, v45;
	v61 =	vmul.f32 v17, v26;
	v0 =	vadd.f32 v0, v41  }
0xe0: {  	s20 =	sor.u32 $0x1180, s9;
	[tilespmem:s23+$0x9900] =	vst v50;
	v62 =	vsub.f32 v31, v21;
	v57 =	vadd.f32 v51, v52;
	v29 =	vmul.f32 v46, v58  }
0xe1: {  	v35 =	vmul.f32 v17, v25;
	v59 =	vld [tilespmem:s20+$0x800];
	v1 =	vadd.f32 v54, v55;
	[tilespmem:s6+$0x9800] =	vst v0;
	v34 =	vmul.f32 v53, v60  }
0xe2: {  	v37 =	vmul.f32 v17, v27;
	[tilespmem:s6+$0x9880] =	vst v57;
	v36 =	vmul.f32 v56, v62;
	v0 =	vadd.f32 v29, v61  }
0xe3: {  	s22 =	sor.u32 $0x1180, s26;
	[tilespmem:s6+$0x9900] =	vst v1;
	v8 =	vadd.f32 v34, v35  }
0xe4: {  	v33 =	vsub.f32 v15, v4;
	v38 =	vld [tilespmem:s22+$0x800];
	v40 =	vadd.f32 v36, v37;
	[tilespmem:s28+$0x9800] =	vst v0  }
0xe5: {  	[tilespmem:s28+$0x9880] =	vst v8  }
0xe6: {  	s8 =	sor.u32 $0x1180, s7;
	v63 =	vmov v15;
	v39 =	vmul.f32 v3, v12;
	v18 =	vmul.f32 v59, v33;
	[tilespmem:s28+$0x9900] =	vst v40  }
0xe7: {  	v50 =	vmul.f32 v47, v43;
	v45 =	vsub.f32 v63, v6;
	v0 =	vld [tilespmem:s8+$0x800]  }
0xe8: {  	v47 =	vmul.f32 v3, v23;
	v52 =	vmul.f32 v48, v44;
	v41 =	vadd.f32 v18, v39  }
0xe9: {  	v51 =	vsub.f32 v28, v5;
	v46 =	vmul.f32 v7, v12;
	v8 =	vmul.f32 v38, v45  }
0xea: {  	v54 =	vmul.f32 v2, v19;
	v59 =	vmul.f32 v2, v23;
	[tilespmem:s20+$0x8800] =	vst v41;
	v56 =	vsub.f32 v63, v21  }
0xeb: {  	v57 =	vadd.f32 v50, v42;
	v42 =	vmul.f32 v3, v19;
	v53 =	vld [tilespmem:s23+$0x1A00];
	v1 =	vadd.f32 v8, v46  }
0xec: {  	v33 =	vmov v9;
	v55 =	vld [tilespmem:s23+$0x1A80];
	v62 =	vmul.f32 v17, v12;
	v0 =	vmul.f32 v0, v56  }
0xed: {  	v58 =	vmul.f32 v49, v51;
	v60 =	vld [tilespmem:s23+$0x1B00];
	v63 =	vadd.f32 v52, v54;
	v52 =	vsub.f32 v28, v6;
	[tilespmem:s22+$0x8800] =	vst v1  }
0xee: {  	v51 =	vmul.f32 v7, v33;
	v61 =	vsub.f32 v10, v4;
	v35 =	vmovc v11;
	v37 =	vld [tilespmem:s6+$0x1A00];
	v0 =	vadd.f32 v0, v62  }
0xef: {  	v34 =	vmul.f32 v3, v9;
	v36 =	vsub.f32 v11, v4;
	v49 =	vsub.f32 v35, v6;
	v39 =	vld [tilespmem:s6+$0x1A80]  }
0xf0: {  	v38 =	vsub.f32 v28, v4;
	v40 =	vadd.f32 v58, v59;
	v20 =	vmul.f32 v53, v61;
	v43 =	vld [tilespmem:s6+$0x1B00];
	[tilespmem:s8+$0x8800] =	vst v0  }
0xf1: {  	[tilespmem:s21+$0x9A00] =	vst v57;
	v58 =	vsub.f32 v10, v21;
	v41 =	vmul.f32 v55, v36;
	v46 =	vsub.f32 v10, v6;
	v50 =	vld [tilespmem:s28+$0x1A00]  }
0xf2: {  	[tilespmem:s21+$0x9A80] =	vst v63;
	v59 =	vmul.f32 v7, v23;
	v45 =	vmul.f32 v60, v38;
	v44 =	vadd.f32 v20, v34;
	v53 =	vld [tilespmem:s28+$0x1A80]  }
0xf3: {  	v55 =	vmul.f32 v7, v19;
	[tilespmem:s21+$0x9B00] =	vst v40;
	v48 =	vadd.f32 v41, v42;
	v22 =	vmul.f32 v37, v46;
	v56 =	vld [tilespmem:s28+$0x1B00]  }
0xf4: {  	v61 =	vmul.f32 v17, v33;
	[tilespmem:s23+$0x9A00] =	vst v44;
	v0 =	vadd.f32 v45, v47;
	v54 =	vmul.f32 v39, v49  }
0xf5: {  	v60 =	vsub.f32 v35, v21;
	[tilespmem:s23+$0x9A80] =	vst v48;
	v57 =	vmul.f32 v43, v52;
	v8 =	vadd.f32 v22, v51  }
0xf6: {  	v62 =	vsub.f32 v28, v21;
	v1 =	vadd.f32 v54, v55;
	[tilespmem:s23+$0x9B00] =	vst v0;
	v9 =	vmul.f32 v50, v58  }
0xf7: {  	v12 =	vmul.f32 v17, v19;
	v63 =	vadd.f32 v57, v59;
	[tilespmem:s6+$0x9A00] =	vst v8;
	v10 =	vmul.f32 v53, v60  }
0xf8: {  	v15 =	vmul.f32 v17, v23;
	[tilespmem:s6+$0x9A80] =	vst v1;
	v13 =	vmul.f32 v56, v62;
	v0 =	vadd.f32 v9, v61  }
0xf9: {  	[tilespmem:s6+$0x9B00] =	vst v63;
	v16 =	vadd.f32 v10, v12  }
0xfa: {  	v19 =	vadd.f32 v13, v15;
	[tilespmem:s28+$0x9A00] =	vst v0  }
0xfb: {  	s23 =	sor.u32 $0x1380, s15;
	[tilespmem:s28+$0x9A80] =	vst v16  }
0xfc: {  	v18 =	vld [tilespmem:s23+$0x800];
	[tilespmem:s28+$0x9B00] =	vst v19  }
0xfd: {  	s25 =	sor.u32 $0x1380, s9;
	v13 =	vld [tilespmem:$0x1FFE0]  }
0xfe: {  	s26 =	sor.u32 $0x1380, s26;
	v20 =	vld [tilespmem:s25+$0x800]  }
0xff: {  	s7 =	sor.u32 $0x1380, s7;
	v22 =	vld [tilespmem:s26+$0x800]  }
0x100: {  	v23 =	vsub.f32 v14, v5;
	v24 =	vld [tilespmem:s7+$0x800]  }
0x101: {  	v25 =	vsub.f32 v14, v4  }
0x102: {  	v27 =	vsub.f32 v14, v6;
	v0 =	vmul.f32 v18, v23;
	v26 =	vmul.f32 v2, v13  }
0x103: {  	v29 =	vsub.f32 v14, v21;
	v1 =	vmul.f32 v20, v25;
	v28 =	vmul.f32 v3, v13  }
0x104: {  	v6 =	vmul.f32 v22, v27;
	v30 =	vmul.f32 v7, v13;
	v0 =	vadd.f32 v0, v26  }
0x105: {  	v31 =	vmul.f32 v17, v13;
	v4 =	vmul.f32 v24, v29;
	v1 =	vadd.f32 v1, v28  }
0x106: {  	v32 =	vadd.f32 v6, v30;
	[tilespmem:s23+$0x8800] =	vst v0  }
0x107: {  	s29 =	sand.u32 $0x3FFFE000, s14;
	v33 =	vadd.f32 v4, v31;
	[tilespmem:s25+$0x8800] =	vst v1  }
0x108: {  	s1 =	sor.u32 s0, s29;
	[tilespmem:s26+$0x8800] =	vst v32  }
0x109: {  	s1 =	sadd.s32 s13, s1;
	[tilespmem:s7+$0x8800] =	vst v33  }
0x10a: {  	v0 =	vld [tilespmem:s1+$0x8800]  }
0x10b: {  	v1 =	vld [tilespmem:s1+$0x8880]  }
0x10c: {  	v34 =	vld [tilespmem:s1+$0x8900]  }
0x10d: {  	v36 =	vlaneseq.u32;
	v35 =	vld [tilespmem:s1+$0x8980]  }
0x10e: {  	vm0 =	veq.s32 v36, $0x0;
	v37 =	vld [tilespmem:s1+$0x8A00]  }
0x10f: {  	vm13 =	veq.s32 v36, $0x1;
	v38 =	vld [tilespmem:s1+$0x8A80];
	v0 =	vsel vm0, $0x0, v0  }
0x110: {  	vm14 =	veq.s32 v36, $0x2;
	v40 =	vld [tilespmem:s1+$0x8B00];
	v39 =	vsel vm13, $0x0, v1;
	[tilespmem:s1+$0x8800] =	vst v0  }
0x111: {  	vm15 =	veq.s32 v36, $0x3;
	v42 =	vld [tilespmem:s1+$0x8B80];
	v41 =	vsel vm14, $0x0, v34;
	[tilespmem:s1+$0x8880] =	vst v39  }
0x112: {  	vm4 =	veq.s32 v36, $0x4;
	v44 =	vld [tilespmem:s1+$0x9800];
	v43 =	vsel vm15, $0x0, v35;
	[tilespmem:s1+$0x8900] =	vst v41  }
0x113: {  	vm5 =	veq.s32 v36, $0x5;
	v46 =	vld [tilespmem:s1+$0x9880];
	v45 =	vsel vm4, $0x0, v37;
	[tilespmem:s1+$0x8980] =	vst v43  }
0x114: {  	vm6 =	veq.s32 v36, $0x6;
	v48 =	vld [tilespmem:s1+$0x9900];
	v47 =	vsel vm5, $0x0, v38;
	[tilespmem:s1+$0x8A00] =	vst v45  }
0x115: {  	vm7 =	veq.s32 v36, $0x7;
	v50 =	vld [tilespmem:s1+$0x9980];
	v49 =	vsel vm6, $0x0, v40;
	[tilespmem:s1+$0x8A80] =	vst v47  }
0x116: {  	vm8 =	veq.s32 v36, $0x8;
	v52 =	vld [tilespmem:s1+$0x9A00];
	v51 =	vsel vm7, $0x0, v42;
	[tilespmem:s1+$0x8B00] =	vst v49  }
0x117: {  	vm9 =	veq.s32 v36, $0x9;
	v54 =	vld [tilespmem:s1+$0x9A80];
	v53 =	vsel vm8, $0x0, v44;
	[tilespmem:s1+$0x8B80] =	vst v51  }
0x118: {  	vm10 =	veq.s32 v36, $0xA;
	v56 =	vld [tilespmem:s1+$0x9B00];
	v55 =	vsel vm9, $0x0, v46;
	[tilespmem:s1+$0x9800] =	vst v53  }
0x119: {  	vm11 =	veq.s32 v36, $0xB;
	v58 =	vld [tilespmem:s1+$0x9B80];
	v57 =	vsel vm10, $0x0, v48;
	[tilespmem:s1+$0x9880] =	vst v55  }
0x11a: {  	vm12 =	veq.s32 v36, $0xC;
	v59 =	vsel vm11, $0x0, v50;
	[tilespmem:s1+$0x9900] =	vst v57  }
.Ltmp3:
0x11b: {  	v60 =	vsel vm12, $0x0, v52;
	vm13 =	veq.s32 v36, $0xD;
	[tilespmem:s1+$0x9980] =	vst v59;
	(pc) =	sbr.rel @p1 .LBB2_3-.Ltmp3, $4  }
0x11c: {  	vm14 =	veq.s32 v36, $0xE;
	[tilespmem:s1+$0x9A00] =	vst v60;
	v61 =	vsel vm13, $0x0, v54  }
0x11d: {  	vm15 =	veq.s32 v36, $0xF;
	v62 =	vsel vm14, $0x0, v56;
	[tilespmem:s1+$0x9A80] =	vst v61  }
0x11e: {  	v63 =	vsel vm15, $0x0, v58;
	[tilespmem:s1+$0x9B00] =	vst v62  }
0x11f: {  	p2 =	por $0x0, $0x0;
	[tilespmem:s1+$0x9B80] =	vst v63;
	s1 =	simm.s32 $0x1  }
0x120: {  	s1 =	sshll.u32 s16, $0x6;
	s3 =	rddreg [dreg:$0x3]  }
0x121: {  	s17 =	sshll.u32 s17, $0xF;
	s1 =	sadd.s32 s3, s1  }
0x122: {  	s29 =	simm.s32 $0x8800;
	p1 =	seq.s32 s30, $0xF;
	s1 =	sadd.s32 s17, s1  }
0x123: {  	[hbm4b:s1+s4] =	stream.linear.scatter [tilespmem:s29], [sflag:$0x3], $0x4000, $0x38;
	[tilespmem:$0x10800] =	vst v63  }
0x124: {  	s1 =	sadd.s32 @!p1 $0x2, s31  }
0x125: {  	s3 =	sshrl.u32 @!p1 s1, $0x4;
	s1 =	sshll.u32 @!p1 s1, $0xB  }
0x126: {  	s6 =	rddreg [dreg:$0x2];
	s3 =	sadd.s32 @!p1 s5, s3;
	s1 =	sand.u32 @!p1 $0x7000, s1  }
0x127: {  	s3 =	sshll.u32 @!p1 s3, $0xF;
	s1 =	sadd.s32 @!p1 s6, s1  }
0x128: {  	s6 =	simm.s32 @!p1 $0x800;
	s1 =	sadd.s32 @!p1 s3, s1;
	s3 =	simm.s32 @!p1 $0x0  }
0x129: {  	[tilespmem:s6], [sflag:$0x1] =	stream.linear.gather @!p1 [hbm4b:s1+s3], $0x4000, $0x38;
	[tilespmem:$0x10800] =	vst v63  }
0x12a: {  	_ =	swait.ge [sflag:s24], $0x4000  }
0x12b: {  	[sflag:s24] =	ssyncset.done $0x0  }
0x12c: {  	s1 =	simm.s32 @!p0 $0x4;
	[sflag:s24] =	ssyncadd.s32 $0xFFFFC000  }
0x12d: {  	s16 =	sor.u32 $0x20, s16;
	_ =	swait.ge @!p0 [sflag:s1], $0x4000  }
0x12e: {  	s12 =	simm.s32 $0x0;
	p2 =	por $0x1, $0x1;
	[sflag:s1] =	ssyncset.done @!p0 $0x0  }
0x12f: {  	s11 =	sand.u32 $0x60, s16;
	[sflag:s1] =	ssyncadd.s32 @!p0 $0xFFFFC000;
	s1 =	simm.s32 $0x0  }
.LBB2_7:
0x130: {  	v0 =	vld [tilespmem:$0x1FFF0];
	_ =	sdelay $0x5  }
0x131: {  	s3 =	sshll.u32 s1, $0x4  }
0x132: {  	s13 =	sor.u32 s11, s3  }
0x133: {  	v12 =	vld.idx.msk [tilespmem:v0+s13+$0x0 ss:$0x1], $0xffff;
	_ =	sdelay $0x1  }
0x134: {  	s19 =	sand.u32 $0x70, s12;
	s6 =	sadd.s32 $0x0, s2  }
0x135: {  	s14 =	sshll.u32 s1, $0xD;
	s20 =	sor.u32 s19, s6  }
0x136: {  	s21 =	sadd.s32 $0x0, s14;
	v5 =	vld [tilespmem:s20+$0x0]  }
0x137: {  	v2 =	vld [tilespmem:s20+$0x400];
	s21 =	sor.u32 s19, s21;
	v13 =	vsub.f32 $1.000000000e+00, v12  }
0x138: {  	v0 =	vld [tilespmem:s21+$0x4800]  }
0x139: {  	v1 =	vld [tilespmem:s21+$0x4880];
	v15 =	vbroadcast v13, $0x0  }
0x13a: {  	v3 =	vld [tilespmem:s21+$0x4900];
	v16 =	vbroadcast v13, $0x1  }
0x13b: {  	v18 =	vbroadcast v12, $0x0;
	v20 =	vbroadcast v13, $0x2;
	v4 =	vsub.f32 v15, v5  }
0x13c: {  	v22 =	vbroadcast v12, $0x1;
	v24 =	vbroadcast v12, $0x2;
	v6 =	vsub.f32 v16, v5  }
0x13d: {  	v7 =	vmul.f32 v2, v18;
	v0 =	vmul.f32 v0, v4;
	v4 =	vsub.f32 v20, v5  }
0x13e: {  	v1 =	vmul.f32 v1, v6;
	v6 =	vmul.f32 v2, v22  }
0x13f: {  	v0 =	vadd.f32 v0, v7;
	v3 =	vmul.f32 v3, v4;
	v4 =	vmul.f32 v2, v24  }
0x140: {  	v1 =	vadd.f32 v1, v6  }
0x141: {  	[tilespmem:s21+$0xC800] =	vst v0;
	v0 =	vadd.f32 v3, v4  }
0x142: {  	s15 =	sadd.s32 $0x0, s14;
	[tilespmem:s21+$0xC880] =	vst v1  }
0x143: {  	s22 =	sor.u32 $0x180, s15;
	[tilespmem:s21+$0xC900] =	vst v0  }
0x144: {  	v0 =	vld [tilespmem:s22+$0x4800]  }
0x145: {  	v32 =	vbroadcast v13, $0x3  }
0x146: {  	s23 =	simm.s32 $0x10  }
0x147: {  	s25 =	sadd.s32 $0x0, s2;
	s3 =	sand.u32 $0x70, s23;
	v33 =	vbroadcast v12, $0x3;
	v1 =	vsub.f32 v32, v5  }
0x148: {  	s7 =	sadd.s32 $0x0, s14;
	s6 =	sor.u32 s3, s25  }
0x149: {  	s23 =	sor.u32 s3, s7;
	v4 =	vld [tilespmem:s6+$0x0];
	v0 =	vmul.f32 v0, v1;
	v1 =	vmul.f32 v2, v33  }
0x14a: {  	v6 =	vld [tilespmem:s23+$0x4800]  }
0x14b: {  	v3 =	vld [tilespmem:s6+$0x400];
	v0 =	vadd.f32 v0, v1  }
0x14c: {  	v36 =	vbroadcast v12, $0x4;
	v34 =	vbroadcast v12, $0x5;
	v1 =	vld [tilespmem:s23+$0x4880]  }
0x14d: {  	v35 =	vbroadcast v12, $0x6;
	v37 =	vbroadcast v13, $0x4;
	v7 =	vld [tilespmem:s23+$0x4900];
	[tilespmem:s22+$0xC800] =	vst v0  }
0x14e: {  	v38 =	vbroadcast v13, $0x5;
	v39 =	vbroadcast v13, $0x6;
	v0 =	vsub.f32 v15, v4;
	v8 =	vld [tilespmem:s21+$0x4A00]  }
0x14f: {  	v10 =	vmul.f32 v2, v36;
	v9 =	vsub.f32 v37, v5;
	v11 =	vsub.f32 v16, v4;
	v14 =	vld [tilespmem:s21+$0x4A80]  }
0x150: {  	v17 =	vmul.f32 v3, v18;
	v19 =	vld [tilespmem:s21+$0x4B00];
	v0 =	vmul.f32 v6, v0;
	v6 =	vsub.f32 v20, v4  }
0x151: {  	v21 =	vsub.f32 v38, v5;
	v1 =	vmul.f32 v1, v11;
	v11 =	vmul.f32 v3, v22  }
0x152: {  	v0 =	vadd.f32 v0, v17;
	v6 =	vmul.f32 v7, v6;
	v7 =	vmul.f32 v3, v24  }
0x153: {  	v1 =	vadd.f32 v1, v11;
	v8 =	vmul.f32 v8, v9;
	v9 =	vsub.f32 v39, v5  }
0x154: {  	s26 =	sadd.s32 $0x10, s14;
	[tilespmem:s23+$0xC800] =	vst v0;
	v0 =	vadd.f32 v6, v7;
	v6 =	vmul.f32 v14, v21;
	v7 =	vmul.f32 v2, v34  }
0x155: {  	s9 =	sadd.s32 $0x0, s26;
	[tilespmem:s23+$0xC880] =	vst v1;
	v1 =	vadd.f32 v8, v10;
	v8 =	vmul.f32 v19, v9;
	v9 =	vmul.f32 v2, v35  }
0x156: {  	s29 =	sor.u32 $0x180, s9;
	[tilespmem:s23+$0xC900] =	vst v0;
	v0 =	vadd.f32 v6, v7  }
0x157: {  	v7 =	vld [tilespmem:s29+$0x4800];
	[tilespmem:s21+$0xCA00] =	vst v1;
	v1 =	vadd.f32 v8, v9  }
0x158: {  	[tilespmem:s21+$0xCA80] =	vst v0  }
0x159: {  	s18 =	simm.s32 $0x20;
	s8 =	sor.u32 $0x380, s15;
	v40 =	vbroadcast v12, $0x7;
	v26 =	vbroadcast v12, $0x8;
	[tilespmem:s21+$0xCB00] =	vst v1  }
0x15a: {  	s3 =	sand.u32 $0x70, s18;
	s19 =	sadd.s32 $0x0, s2;
	v25 =	vbroadcast v12, $0x9;
	v27 =	vbroadcast v12, $0xA;
	v0 =	vsub.f32 v32, v4;
	v1 =	vld [tilespmem:s8+$0x4800]  }
0x15b: {  	v41 =	vbroadcast v13, $0x7;
	v29 =	vbroadcast v13, $0x8;
	s6 =	sor.u32 s3, s19  }
0x15c: {  	s10 =	sadd.s32 $0x0, s14;
	v6 =	vld [tilespmem:s6+$0x0];
	v10 =	vmul.f32 v3, v33;
	v0 =	vmul.f32 v7, v0  }
0x15d: {  	v30 =	vbroadcast v13, $0x9;
	v31 =	vbroadcast v13, $0xA;
	v17 =	vsub.f32 v41, v5;
	v7 =	vld [tilespmem:s6+$0x400];
	s6 =	sor.u32 s3, s10  }
0x15e: {  	v59 =	vmul.f32 v2, v25;
	v61 =	vmul.f32 v2, v27;
	v19 =	vld [tilespmem:s6+$0x4800];
	v0 =	vadd.f32 v0, v10  }
0x15f: {  	v23 =	vsub.f32 v29, v5;
	v21 =	vld [tilespmem:s6+$0x4880];
	v1 =	vmul.f32 v1, v17;
	v17 =	vmul.f32 v2, v40  }
0x160: {  	v28 =	vsub.f32 v30, v5;
	v45 =	vmul.f32 v3, v36;
	v55 =	vsub.f32 v39, v4;
	v42 =	vld [tilespmem:s6+$0x4900];
	[tilespmem:s29+$0xC800] =	vst v0  }
0x161: {  	v57 =	vmul.f32 v3, v34;
	v43 =	vsub.f32 v15, v6;
	v44 =	vld [tilespmem:s23+$0x4A00];
	v1 =	vadd.f32 v1, v17  }
0x162: {  	v58 =	vmul.f32 v3, v35;
	v46 =	vsub.f32 v16, v6;
	v47 =	vld [tilespmem:s23+$0x4A80];
	v48 =	vmul.f32 v7, v18  }
0x163: {  	v63 =	vsub.f32 v20, v6;
	v49 =	vld [tilespmem:s23+$0x4B00];
	v52 =	vmul.f32 v7, v22;
	v19 =	vmul.f32 v19, v43;
	[tilespmem:s8+$0xC800] =	vst v1  }
0x164: {  	v53 =	vmul.f32 v7, v24;
	v17 =	vsub.f32 v37, v4;
	v21 =	vmul.f32 v21, v46;
	v50 =	vld [tilespmem:s21+$0x5800]  }
0x165: {  	v42 =	vmul.f32 v42, v63;
	v1 =	vsub.f32 v38, v4;
	v19 =	vadd.f32 v19, v48;
	v54 =	vld [tilespmem:s21+$0x5880]  }
0x166: {  	v11 =	vbroadcast v12, $0xB;
	v21 =	vadd.f32 v21, v52;
	v56 =	vld [tilespmem:s21+$0x5900];
	v17 =	vmul.f32 v44, v17  }
0x167: {  	s7 =	sadd.s32 $0x10, s26;
	v14 =	vbroadcast v13, $0xB;
	[tilespmem:s6+$0xC800] =	vst v19;
	v19 =	vadd.f32 v42, v53;
	v1 =	vmul.f32 v47, v1  }
0x168: {  	s26 =	sadd.s32 $0x0, s7;
	v0 =	vmul.f32 v2, v26;
	[tilespmem:s6+$0xC880] =	vst v21;
	v21 =	vmul.f32 v49, v55;
	v17 =	vadd.f32 v17, v45  }
0x169: {  	s20 =	sor.u32 $0x180, s26;
	s8 =	simm.s32 $0x30;
	[tilespmem:s6+$0xC900] =	vst v19;
	v1 =	vadd.f32 v1, v57;
	v19 =	vmul.f32 v50, v23;
	v23 =	vsub.f32 v31, v5  }
0x16a: {  	s25 =	sadd.s32 $0x0, s2;
	v8 =	vbroadcast v12, $0xC;
	s22 =	sand.u32 $0x70, s8;
	v60 =	vld [tilespmem:s20+$0x4800];
	[tilespmem:s23+$0xCA00] =	vst v17;
	v17 =	vadd.f32 v21, v58;
	v21 =	vmul.f32 v54, v28  }
0x16b: {  	v9 =	vbroadcast v13, $0xC;
	s10 =	sor.u32 s22, s25;
	[tilespmem:s23+$0xCA80] =	vst v1;
	v0 =	vadd.f32 v19, v0;
	v1 =	vmul.f32 v56, v23  }
0x16c: {  	s18 =	sor.u32 $0x380, s9;
	v10 =	vbroadcast v13, $0xD;
	v42 =	vmul.f32 v2, v8;
	[tilespmem:s23+$0xCB00] =	vst v17;
	v17 =	vadd.f32 v21, v59;
	v21 =	vld [tilespmem:s10+$0x0]  }
0x16d: {  	s19 =	sadd.s32 $0x0, s14;
	v49 =	vmul.f32 v2, v11;
	v62 =	vld [tilespmem:s18+$0x4800];
	[tilespmem:s21+$0xD800] =	vst v0;
	v0 =	vadd.f32 v1, v61;
	v1 =	vsub.f32 v32, v6  }
0x16e: {  	v43 =	vsub.f32 v9, v5;
	s28 =	sor.u32 s22, s19;
	v53 =	vmul.f32 v3, v40;
	v55 =	vmul.f32 v7, v36;
	[tilespmem:s21+$0xD880] =	vst v17;
	v17 =	vld [tilespmem:s10+$0x400]  }
0x16f: {  	s29 =	sor.u32 $0x1180, s15;
	v46 =	vsub.f32 v30, v4;
	v61 =	vld [tilespmem:s28+$0x4800];
	[tilespmem:s21+$0xD900] =	vst v0;
	v0 =	vmul.f32 v60, v1;
	v1 =	vmul.f32 v7, v33  }
0x170: {  	v45 =	vmul.f32 v3, v26;
	v28 =	vbroadcast v13, $0xE;
	v59 =	vsub.f32 v41, v4;
	v63 =	vld [tilespmem:s29+$0x4800]  }
0x171: {  	v51 =	vld [tilespmem:s28+$0x4880];
	v13 =	vbroadcast v13, $0xF;
	v19 =	vbroadcast v12, $0xD;
	v0 =	vadd.f32 v0, v1  }
0x172: {  	v44 =	vsub.f32 v10, v5;
	v23 =	vbroadcast v12, $0xE;
	v52 =	vmul.f32 v62, v59  }
0x173: {  	v54 =	vld [tilespmem:s28+$0x4900];
	v12 =	vbroadcast v12, $0xF;
	v60 =	vsub.f32 v14, v5;
	v56 =	vsub.f32 v15, v21;
	[tilespmem:s20+$0xC800] =	vst v0  }
0x174: {  	v48 =	vsub.f32 v16, v21;
	v59 =	vmul.f32 v17, v18;
	v52 =	vadd.f32 v52, v53;
	v57 =	vld [tilespmem:s6+$0x4A00]  }
0x175: {  	v1 =	vsub.f32 v29, v4;
	v50 =	vmul.f32 v61, v56;
	v58 =	vld [tilespmem:s6+$0x4A80];
	v47 =	vmul.f32 v63, v60  }
0x176: {  	v56 =	vsub.f32 v20, v21;
	v48 =	vmul.f32 v51, v48;
	v0 =	vsub.f32 v37, v6;
	v60 =	vld [tilespmem:s6+$0x4B00];
	[tilespmem:s18+$0xC800] =	vst v52  }
0x177: {  	v62 =	vmul.f32 v17, v22;
	v53 =	vsub.f32 v38, v6;
	v52 =	vld [tilespmem:s23+$0x5800];
	v47 =	vadd.f32 v47, v49  }
0x178: {  	v59 =	vadd.f32 v50, v59;
	v54 =	vmul.f32 v54, v56;
	v63 =	vmul.f32 v17, v24;
	v51 =	vld [tilespmem:s23+$0x5880]  }
0x179: {  	v61 =	vsub.f32 v39, v6;
	v48 =	vadd.f32 v48, v62;
	v50 =	vld [tilespmem:s23+$0x5900];
	[tilespmem:s29+$0xC800] =	vst v47;
	v0 =	vmul.f32 v57, v0  }
0x17a: {  	[tilespmem:s28+$0xC800] =	vst v59;
	v62 =	vadd.f32 v54, v63;
	v63 =	vmul.f32 v7, v34;
	v53 =	vmul.f32 v58, v53;
	v47 =	vld [tilespmem:s21+$0x5A00]  }
0x17b: {  	v56 =	vmul.f32 v7, v35;
	[tilespmem:s28+$0xC880] =	vst v48;
	v48 =	vld [tilespmem:s21+$0x5A80];
	v54 =	vadd.f32 v0, v55;
	v55 =	vmul.f32 v60, v61  }
0x17c: {  	p0 =	por p2, p2;
	s19 =	simm.s32 $0x0;
	s10 =	simm.s32 $0x4;
	[tilespmem:s28+$0xC900] =	vst v62;
	v49 =	vld [tilespmem:s21+$0x5B00];
	v57 =	vadd.f32 v53, v63;
	v52 =	vmul.f32 v52, v1;
	v53 =	vsub.f32 v31, v4  }
.LBB2_8:
0x17d: {  	p2 =	sne.s32 s10, $0x1F;
	[tilespmem:s6+$0xCA00] =	vst v54;
	v0 =	vadd.f32 v55, v56;
	s7 =	sadd.s32 $0x10, s7;
	v1 =	vmul.f32 v51, v46;
	v46 =	vmul.f32 v3, v25  }
0x17e: {  	s3 =	sshrl.u32 s10, $0x3;
	v51 =	vmul.f32 v3, v27;
	s1 =	sadd.s32 s19, s7;
	[tilespmem:s6+$0xCA80] =	vst v57;
	v45 =	vadd.f32 v52, v45;
	v50 =	vmul.f32 v50, v53  }
0x17f: {  	s8 =	sadd.s32 $0x10, s8;
	s18 =	sshll.u32 s3, $0x8;
	s29 =	sor.u32 $0x180, s1;
	[tilespmem:s6+$0xCB00] =	vst v0;
	v0 =	vadd.f32 v1, v46;
	v1 =	vmul.f32 v47, v43;
	v43 =	vsub.f32 v28, v5  }
0x180: {  	s20 =	sand.u32 $0x70, s8;
	s18 =	sadd.s32 s2, s18;
	v46 =	vld [tilespmem:s29+$0x4800];
	[tilespmem:s23+$0xD800] =	vst v45;
	v45 =	vadd.f32 v50, v51;
	v44 =	vmul.f32 v48, v44;
	v50 =	vmul.f32 v2, v19  }
0x181: {  	s22 =	sor.u32 s20, s18;
	[tilespmem:s23+$0xD880] =	vst v0;
	v0 =	vadd.f32 v1, v42;
	v1 =	vmul.f32 v49, v43;
	v42 =	vmul.f32 v2, v23  }
0x182: {  	v47 =	vmov v6;
	v6 =	vmov v21;
	s18 =	sor.u32 $0x380, s26;
	v48 =	vld [tilespmem:s22+$0x400];
	[tilespmem:s23+$0xD900] =	vst v45;
	v44 =	vadd.f32 v44, v50  }
0x183: {  	v45 =	vsub.f32 v32, v6;
	v49 =	vld [tilespmem:s18+$0x4800];
	[tilespmem:s21+$0xDA00] =	vst v0;
	v0 =	vadd.f32 v1, v42;
	v1 =	vmul.f32 v2, v12  }
0x184: {  	s19 =	sshll.u32 s3, $0xA;
	v5 =	vsub.f32 v13, v5;
	v43 =	vsub.f32 v9, v4;
	v42 =	vmul.f32 v3, v8;
	v21 =	vld [tilespmem:s22+$0x0];
	s22 =	sor.u32 $0x1180, s9;
	[tilespmem:s21+$0xDA80] =	vst v44  }
0x185: {  	s25 =	sor.u32 $0x1380, s15;
	s15 =	smov.u32 s9;
	s3 =	sadd.s32 s14, s19;
	v44 =	vsub.f32 v10, v4;
	v45 =	vmul.f32 v46, v45;
	v46 =	vmul.f32 v17, v33;
	v50 =	vld [tilespmem:s22+$0x4800];
	[tilespmem:s21+$0xDB00] =	vst v0  }
0x186: {  	v52 =	vmul.f32 v3, v11;
	s3 =	sor.u32 s20, s3;
	v51 =	vsub.f32 v14, v4;
	v2 =	vmovc v3;
	s9 =	smov.u32 s26;
	s26 =	smov.u32 s1;
	v0 =	vsub.f32 v41, v47;
	v53 =	vld [tilespmem:s25+$0x4800]  }
0x187: {  	v58 =	vsub.f32 v29, v47;
	v3 =	vmovc v7;
	s21 =	smov.u32 s23;
	s23 =	smov.u32 s6;
	s6 =	smov.u32 s28;
	v54 =	vld [tilespmem:s3+$0x4800];
	v55 =	vadd.f32 v45, v46;
	v45 =	vmul.f32 v7, v26  }
0x188: {  	s28 =	smov.u32 s3;
	v46 =	vsub.f32 v30, v47;
	v7 =	vmovc v17;
	v56 =	vld [tilespmem:s3+$0x4880];
	v0 =	vmul.f32 v49, v0;
	v49 =	vmul.f32 v3, v40  }
0x189: {  	v60 =	vsub.f32 v38, v6;
	v59 =	vmul.f32 v7, v36;
	v57 =	vld [tilespmem:s28+$0x4900];
	[tilespmem:s29+$0xC800] =	vst v55;
	v55 =	vsub.f32 v37, v6  }
0x18a: {  	v17 =	vmovc v48;
	v61 =	vsub.f32 v15, v21;
	v62 =	vld [tilespmem:s6+$0x4A00];
	v0 =	vadd.f32 v0, v49;
	v49 =	vmul.f32 v50, v51  }
0x18b: {  	v48 =	vmul.f32 v17, v18;
	v50 =	vsub.f32 v16, v21;
	v63 =	vld [tilespmem:s6+$0x4A80];
	v51 =	vmul.f32 v53, v5;
	v5 =	vmovc v4  }
0x18c: {  	v53 =	vmul.f32 v54, v61;
	v54 =	vsub.f32 v20, v21;
	v61 =	vld [tilespmem:s6+$0x4B00];
	[tilespmem:s18+$0xC800] =	vst v0;
	v0 =	vadd.f32 v49, v52  }
0x18d: {  	v4 =	vmovc v47;
	v49 =	vmul.f32 v56, v50;
	v50 =	vmul.f32 v17, v22;
	v52 =	vld [tilespmem:s23+$0x5800];
	v1 =	vadd.f32 v51, v1  }
.Ltmp4:
0x18e: {  	v47 =	vadd.f32 v53, v48;
	v48 =	vmul.f32 v57, v54;
	v53 =	vmul.f32 v17, v24;
	v51 =	vld [tilespmem:s23+$0x5880];
	[tilespmem:s22+$0xC800] =	vst v0;
	(pc) =	sbr.rel @p2 .LBB2_8-.Ltmp4, $4  }
0x18f: {  	v0 =	vadd.f32 v49, v50;
	v49 =	vmul.f32 v62, v55;
	v55 =	vsub.f32 v39, v6;
	v50 =	vld [tilespmem:s23+$0x5900];
	[tilespmem:s25+$0xC800] =	vst v1  }
0x190: {  	v57 =	vmul.f32 v7, v34;
	[tilespmem:s28+$0xC800] =	vst v47;
	v1 =	vadd.f32 v48, v53;
	v53 =	vmul.f32 v63, v60;
	v47 =	vld [tilespmem:s21+$0x5A00]  }
0x191: {  	v56 =	vmul.f32 v7, v35;
	[tilespmem:s28+$0xC880] =	vst v0;
	v54 =	vadd.f32 v49, v59;
	v55 =	vmul.f32 v61, v55;
	v48 =	vld [tilespmem:s21+$0x5A80]  }
0x192: {  	s10 =	sadd.s32 $0x1, s10;
	[tilespmem:s28+$0xC900] =	vst v1;
	v57 =	vadd.f32 v53, v57;
	v52 =	vmul.f32 v52, v58;
	v53 =	vsub.f32 v31, v4;
	v49 =	vld [tilespmem:s21+$0x5B00]  }
0x193: {  	s1 =	sadd.s32 $0x10, s7  }
0x194: {  	s7 =	sadd.s32 s19, s1  }
0x195: {  	s1 =	sor.u32 $0x180, s7  }
0x196: {  	v0 =	vld [tilespmem:s1+$0x4800];
	_ =	sdelay $0x2  }
0x197: {  	v1 =	vsub.f32 v32, v21;
	_ =	sdelay $0x1  }
0x198: {  	v58 =	vmul.f32 v17, v33;
	v0 =	vmul.f32 v0, v1;
	_ =	sdelay $0x1  }
0x199: {  	v0 =	vadd.f32 v0, v58;
	_ =	sdelay $0x1  }
0x19a: {  	[tilespmem:s1+$0xC800] =	vst v0  }
0x19b: {  	v0 =	vld [tilespmem:s28+$0x4A00]  }
0x19c: {  	v59 =	vld [tilespmem:s28+$0x4A80]  }
0x19d: {  	v15 =	vld [tilespmem:s28+$0x4B00]  }
0x19e: {  	v16 =	vsub.f32 v37, v21  }
0x19f: {  	v20 =	vsub.f32 v38, v21  }
0x1a0: {  	v22 =	vmul.f32 v17, v36;
	v60 =	vsub.f32 v39, v21;
	v0 =	vmul.f32 v0, v16  }
0x1a1: {  	[tilespmem:s6+$0xCA00] =	vst v54;
	v18 =	vadd.f32 v55, v56;
	v61 =	vmul.f32 v17, v34;
	v1 =	vmul.f32 v59, v20  }
0x1a2: {  	v63 =	vmul.f32 v17, v35;
	[tilespmem:s6+$0xCA80] =	vst v57;
	v15 =	vmul.f32 v15, v60;
	v0 =	vadd.f32 v0, v22  }
0x1a3: {  	s19 =	sor.u32 $0x380, s26;
	[tilespmem:s6+$0xCB00] =	vst v18;
	v1 =	vadd.f32 v1, v61  }
0x1a4: {  	v62 =	vld [tilespmem:s19+$0x4800];
	v22 =	vadd.f32 v15, v63;
	[tilespmem:s28+$0xCA00] =	vst v0  }
0x1a5: {  	[tilespmem:s28+$0xCA80] =	vst v1  }
0x1a6: {  	s3 =	sor.u32 $0x380, s7;
	[tilespmem:s28+$0xCB00] =	vst v22  }
0x1a7: {  	v24 =	vsub.f32 v41, v6;
	v34 =	vld [tilespmem:s3+$0x4800];
	_ =	sdelay $0x1  }
0x1a8: {  	v33 =	vmul.f32 v7, v40;
	v32 =	vmul.f32 v62, v24  }
0x1a9: {  	v35 =	vsub.f32 v41, v21  }
0x1aa: {  	v0 =	vadd.f32 v32, v33  }
0x1ab: {  	v36 =	vmul.f32 v17, v40;
	v1 =	vmul.f32 v34, v35  }
0x1ac: {  	[tilespmem:s19+$0xC800] =	vst v0  }
0x1ad: {  	v0 =	vld [tilespmem:s6+$0x5800];
	v1 =	vadd.f32 v1, v36  }
0x1ae: {  	v38 =	vmul.f32 v51, v46;
	v39 =	vmul.f32 v3, v25;
	v37 =	vld [tilespmem:s6+$0x5880]  }
0x1af: {  	v46 =	vmul.f32 v3, v27;
	v51 =	vmul.f32 v7, v26;
	v41 =	vadd.f32 v52, v45;
	v40 =	vld [tilespmem:s6+$0x5900];
	[tilespmem:s3+$0xC800] =	vst v1  }
0x1b0: {  	v45 =	vsub.f32 v29, v6;
	v52 =	vsub.f32 v31, v6;
	v24 =	vmul.f32 v50, v53;
	v53 =	vld [tilespmem:s28+$0x5800]  }
0x1b1: {  	v55 =	vmul.f32 v7, v25;
	v18 =	vadd.f32 v38, v39;
	v50 =	vsub.f32 v30, v6;
	v56 =	vld [tilespmem:s28+$0x5880]  }
0x1b2: {  	v54 =	vadd.f32 v24, v46;
	v58 =	vmul.f32 v7, v27;
	v0 =	vmul.f32 v0, v45;
	v59 =	vld [tilespmem:s28+$0x5900]  }
0x1b3: {  	[tilespmem:s23+$0xD800] =	vst v41;
	v61 =	vsub.f32 v29, v21;
	v63 =	vsub.f32 v30, v21;
	v16 =	vmul.f32 v37, v50  }
0x1b4: {  	[tilespmem:s23+$0xD880] =	vst v18;
	v32 =	vmul.f32 v17, v26;
	v57 =	vmul.f32 v40, v52;
	v0 =	vadd.f32 v0, v51  }
0x1b5: {  	s20 =	sor.u32 $0x1180, s9;
	[tilespmem:s23+$0xD900] =	vst v54;
	v33 =	vsub.f32 v31, v21;
	v60 =	vadd.f32 v16, v55;
	v16 =	vmul.f32 v53, v61  }
0x1b6: {  	v62 =	vld [tilespmem:s20+$0x4800];
	v36 =	vmul.f32 v17, v25;
	v1 =	vadd.f32 v57, v58;
	[tilespmem:s6+$0xD800] =	vst v0;
	v35 =	vmul.f32 v56, v63  }
0x1b7: {  	v38 =	vmul.f32 v17, v27;
	[tilespmem:s6+$0xD880] =	vst v60;
	v37 =	vmul.f32 v59, v33;
	v0 =	vadd.f32 v16, v32  }
0x1b8: {  	s22 =	sor.u32 $0x1180, s26;
	[tilespmem:s6+$0xD900] =	vst v1;
	v15 =	vadd.f32 v35, v36  }
0x1b9: {  	v34 =	vsub.f32 v14, v4;
	v39 =	vld [tilespmem:s22+$0x4800];
	v41 =	vadd.f32 v37, v38;
	[tilespmem:s28+$0xD800] =	vst v0  }
0x1ba: {  	[tilespmem:s28+$0xD880] =	vst v15  }
0x1bb: {  	s8 =	sor.u32 $0x1180, s7;
	v40 =	vmul.f32 v3, v11;
	v20 =	vmul.f32 v62, v34;
	[tilespmem:s28+$0xD900] =	vst v41  }
0x1bc: {  	v46 =	vsub.f32 v14, v6;
	v0 =	vld [tilespmem:s8+$0x4800]  }
0x1bd: {  	v50 =	vmul.f32 v7, v11;
	v45 =	vadd.f32 v20, v40;
	v51 =	vmul.f32 v47, v43  }
0x1be: {  	v52 =	vsub.f32 v28, v5;
	v62 =	vsub.f32 v9, v4;
	v15 =	vmul.f32 v39, v46  }
0x1bf: {  	v55 =	vmul.f32 v2, v19;
	v57 =	vsub.f32 v14, v21;
	[tilespmem:s20+$0xC800] =	vst v45;
	v58 =	vadd.f32 v51, v42  }
0x1c0: {  	v40 =	vmul.f32 v3, v19;
	v60 =	vmul.f32 v2, v23;
	v54 =	vld [tilespmem:s23+$0x5A00];
	v1 =	vadd.f32 v15, v50  }
0x1c1: {  	v34 =	vsub.f32 v10, v4;
	[tilespmem:s21+$0xDA00] =	vst v58;
	v56 =	vld [tilespmem:s23+$0x5A80];
	v63 =	vmul.f32 v17, v11;
	v0 =	vmul.f32 v0, v57  }
0x1c2: {  	v43 =	vsub.f32 v9, v6;
	v58 =	vmul.f32 v17, v8;
	v53 =	vmul.f32 v48, v44;
	v61 =	vld [tilespmem:s23+$0x5B00];
	[tilespmem:s22+$0xC800] =	vst v1  }
0x1c3: {  	v59 =	vmul.f32 v49, v52;
	v33 =	vmul.f32 v3, v8;
	v35 =	vld [tilespmem:s6+$0x5A00];
	v0 =	vadd.f32 v0, v63  }
0x1c4: {  	v44 =	vmul.f32 v3, v23;
	v48 =	vmul.f32 v7, v8;
	v49 =	vsub.f32 v28, v6;
	v37 =	vld [tilespmem:s6+$0x5A80]  }
0x1c5: {  	v32 =	vadd.f32 v53, v55;
	v22 =	vmul.f32 v54, v62;
	v36 =	vsub.f32 v28, v4;
	v41 =	vld [tilespmem:s6+$0x5B00];
	[tilespmem:s8+$0xC800] =	vst v0  }
0x1c6: {  	v52 =	vmul.f32 v7, v19;
	v38 =	vadd.f32 v59, v60;
	v39 =	vmul.f32 v56, v34;
	v47 =	vld [tilespmem:s28+$0x5A00]  }
0x1c7: {  	v14 =	vadd.f32 v22, v33;
	v46 =	vsub.f32 v10, v6;
	[tilespmem:s21+$0xDA80] =	vst v32;
	v42 =	vmul.f32 v61, v36;
	v50 =	vld [tilespmem:s28+$0x5A80]  }
0x1c8: {  	v55 =	vsub.f32 v9, v21;
	[tilespmem:s21+$0xDB00] =	vst v38;
	v45 =	vadd.f32 v39, v40;
	v24 =	vmul.f32 v35, v43;
	v53 =	vld [tilespmem:s28+$0x5B00]  }
0x1c9: {  	v56 =	vmul.f32 v7, v23;
	[tilespmem:s23+$0xDA00] =	vst v14;
	v0 =	vadd.f32 v42, v44;
	v51 =	vmul.f32 v37, v46  }
0x1ca: {  	[tilespmem:s23+$0xDA80] =	vst v45;
	v57 =	vsub.f32 v10, v21;
	v54 =	vmul.f32 v41, v49;
	v11 =	vadd.f32 v24, v48  }
0x1cb: {  	v60 =	vsub.f32 v28, v21;
	v1 =	vadd.f32 v51, v52;
	[tilespmem:s23+$0xDB00] =	vst v0;
	v59 =	vmul.f32 v47, v55  }
0x1cc: {  	v62 =	vmul.f32 v17, v19;
	v61 =	vadd.f32 v54, v56;
	[tilespmem:s6+$0xDA00] =	vst v11;
	v10 =	vmul.f32 v50, v57  }
0x1cd: {  	v15 =	vmul.f32 v17, v23;
	[tilespmem:s6+$0xDA80] =	vst v1;
	v63 =	vmul.f32 v53, v60;
	v0 =	vadd.f32 v59, v58  }
0x1ce: {  	s25 =	sor.u32 $0x1380, s9;
	[tilespmem:s6+$0xDB00] =	vst v61;
	v16 =	vadd.f32 v10, v62  }
0x1cf: {  	s23 =	sor.u32 $0x1380, s15;
	v20 =	vld [tilespmem:s25+$0x4800];
	v19 =	vadd.f32 v63, v15;
	[tilespmem:s28+$0xDA00] =	vst v0  }
0x1d0: {  	s26 =	sor.u32 $0x1380, s26;
	v18 =	vld [tilespmem:s23+$0x4800];
	[tilespmem:s28+$0xDA80] =	vst v16  }
0x1d1: {  	s7 =	sor.u32 $0x1380, s7;
	v22 =	vld [tilespmem:s26+$0x4800];
	[tilespmem:s28+$0xDB00] =	vst v19  }
0x1d2: {  	v25 =	vsub.f32 v13, v4;
	v24 =	vld [tilespmem:s7+$0x4800]  }
0x1d3: {  	v23 =	vsub.f32 v13, v5  }
0x1d4: {  	v27 =	vsub.f32 v13, v6;
	v28 =	vmul.f32 v3, v12;
	v1 =	vmul.f32 v20, v25  }
0x1d5: {  	v29 =	vsub.f32 v13, v21;
	v26 =	vmul.f32 v2, v12;
	v0 =	vmul.f32 v18, v23  }
0x1d6: {  	v30 =	vmul.f32 v7, v12;
	v6 =	vmul.f32 v22, v27;
	v1 =	vadd.f32 v1, v28  }
0x1d7: {  	v31 =	vmul.f32 v17, v12;
	v0 =	vadd.f32 v0, v26;
	v4 =	vmul.f32 v24, v29  }
0x1d8: {  	v32 =	vadd.f32 v6, v30;
	[tilespmem:s25+$0xC800] =	vst v1  }
0x1d9: {  	s29 =	sand.u32 $0x3FFFE000, s14;
	[tilespmem:s23+$0xC800] =	vst v0;
	v33 =	vadd.f32 v4, v31  }
0x1da: {  	s1 =	sor.u32 s0, s29;
	[tilespmem:s26+$0xC800] =	vst v32  }
0x1db: {  	s1 =	sadd.s32 s13, s1;
	[tilespmem:s7+$0xC800] =	vst v33  }
0x1dc: {  	v0 =	vld [tilespmem:s1+$0xC800]  }
0x1dd: {  	v1 =	vld [tilespmem:s1+$0xC880]  }
0x1de: {  	v34 =	vld [tilespmem:s1+$0xC900]  }
0x1df: {  	v36 =	vlaneseq.u32;
	v35 =	vld [tilespmem:s1+$0xC980]  }
0x1e0: {  	vm0 =	veq.s32 v36, $0x0;
	v37 =	vld [tilespmem:s1+$0xCA00]  }
0x1e1: {  	vm13 =	veq.s32 v36, $0x1;
	v38 =	vld [tilespmem:s1+$0xCA80];
	v0 =	vsel vm0, $0x0, v0  }
0x1e2: {  	vm14 =	veq.s32 v36, $0x2;
	v40 =	vld [tilespmem:s1+$0xCB00];
	v39 =	vsel vm13, $0x0, v1;
	[tilespmem:s1+$0xC800] =	vst v0  }
0x1e3: {  	vm15 =	veq.s32 v36, $0x3;
	v42 =	vld [tilespmem:s1+$0xCB80];
	v41 =	vsel vm14, $0x0, v34;
	[tilespmem:s1+$0xC880] =	vst v39  }
0x1e4: {  	vm4 =	veq.s32 v36, $0x4;
	v44 =	vld [tilespmem:s1+$0xD800];
	v43 =	vsel vm15, $0x0, v35;
	[tilespmem:s1+$0xC900] =	vst v41  }
0x1e5: {  	vm5 =	veq.s32 v36, $0x5;
	v46 =	vld [tilespmem:s1+$0xD880];
	v45 =	vsel vm4, $0x0, v37;
	[tilespmem:s1+$0xC980] =	vst v43  }
0x1e6: {  	vm6 =	veq.s32 v36, $0x6;
	v48 =	vld [tilespmem:s1+$0xD900];
	v47 =	vsel vm5, $0x0, v38;
	[tilespmem:s1+$0xCA00] =	vst v45  }
0x1e7: {  	vm7 =	veq.s32 v36, $0x7;
	v50 =	vld [tilespmem:s1+$0xD980];
	v49 =	vsel vm6, $0x0, v40;
	[tilespmem:s1+$0xCA80] =	vst v47  }
0x1e8: {  	vm8 =	veq.s32 v36, $0x8;
	v52 =	vld [tilespmem:s1+$0xDA00];
	v51 =	vsel vm7, $0x0, v42;
	[tilespmem:s1+$0xCB00] =	vst v49  }
0x1e9: {  	vm9 =	veq.s32 v36, $0x9;
	v54 =	vld [tilespmem:s1+$0xDA80];
	v53 =	vsel vm8, $0x0, v44;
	[tilespmem:s1+$0xCB80] =	vst v51  }
0x1ea: {  	vm10 =	veq.s32 v36, $0xA;
	v56 =	vld [tilespmem:s1+$0xDB00];
	v55 =	vsel vm9, $0x0, v46;
	[tilespmem:s1+$0xD800] =	vst v53  }
0x1eb: {  	vm11 =	veq.s32 v36, $0xB;
	v58 =	vld [tilespmem:s1+$0xDB80];
	v57 =	vsel vm10, $0x0, v48;
	[tilespmem:s1+$0xD880] =	vst v55  }
0x1ec: {  	vm12 =	veq.s32 v36, $0xC;
	v59 =	vsel vm11, $0x0, v50;
	[tilespmem:s1+$0xD900] =	vst v57  }
.Ltmp5:
0x1ed: {  	v60 =	vsel vm12, $0x0, v52;
	vm13 =	veq.s32 v36, $0xD;
	[tilespmem:s1+$0xD980] =	vst v59;
	(pc) =	sbr.rel @p0 .LBB2_7-.Ltmp5, $4  }
0x1ee: {  	vm14 =	veq.s32 v36, $0xE;
	[tilespmem:s1+$0xDA00] =	vst v60;
	v61 =	vsel vm13, $0x0, v54  }
0x1ef: {  	vm15 =	veq.s32 v36, $0xF;
	v62 =	vsel vm14, $0x0, v56;
	[tilespmem:s1+$0xDA80] =	vst v61  }
0x1f0: {  	v63 =	vsel vm15, $0x0, v58;
	[tilespmem:s1+$0xDB00] =	vst v62  }
0x1f1: {  	p2 =	por $0x0, $0x0;
	[tilespmem:s1+$0xDB80] =	vst v63;
	s1 =	simm.s32 $0x1  }
.Ltmp6:
0x1f2: {  	(pc) =	sbr.rel @p1 .LBB2_12-.Ltmp6, $4  }
0x1f3: {  	s1 =	rddreg [dreg:$0x3]  }
0x1f4: {  	s0 =	sshll.u32 s16, $0x6;
	s1 =	sadd.s32 s1, s17  }
0x1f5: {  	s29 =	simm.s32 $0xC800;
	s0 =	sadd.s32 s0, s1  }
0x1f6: {  	[hbm4b:s0+s4] =	stream.linear.scatter [tilespmem:s29], [sflag:$0x4], $0x4000, $0x38;
	[tilespmem:$0x10800] =	vst v63  }
0x1f7: {  	s0 =	sadd.s32 $0x3, s31  }
.Ltmp7:
0x1f8: {  	s1 =	sshrl.u32 s0, $0x4;
	s0 =	sshll.u32 s0, $0xB;
	(pc) =	sbr.rel .LBB2_2-.Ltmp7, $4  }
0x1f9: {  	s2 =	rddreg [dreg:$0x2];
	s1 =	sadd.s32 s5, s1;
	s0 =	sand.u32 $0x7800, s0  }
0x1fa: {  	s1 =	sshll.u32 s1, $0xF;
	s0 =	sadd.s32 s2, s0  }
0x1fb: {  	s31 =	simm.s32 $0x4800;
	s30 =	sadd.s32 $0x1, s30;
	s0 =	sadd.s32 s1, s0  }
0x1fc: {  	[tilespmem:s31], [sflag:$0x2] =	stream.linear.gather [hbm4b:s0+s4], $0x4000, $0x38;
	[tilespmem:$0x10800] =	vst v63  }
.LBB2_13:
0x1fd: {  	_ =	sfence.sel $0x180000  }
0x1fe: {  	[bflag:$0x0] =	sbarrier.arrive $0xFFFF  }
0x1ff: {  	_ =	strace $0x90000047  }
0x200: {  	s0 =	stileid.u32;
	[bflag:$0x2] =	sbarrier.arrive $0xFFFF  }
0x201: {  	p0 =	sne.s32 s0, $0x0;
	s0 =	rddreg [dreg:$0x4]  }
0x202: {  	s0 =	sadd.s32 @!p0 $0x100000, s0  }
0x203: {  	[sflag:s0] =	ssyncadd.tile.s32 @!p0 $0x1;
	_ =	shalt  }
.Lfunc_end2:
_tile_overlayer_lowered:
.L_overlay_start_2:
0x204: {  	(tag) =	ssettag $0x2  }
0x205: {  	s0 =	rddreg [dreg:$0x0];
	s2 =	stileid.u32  }
0x206: {  	s1 =	rddreg [dreg:$0x1];
	p0 =	sne.s32 s2, $0x0  }
0x207: {  	s3 =	rddreg [dreg:$0x2];
	[bflag:$0x3] =	sbarrier.arrive $0xFFFF;
	s2 =	simm.s32 @!p0 $0x1C05  }
0x208: {  	[timem:s3], [sflag:s2] =	dma.local @!p0 [hbm:s0], s1  }
0x209: {  	s0 =	simm.s32 @!p0 $0x5  }
0x20a: {  	_ =	swait.ge @!p0 [sflag:s0], s1  }
0x20b: {  	s1 =	ssub.s32 @!p0 $0x0, s1;
	[sflag:s0] =	ssyncset.done @!p0 $0x0  }
0x20c: {  	[sflag:s0] =	ssyncadd.s32 @!p0 s1  }
0x20d: {  	[bflag:$0x3] =	sbarrier.arrive $0xFFFF  }
0x20e: {  	_ =	shalt  }

</sc_bundles>
